<compile_context>
chip_gen: v7x
topology: tpu7x:2x2x1
jax: 0.10.2.dev20260603
libtpu: 0.0.44.dev20260713+nightly
codegen_flags: <defaults>
</compile_context>

<pallas_src>
import functools

import jax
import jax.numpy as jnp
from jax import lax
from jax.experimental import pallas as pl
from jax.experimental.pallas import tpu as pltpu
from jax.experimental.pallas import tpu_sc as plsc

SEQ_LEN = 4096
BATCH = 4
HIDDEN = 1024
LANES = 16
NUM_CORES = 2
NUM_SUBCORES = 16
NUM_WORKERS = NUM_CORES * NUM_SUBCORES
ROWS_TOTAL = SEQ_LEN * BATCH
ROWS_PER_WORKER = ROWS_TOTAL // NUM_WORKERS
GROUP = 32
NGROUPS = ROWS_PER_WORKER // GROUP
NSEM = 2
SEQ_PER_GROUP = GROUP // BATCH

_mesh = plsc.VectorSubcoreMesh(
    core_axis_name="c", subcore_axis_name="s",
    num_cores=NUM_CORES, num_subcores=NUM_SUBCORES,
)


@functools.partial(
    pl.kernel,
    out_type=jax.ShapeDtypeStruct((SEQ_LEN, BATCH, HIDDEN), jnp.float32),
    mesh=_mesh,
    scratch_types=[
        pltpu.VMEM((ROWS_PER_WORKER,), jnp.int32),
        pltpu.VMEM((2, HIDDEN), jnp.float32),
        pltpu.VMEM((SEQ_PER_GROUP, BATCH, HIDDEN), jnp.float32),
        pltpu.SemaphoreType.DMA,
        pltpu.SemaphoreType.DMA,
    ],
)
def _sc_lookup(idx_hbm, table_hbm, out_hbm, idx_v, table_v, dummy_v,
               ws0, ws1):
    wid = lax.axis_index("s") * NUM_CORES + lax.axis_index("c")
    pltpu.sync_copy(idx_hbm.at[pl.ds(wid * ROWS_PER_WORKER, ROWS_PER_WORKER)],
                    idx_v)
    pltpu.sync_copy(table_hbm, table_v)

    wsems = (ws0, ws1)
    seq0 = wid * (ROWS_PER_WORKER // BATCH)

    def drain_group(sem):
        pltpu.make_async_copy(
            dummy_v, out_hbm.at[pl.ds(seq0, SEQ_PER_GROUP)], sem).wait()

    def fire_group(g, sem):
        for h in range(GROUP // LANES):
            ids_vec = idx_v[pl.ds(g * GROUP + h * LANES, LANES)]
            for r in range(LANES):
                flat = h * LANES + r
                src = table_v.at[ids_vec[r]]
                dst = out_hbm.at[seq0 + g * SEQ_PER_GROUP + flat // BATCH,
                                 flat % BATCH]
                pltpu.async_copy(src, dst, sem)

    @pl.loop(0, NGROUPS, step=NSEM)
    def _(g0):
        for p in range(NSEM):
            g = g0 + p

            @pl.when(g >= NSEM)
            def _():
                drain_group(wsems[p])

            fire_group(g, wsems[p])

    for p in range(NSEM):
        drain_group(wsems[p])


def kernel(token_type_ids, segment_embedding_weight):
    ids = token_type_ids.reshape(ROWS_TOTAL).astype(jnp.int32)
    return _sc_lookup(ids, segment_embedding_weight)

# --- scband reference (transcript-rebuilt; emitter-appended) ---
"""Pipeline reference for scband-segment-embedding-77678778515966 (READ-ONLY COPY).

The authoritative reference and input builder live on the scoring server;
editing this copy changes nothing except your own understanding.
"""

import jax, jax.numpy as jnp
import numpy as np

TYPE_VOCAB_SIZE = 2
HIDDEN_SIZE = 1024
SEQ_LEN = 4096
BATCH = 4

def setup_inputs(seed: int = 0) -> dict:
    key = jax.random.key(seed)
    k1, k2 = jax.random.split(key)
    token_type_ids = jax.random.randint(k1, (SEQ_LEN, BATCH), 0, TYPE_VOCAB_SIZE, dtype=jnp.int64 if jax.config.read('jax_enable_x64') else jnp.int32)
    segment_embedding_weight = jax.random.normal(k2, (TYPE_VOCAB_SIZE, HIDDEN_SIZE), dtype=jnp.float32) * 0.02
    return {"token_type_ids": token_type_ids, "segment_embedding_weight": segment_embedding_weight}

def reference(token_type_ids, segment_embedding_weight):
    # nn.Embedding lookup: [token_type_ids_len, batch_size] -> [token_type_ids_len, batch_size, hidden_size]
    return jnp.take(segment_embedding_weight, token_type_ids, axis=0)

if __name__ == "__main__":
    import jax
    _d = setup_inputs()
    print(jax.jit(kernel)(*tuple(_d.values())))

</pallas_src>

<mosaic_0001>
#map = affine_map<(d0, d1) -> (0)>
#map1 = affine_map<(d0, d1) -> (0, 0)>
#map2 = affine_map<(d0, d1) -> (0, 0, 0)>
module attributes {stable_mosaic.version = 14 : i64} {
  func.func @_sc_lookup(%arg0: i32, %arg1: i32, %arg2: memref<16384xi32, #tpu.memory_space<hbm>>, %arg3: memref<2x1024xf32, #tpu.memory_space<hbm>>, %arg4: memref<4096x4x1024xf32, #tpu.memory_space<hbm>>, %arg5: memref<512xi32, #tpu.memory_space<vmem>>, %arg6: memref<2x1024xf32, #tpu.memory_space<vmem>>, %arg7: memref<8x4x1024xf32, #tpu.memory_space<vmem>>, %arg8: memref<!tpu.dma_semaphore, #tpu.memory_space<semaphore_mem>>, %arg9: memref<!tpu.dma_semaphore, #tpu.memory_space<semaphore_mem>>) attributes {dimension_semantics = [#tpu.dimension_semantics<core_parallel>, #tpu.dimension_semantics<subcore_parallel>], iteration_bounds = array<i64: 2, 16>, scalar_prefetch = 0 : i64, scratch_operands = 5 : i64, tpu.core_type = #tpu.core_type<sc_vector_subcore>, window_params = [{transform_indices = #map}, {transform_indices = #map1}, {transform_indices = #map2}]} {
    %mul3A = arith.constant 2 : i32
    %mul3A_0 = arith.muli %arg1, %mul3A : i32
    %add3A = arith.addi %mul3A_0, %arg0 : i32
    %mul3A_1 = arith.constant 512 : i32
    %mul3A_2 = arith.muli %add3A, %mul3A_1 : i32
    "tpu.region"() ({
      %run_scoped3A = tpu.sem_alloc : memref<!tpu.dma_semaphore, #tpu.memory_space<semaphore_mem>>
      %dma_start3A = tpu.memref_slice %arg2[%mul3A_2] : memref<16384xi32, #tpu.memory_space<hbm>> -> memref<512xi32, #tpu.memory_space<hbm>>
      %dma_start3A_20 = tpu.memref_slice %arg2[%mul3A_2] : memref<16384xi32, #tpu.memory_space<hbm>> -> memref<512xi32, #tpu.memory_space<hbm>>
      tpu.enqueue_dma source(%dma_start3A_20 : memref<512xi32, #tpu.memory_space<hbm>>) target(%arg5 : memref<512xi32, #tpu.memory_space<vmem>>) target_semaphore(%run_scoped3A : memref<!tpu.dma_semaphore, #tpu.memory_space<semaphore_mem>>)
      %dma_wait3A_21 = tpu.memref_slice %arg2[%mul3A_2] : memref<16384xi32, #tpu.memory_space<hbm>> -> memref<512xi32, #tpu.memory_space<hbm>>
      %dma_wait3A_22 = tpu.memref_slice %arg2[%mul3A_2] : memref<16384xi32, #tpu.memory_space<hbm>> -> memref<512xi32, #tpu.memory_space<hbm>>
      tpu.wait_dma2 semaphore(%run_scoped3A : memref<!tpu.dma_semaphore, #tpu.memory_space<semaphore_mem>>) src(%dma_wait3A_22 : memref<512xi32, #tpu.memory_space<hbm>>) dst(%arg5 : memref<512xi32, #tpu.memory_space<vmem>>)
      tpu.yield
    }) : () -> ()
    "tpu.region"() ({
      %run_scoped3A = tpu.sem_alloc : memref<!tpu.dma_semaphore, #tpu.memory_space<semaphore_mem>>
      tpu.enqueue_dma source(%arg3 : memref<2x1024xf32, #tpu.memory_space<hbm>>) target(%arg6 : memref<2x1024xf32, #tpu.memory_space<vmem>>) target_semaphore(%run_scoped3A : memref<!tpu.dma_semaphore, #tpu.memory_space<semaphore_mem>>)
      tpu.wait_dma2 semaphore(%run_scoped3A : memref<!tpu.dma_semaphore, #tpu.memory_space<semaphore_mem>>) src(%arg3 : memref<2x1024xf32, #tpu.memory_space<hbm>>) dst(%arg6 : memref<2x1024xf32, #tpu.memory_space<vmem>>)
      tpu.yield
    }) : () -> ()
    %mul3A_3 = arith.constant 128 : i32
    %mul3A_4 = arith.muli %add3A, %mul3A_3 : i32
    %scan3A = arith.constant 0 : i32
    %scan3A_5 = arith.constant 8 : i32
    %scan3A_6 = arith.addi %scan3A, %scan3A_5 : i32
    %scan3A_7 = arith.constant 1 : i32
    scf.for %scan3A_20 = %scan3A to %scan3A_6 step %scan3A_7  : i32 {
      %mul3A_21 = arith.constant 2 : i32
      %mul3A_22 = arith.muli %scan3A_20, %mul3A_21 : i32
      %add3A_23 = arith.constant 0 : i32
      %add3A_24 = arith.addi %add3A_23, %mul3A_22 : i32
      %add3A_25 = arith.constant 0 : i32
      %add3A_26 = arith.addi %add3A_24, %add3A_25 : i32
      %ge3A = arith.constant 2 : i32
      %ge3A_27 = arith.cmpi sge, %add3A_26, %ge3A : i32
      %convert_element_type3A = arith.extui %ge3A_27 : i1 to i32
      %cond3A = arith.constant 0 : i32
      %cond3A_28 = arith.cmpi ne, %convert_element_type3A, %cond3A : i32
      scf.if %cond3A_28 {
        %dma_wait3A_1340 = arith.constant 0 : i32
        %dma_wait3A_1341 = arith.constant 0 : i32
        %dma_wait3A_1342 = tpu.memref_slice %arg4[%mul3A_4, %dma_wait3A_1340, %dma_wait3A_1341] : memref<4096x4x1024xf32, #tpu.memory_space<hbm>> -> memref<8x4x1024xf32, #tpu.memory_space<hbm>>
        %dma_wait3A_1343 = arith.constant 0 : i32
        %dma_wait3A_1344 = arith.constant 0 : i32
        %dma_wait3A_1345 = tpu.memref_slice %arg4[%mul3A_4, %dma_wait3A_1343, %dma_wait3A_1344] : memref<4096x4x1024xf32, #tpu.memory_space<hbm>> -> memref<8x4x1024xf32, #tpu.memory_space<hbm>>
        tpu.wait_dma2 semaphore(%arg8 : memref<!tpu.dma_semaphore, #tpu.memory_space<semaphore_mem>>) src(%arg7 : memref<8x4x1024xf32, #tpu.memory_space<vmem>>) dst(%dma_wait3A_1345 : memref<8x4x1024xf32, #tpu.memory_space<hbm>>)
      } else {
      }
      %mul3A_29 = arith.constant 32 : i32
      %mul3A_30 = arith.muli %add3A_26, %mul3A_29 : i32
      %add3A_31 = arith.constant 0 : i32
      %add3A_32 = arith.addi %mul3A_30, %add3A_31 : i32
      %get3A = arith.index_cast %add3A_32 : i32 to index
      %get3A_33 = tpu.vector_load %arg5[%get3A] {strides = array<i32>} : memref<512xi32, #tpu.memory_space<vmem>>, vector<16xi32>,
      %get3A_34 = vector.shape_cast %get3A_33 : vector<16xi32> to vector<16xi32>
      %slice3A = vector.extract_strided_slice %get3A_34 {offsets = [0], sizes = [1], strides = [1]} : vector<16xi32> to vector<1xi32>
      %squeeze3A = vector.extract %slice3A[0] : i32 from vector<1xi32>
      %mul3A_35 = arith.constant 8 : i32
      %mul3A_36 = arith.muli %add3A_26, %mul3A_35 : i32
      %add3A_37 = arith.addi %mul3A_4, %mul3A_36 : i32
      %add3A_38 = arith.constant 0 : i32
      %add3A_39 = arith.addi %add3A_37, %add3A_38 : i32
      %dma_start3A = arith.constant 0 : i32
      %dma_start3A_40 = arith.constant 0 : i32
      %dma_start3A_41 = tpu.memref_slice %arg6[%squeeze3A, %dma_start3A_40] : memref<2x1024xf32, #tpu.memory_space<vmem>> -> memref<1x1024xf32, #tpu.memory_space<vmem>>
      %dma_start3A_42 = tpu.memref_squeeze %dma_start3A_41 : memref<1x1024xf32, #tpu.memory_space<vmem>> -> memref<1024xf32, #tpu.memory_space<vmem>>
      %dma_start3A_43 = arith.constant 0 : i32
      %dma_start3A_44 = tpu.memref_slice %arg4[%add3A_39, %dma_start3A, %dma_start3A_43] : memref<4096x4x1024xf32, #tpu.memory_space<hbm>> -> memref<1x1x1024xf32, #tpu.memory_space<hbm>>
      %dma_start3A_45 = tpu.memref_squeeze %dma_start3A_44 : memref<1x1x1024xf32, #tpu.memory_space<hbm>> -> memref<1024xf32, #tpu.memory_space<hbm>>
      %dma_start3A_46 = arith.constant 0 : i32
      %dma_start3A_47 = tpu.memref_slice %arg4[%add3A_39, %dma_start3A, %dma_start3A_46] : memref<4096x4x1024xf32, #tpu.memory_space<hbm>> -> memref<1x1x1024xf32, #tpu.memory_space<hbm>>
      %dma_start3A_48 = tpu.memref_squeeze %dma_start3A_47 : memref<1x1x1024xf32, #tpu.memory_space<hbm>> -> memref<1024xf32, #tpu.memory_space<hbm>>
      %dma_start3A_49 = arith.constant 0 : i32
      %dma_start3A_50 = tpu.memref_slice %arg6[%squeeze3A, %dma_start3A_49] : memref<2x1024xf32, #tpu.memory_space<vmem>> -> memref<1x1024xf32, #tpu.memory_space<vmem>>
      %dma_start3A_51 = tpu.memref_squeeze %dma_start3A_50 : memref<1x1024xf32, #tpu.memory_space<vmem>> -> memref<1024xf32, #tpu.memory_space<vmem>>
      tpu.enqueue_dma source(%dma_start3A_51 : memref<1024xf32, #tpu.memory_space<vmem>>) target(%dma_start3A_48 : memref<1024xf32, #tpu.memory_space<hbm>>) target_semaphore(%arg8 : memref<!tpu.dma_semaphore, #tpu.memory_space<semaphore_mem>>)
      %slice3A_52 = vector.extract_strided_slice %get3A_34 {offsets = [1], sizes = [1], strides = [1]} : vector<16xi32> to vector<1xi32>
      %squeeze3A_53 = vector.extract %slice3A_52[0] : i32 from vector<1xi32>
      %mul3A_54 = arith.constant 8 : i32
      %mul3A_55 = arith.muli %add3A_26, %mul3A_54 : i32
      %add3A_56 = arith.addi %mul3A_4, %mul3A_55 : i32
      %add3A_57 = arith.constant 0 : i32
      %add3A_58 = arith.addi %add3A_56, %add3A_57 : i32
      %dma_start3A_59 = arith.constant 1 : i32
      %dma_start3A_60 = arith.constant 0 : i32
      %dma_start3A_61 = tpu.memref_slice %arg6[%squeeze3A_53, %dma_start3A_60] : memref<2x1024xf32, #tpu.memory_space<vmem>> -> memref<1x1024xf32, #tpu.memory_space<vmem>>
      %dma_start3A_62 = tpu.memref_squeeze %dma_start3A_61 : memref<1x1024xf32, #tpu.memory_space<vmem>> -> memref<1024xf32, #tpu.memory_space<vmem>>
      %dma_start3A_63 = arith.constant 0 : i32
      %dma_start3A_64 = tpu.memref_slice %arg4[%add3A_58, %dma_start3A_59, %dma_start3A_63] : memref<4096x4x1024xf32, #tpu.memory_space<hbm>> -> memref<1x1x1024xf32, #tpu.memory_space<hbm>>
      %dma_start3A_65 = tpu.memref_squeeze %dma_start3A_64 : memref<1x1x1024xf32, #tpu.memory_space<hbm>> -> memref<1024xf32, #tpu.memory_space<hbm>>
      %dma_start3A_66 = arith.constant 0 : i32
      %dma_start3A_67 = tpu.memref_slice %arg4[%add3A_58, %dma_start3A_59, %dma_start3A_66] : memref<4096x4x1024xf32, #tpu.memory_space<hbm>> -> memref<1x1x1024xf32, #tpu.memory_space<hbm>>
      %dma_start3A_68 = tpu.memref_squeeze %dma_start3A_67 : memref<1x1x1024xf32, #tpu.memory_space<hbm>> -> memref<1024xf32, #tpu.memory_space<hbm>>
      %dma_start3A_69 = arith.constant 0 : i32
      %dma_start3A_70 = tpu.memref_slice %arg6[%squeeze3A_53, %dma_start3A_69] : memref<2x1024xf32, #tpu.memory_space<vmem>> -> memref<1x1024xf32, #tpu.memory_space<vmem>>
      %dma_start3A_71 = tpu.memref_squeeze %dma_start3A_70 : memref<1x1024xf32, #tpu.memory_space<vmem>> -> memref<1024xf32, #tpu.memory_space<vmem>>
      tpu.enqueue_dma source(%dma_start3A_71 : memref<1024xf32, #tpu.memory_space<vmem>>) target(%dma_start3A_68 : memref<1024xf32, #tpu.memory_space<hbm>>) target_semaphore(%arg8 : memref<!tpu.dma_semaphore, #tpu.memory_space<semaphore_mem>>)
      %slice3A_72 = vector.extract_strided_slice %get3A_34 {offsets = [2], sizes = [1], strides = [1]} : vector<16xi32> to vector<1xi32>
      %squeeze3A_73 = vector.extract %slice3A_72[0] : i32 from vector<1xi32>
      %mul3A_74 = arith.constant 8 : i32
      %mul3A_75 = arith.muli %add3A_26, %mul3A_74 : i32
      %add3A_76 = arith.addi %mul3A_4, %mul3A_75 : i32
      %add3A_77 = arith.constant 0 : i32
      %add3A_78 = arith.addi %add3A_76, %add3A_77 : i32
      %dma_start3A_79 = arith.constant 2 : i32
      %dma_start3A_80 = arith.constant 0 : i32
      %dma_start3A_81 = tpu.memref_slice %arg6[%squeeze3A_73, %dma_start3A_80] : memref<2x1024xf32, #tpu.memory_space<vmem>> -> memref<1x1024xf32, #tpu.memory_space<vmem>>
      %dma_start3A_82 = tpu.memref_squeeze %dma_start3A_81 : memref<1x1024xf32, #tpu.memory_space<vmem>> -> memref<1024xf32, #tpu.memory_space<vmem>>
      %dma_start3A_83 = arith.constant 0 : i32
      %dma_start3A_84 = tpu.memref_slice %arg4[%add3A_78, %dma_start3A_79, %dma_start3A_83] : memref<4096x4x1024xf32, #tpu.memory_space<hbm>> -> memref<1x1x1024xf32, #tpu.memory_space<hbm>>
      %dma_start3A_85 = tpu.memref_squeeze %dma_start3A_84 : memref<1x1x1024xf32, #tpu.memory_space<hbm>> -> memref<1024xf32, #tpu.memory_space<hbm>>
      %dma_start3A_86 = arith.constant 0 : i32
      %dma_start3A_87 = tpu.memref_slice %arg4[%add3A_78, %dma_start3A_79, %dma_start3A_86] : memref<4096x4x1024xf32, #tpu.memory_space<hbm>> -> memref<1x1x1024xf32, #tpu.memory_space<hbm>>
      %dma_start3A_88 = tpu.memref_squeeze %dma_start3A_87 : memref<1x1x1024xf32, #tpu.memory_space<hbm>> -> memref<1024xf32, #tpu.memory_space<hbm>>
      %dma_start3A_89 = arith.constant 0 : i32
      %dma_start3A_90 = tpu.memref_slice %arg6[%squeeze3A_73, %dma_start3A_89] : memref<2x1024xf32, #tpu.memory_space<vmem>> -> memref<1x1024xf32, #tpu.memory_space<vmem>>
      %dma_start3A_91 = tpu.memref_squeeze %dma_start3A_90 : memref<1x1024xf32, #tpu.memory_space<vmem>> -> memref<1024xf32, #tpu.memory_space<vmem>>
      tpu.enqueue_dma source(%dma_start3A_91 : memref<1024xf32, #tpu.memory_space<vmem>>) target(%dma_start3A_88 : memref<1024xf32, #tpu.memory_space<hbm>>) target_semaphore(%arg8 : memref<!tpu.dma_semaphore, #tpu.memory_space<semaphore_mem>>)
      %slice3A_92 = vector.extract_strided_slice %get3A_34 {offsets = [3], sizes = [1], strides = [1]} : vector<16xi32> to vector<1xi32>
      %squeeze3A_93 = vector.extract %slice3A_92[0] : i32 from vector<1xi32>
      %mul3A_94 = arith.constant 8 : i32
      %mul3A_95 = arith.muli %add3A_26, %mul3A_94 : i32
      %add3A_96 = arith.addi %mul3A_4, %mul3A_95 : i32
      %add3A_97 = arith.constant 0 : i32
      %add3A_98 = arith.addi %add3A_96, %add3A_97 : i32
      %dma_start3A_99 = arith.constant 3 : i32
      %dma_start3A_100 = arith.constant 0 : i32
      %dma_start3A_101 = tpu.memref_slice %arg6[%squeeze3A_93, %dma_start3A_100] : memref<2x1024xf32, #tpu.memory_space<vmem>> -> memref<1x1024xf32, #tpu.memory_space<vmem>>
      %dma_start3A_102 = tpu.memref_squeeze %dma_start3A_101 : memref<1x1024xf32, #tpu.memory_space<vmem>> -> memref<1024xf32, #tpu.memory_space<vmem>>
      %dma_start3A_103 = arith.constant 0 : i32
      %dma_start3A_104 = tpu.memref_slice %arg4[%add3A_98, %dma_start3A_99, %dma_start3A_103] : memref<4096x4x1024xf32, #tpu.memory_space<hbm>> -> memref<1x1x1024xf32, #tpu.memory_space<hbm>>
      %dma_start3A_105 = tpu.memref_squeeze %dma_start3A_104 : memref<1x1x1024xf32, #tpu.memory_space<hbm>> -> memref<1024xf32, #tpu.memory_space<hbm>>
      %dma_start3A_106 = arith.constant 0 : i32
      %dma_start3A_107 = tpu.memref_slice %arg4[%add3A_98, %dma_start3A_99, %dma_start3A_106] : memref<4096x4x1024xf32, #tpu.memory_space<hbm>> -> memref<1x1x1024xf32, #tpu.memory_space<hbm>>
      %dma_start3A_108 = tpu.memref_squeeze %dma_start3A_107 : memref<1x1x1024xf32, #tpu.memory_space<hbm>> -> memref<1024xf32, #tpu.memory_space<hbm>>
      %dma_start3A_109 = arith.constant 0 : i32
      %dma_start3A_110 = tpu.memref_slice %arg6[%squeeze3A_93, %dma_start3A_109] : memref<2x1024xf32, #tpu.memory_space<vmem>> -> memref<1x1024xf32, #tpu.memory_space<vmem>>
      %dma_start3A_111 = tpu.memref_squeeze %dma_start3A_110 : memref<1x1024xf32, #tpu.memory_space<vmem>> -> memref<1024xf32, #tpu.memory_space<vmem>>
      tpu.enqueue_dma source(%dma_start3A_111 : memref<1024xf32, #tpu.memory_space<vmem>>) target(%dma_start3A_108 : memref<1024xf32, #tpu.memory_space<hbm>>) target_semaphore(%arg8 : memref<!tpu.dma_semaphore, #tpu.memory_space<semaphore_mem>>)
      %slice3A_112 = vector.extract_strided_slice %get3A_34 {offsets = [4], sizes = [1], strides = [1]} : vector<16xi32> to vector<1xi32>
      %squeeze3A_113 = vector.extract %slice3A_112[0] : i32 from vector<1xi32>
      %mul3A_114 = arith.constant 8 : i32
      %mul3A_115 = arith.muli %add3A_26, %mul3A_114 : i32
      %add3A_116 = arith.addi %mul3A_4, %mul3A_115 : i32
      %add3A_117 = arith.constant 1 : i32
      %add3A_118 = arith.addi %add3A_116, %add3A_117 : i32
      %dma_start3A_119 = arith.constant 0 : i32
      %dma_start3A_120 = arith.constant 0 : i32
      %dma_start3A_121 = tpu.memref_slice %arg6[%squeeze3A_113, %dma_start3A_120] : memref<2x1024xf32, #tpu.memory_space<vmem>> -> memref<1x1024xf32, #tpu.memory_space<vmem>>
      %dma_start3A_122 = tpu.memref_squeeze %dma_start3A_121 : memref<1x1024xf32, #tpu.memory_space<vmem>> -> memref<1024xf32, #tpu.memory_space<vmem>>
      %dma_start3A_123 = arith.constant 0 : i32
      %dma_start3A_124 = tpu.memref_slice %arg4[%add3A_118, %dma_start3A_119, %dma_start3A_123] : memref<4096x4x1024xf32, #tpu.memory_space<hbm>> -> memref<1x1x1024xf32, #tpu.memory_space<hbm>>
      %dma_start3A_125 = tpu.memref_squeeze %dma_start3A_124 : memref<1x1x1024xf32, #tpu.memory_space<hbm>> -> memref<1024xf32, #tpu.memory_space<hbm>>
      %dma_start3A_126 = arith.constant 0 : i32
      %dma_start3A_127 = tpu.memref_slice %arg4[%add3A_118, %dma_start3A_119, %dma_start3A_126] : memref<4096x4x1024xf32, #tpu.memory_space<hbm>> -> memref<1x1x1024xf32, #tpu.memory_space<hbm>>
      %dma_start3A_128 = tpu.memref_squeeze %dma_start3A_127 : memref<1x1x1024xf32, #tpu.memory_space<hbm>> -> memref<1024xf32, #tpu.memory_space<hbm>>
      %dma_start3A_129 = arith.constant 0 : i32
      %dma_start3A_130 = tpu.memref_slice %arg6[%squeeze3A_113, %dma_start3A_129] : memref<2x1024xf32, #tpu.memory_space<vmem>> -> memref<1x1024xf32, #tpu.memory_space<vmem>>
      %dma_start3A_131 = tpu.memref_squeeze %dma_start3A_130 : memref<1x1024xf32, #tpu.memory_space<vmem>> -> memref<1024xf32, #tpu.memory_space<vmem>>
      tpu.enqueue_dma source(%dma_start3A_131 : memref<1024xf32, #tpu.memory_space<vmem>>) target(%dma_start3A_128 : memref<1024xf32, #tpu.memory_space<hbm>>) target_semaphore(%arg8 : memref<!tpu.dma_semaphore, #tpu.memory_space<semaphore_mem>>)
      %slice3A_132 = vector.extract_strided_slice %get3A_34 {offsets = [5], sizes = [1], strides = [1]} : vector<16xi32> to vector<1xi32>
      %squeeze3A_133 = vector.extract %slice3A_132[0] : i32 from vector<1xi32>
      %mul3A_134 = arith.constant 8 : i32
      %mul3A_135 = arith.muli %add3A_26, %mul3A_134 : i32
      %add3A_136 = arith.addi %mul3A_4, %mul3A_135 : i32
      %add3A_137 = arith.constant 1 : i32
      %add3A_138 = arith.addi %add3A_136, %add3A_137 : i32
      %dma_start3A_139 = arith.constant 1 : i32
      %dma_start3A_140 = arith.constant 0 : i32
      %dma_start3A_141 = tpu.memref_slice %arg6[%squeeze3A_133, %dma_start3A_140] : memref<2x1024xf32, #tpu.memory_space<vmem>> -> memref<1x1024xf32, #tpu.memory_space<vmem>>
      %dma_start3A_142 = tpu.memref_squeeze %dma_start3A_141 : memref<1x1024xf32, #tpu.memory_space<vmem>> -> memref<1024xf32, #tpu.memory_space<vmem>>
      %dma_start3A_143 = arith.constant 0 : i32
      %dma_start3A_144 = tpu.memref_slice %arg4[%add3A_138, %dma_start3A_139, %dma_start3A_143] : memref<4096x4x1024xf32, #tpu.memory_space<hbm>> -> memref<1x1x1024xf32, #tpu.memory_space<hbm>>
      %dma_start3A_145 = tpu.memref_squeeze %dma_start3A_144 : memref<1x1x1024xf32, #tpu.memory_space<hbm>> -> memref<1024xf32, #tpu.memory_space<hbm>>
      %dma_start3A_146 = arith.constant 0 : i32
      %dma_start3A_147 = tpu.memref_slice %arg4[%add3A_138, %dma_start3A_139, %dma_start3A_146] : memref<4096x4x1024xf32, #tpu.memory_space<hbm>> -> memref<1x1x1024xf32, #tpu.memory_space<hbm>>
      %dma_start3A_148 = tpu.memref_squeeze %dma_start3A_147 : memref<1x1x1024xf32, #tpu.memory_space<hbm>> -> memref<1024xf32, #tpu.memory_space<hbm>>
      %dma_start3A_149 = arith.constant 0 : i32
      %dma_start3A_150 = tpu.memref_slice %arg6[%squeeze3A_133, %dma_start3A_149] : memref<2x1024xf32, #tpu.memory_space<vmem>> -> memref<1x1024xf32, #tpu.memory_space<vmem>>
      %dma_start3A_151 = tpu.memref_squeeze %dma_start3A_150 : memref<1x1024xf32, #tpu.memory_space<vmem>> -> memref<1024xf32, #tpu.memory_space<vmem>>
      tpu.enqueue_dma source(%dma_start3A_151 : memref<1024xf32, #tpu.memory_space<vmem>>) target(%dma_start3A_148 : memref<1024xf32, #tpu.memory_space<hbm>>) target_semaphore(%arg8 : memref<!tpu.dma_semaphore, #tpu.memory_space<semaphore_mem>>)
      %slice3A_152 = vector.extract_strided_slice %get3A_34 {offsets = [6], sizes = [1], strides = [1]} : vector<16xi32> to vector<1xi32>
      %squeeze3A_153 = vector.extract %slice3A_152[0] : i32 from vector<1xi32>
      %mul3A_154 = arith.constant 8 : i32
      %mul3A_155 = arith.muli %add3A_26, %mul3A_154 : i32
      %add3A_156 = arith.addi %mul3A_4, %mul3A_155 : i32
      %add3A_157 = arith.constant 1 : i32
      %add3A_158 = arith.addi %add3A_156, %add3A_157 : i32
      %dma_start3A_159 = arith.constant 2 : i32
      %dma_start3A_160 = arith.constant 0 : i32
      %dma_start3A_161 = tpu.memref_slice %arg6[%squeeze3A_153, %dma_start3A_160] : memref<2x1024xf32, #tpu.memory_space<vmem>> -> memref<1x1024xf32, #tpu.memory_space<vmem>>
      %dma_start3A_162 = tpu.memref_squeeze %dma_start3A_161 : memref<1x1024xf32, #tpu.memory_space<vmem>> -> memref<1024xf32, #tpu.memory_space<vmem>>
      %dma_start3A_163 = arith.constant 0 : i32
      %dma_start3A_164 = tpu.memref_slice %arg4[%add3A_158, %dma_start3A_159, %dma_start3A_163] : memref<4096x4x1024xf32, #tpu.memory_space<hbm>> -> memref<1x1x1024xf32, #tpu.memory_space<hbm>>
      %dma_start3A_165 = tpu.memref_squeeze %dma_start3A_164 : memref<1x1x1024xf32, #tpu.memory_space<hbm>> -> memref<1024xf32, #tpu.memory_space<hbm>>
      %dma_start3A_166 = arith.constant 0 : i32
      %dma_start3A_167 = tpu.memref_slice %arg4[%add3A_158, %dma_start3A_159, %dma_start3A_166] : memref<4096x4x1024xf32, #tpu.memory_space<hbm>> -> memref<1x1x1024xf32, #tpu.memory_space<hbm>>
      %dma_start3A_168 = tpu.memref_squeeze %dma_start3A_167 : memref<1x1x1024xf32, #tpu.memory_space<hbm>> -> memref<1024xf32, #tpu.memory_space<hbm>>
      %dma_start3A_169 = arith.constant 0 : i32
      %dma_start3A_170 = tpu.memref_slice %arg6[%squeeze3A_153, %dma_start3A_169] : memref<2x1024xf32, #tpu.memory_space<vmem>> -> memref<1x1024xf32, #tpu.memory_space<vmem>>
      %dma_start3A_171 = tpu.memref_squeeze %dma_start3A_170 : memref<1x1024xf32, #tpu.memory_space<vmem>> -> memref<1024xf32, #tpu.memory_space<vmem>>
      tpu.enqueue_dma source(%dma_start3A_171 : memref<1024xf32, #tpu.memory_space<vmem>>) target(%dma_start3A_168 : memref<1024xf32, #tpu.memory_space<hbm>>) target_semaphore(%arg8 : memref<!tpu.dma_semaphore, #tpu.memory_space<semaphore_mem>>)
      %slice3A_172 = vector.extract_strided_slice %get3A_34 {offsets = [7], sizes = [1], strides = [1]} : vector<16xi32> to vector<1xi32>
      %squeeze3A_173 = vector.extract %slice3A_172[0] : i32 from vector<1xi32>
      %mul3A_174 = arith.constant 8 : i32
      %mul3A_175 = arith.muli %add3A_26, %mul3A_174 : i32
      %add3A_176 = arith.addi %mul3A_4, %mul3A_175 : i32
      %add3A_177 = arith.constant 1 : i32
      %add3A_178 = arith.addi %add3A_176, %add3A_177 : i32
      %dma_start3A_179 = arith.constant 3 : i32
      %dma_start3A_180 = arith.constant 0 : i32
      %dma_start3A_181 = tpu.memref_slice %arg6[%squeeze3A_173, %dma_start3A_180] : memref<2x1024xf32, #tpu.memory_space<vmem>> -> memref<1x1024xf32, #tpu.memory_space<vmem>>
      %dma_start3A_182 = tpu.memref_squeeze %dma_start3A_181 : memref<1x1024xf32, #tpu.memory_space<vmem>> -> memref<1024xf32, #tpu.memory_space<vmem>>
      %dma_start3A_183 = arith.constant 0 : i32
      %dma_start3A_184 = tpu.memref_slice %arg4[%add3A_178, %dma_start3A_179, %dma_start3A_183] : memref<4096x4x1024xf32, #tpu.memory_space<hbm>> -> memref<1x1x1024xf32, #tpu.memory_space<hbm>>
      %dma_start3A_185 = tpu.memref_squeeze %dma_start3A_184 : memref<1x1x1024xf32, #tpu.memory_space<hbm>> -> memref<1024xf32, #tpu.memory_space<hbm>>
      %dma_start3A_186 = arith.constant 0 : i32
      %dma_start3A_187 = tpu.memref_slice %arg4[%add3A_178, %dma_start3A_179, %dma_start3A_186] : memref<4096x4x1024xf32, #tpu.memory_space<hbm>> -> memref<1x1x1024xf32, #tpu.memory_space<hbm>>
      %dma_start3A_188 = tpu.memref_squeeze %dma_start3A_187 : memref<1x1x1024xf32, #tpu.memory_space<hbm>> -> memref<1024xf32, #tpu.memory_space<hbm>>
      %dma_start3A_189 = arith.constant 0 : i32
      %dma_start3A_190 = tpu.memref_slice %arg6[%squeeze3A_173, %dma_start3A_189] : memref<2x1024xf32, #tpu.memory_space<vmem>> -> memref<1x1024xf32, #tpu.memory_space<vmem>>
      %dma_start3A_191 = tpu.memref_squeeze %dma_start3A_190 : memref<1x1024xf32, #tpu.memory_space<vmem>> -> memref<1024xf32, #tpu.memory_space<vmem>>
      tpu.enqueue_dma source(%dma_start3A_191 : memref<1024xf32, #tpu.memory_space<vmem>>) target(%dma_start3A_188 : memref<1024xf32, #tpu.memory_space<hbm>>) target_semaphore(%arg8 : memref<!tpu.dma_semaphore, #tpu.memory_space<semaphore_mem>>)
      %slice3A_192 = vector.extract_strided_slice %get3A_34 {offsets = [8], sizes = [1], strides = [1]} : vector<16xi32> to vector<1xi32>
      %squeeze3A_193 = vector.extract %slice3A_192[0] : i32 from vector<1xi32>
      %mul3A_194 = arith.constant 8 : i32
      %mul3A_195 = arith.muli %add3A_26, %mul3A_194 : i32
      %add3A_196 = arith.addi %mul3A_4, %mul3A_195 : i32
      %add3A_197 = arith.constant 2 : i32
      %add3A_198 = arith.addi %add3A_196, %add3A_197 : i32
      %dma_start3A_199 = arith.constant 0 : i32
      %dma_start3A_200 = arith.constant 0 : i32
      %dma_start3A_201 = tpu.memref_slice %arg6[%squeeze3A_193, %dma_start3A_200] : memref<2x1024xf32, #tpu.memory_space<vmem>> -> memref<1x1024xf32, #tpu.memory_space<vmem>>
      %dma_start3A_202 = tpu.memref_squeeze %dma_start3A_201 : memref<1x1024xf32, #tpu.memory_space<vmem>> -> memref<1024xf32, #tpu.memory_space<vmem>>
      %dma_start3A_203 = arith.constant 0 : i32
      %dma_start3A_204 = tpu.memref_slice %arg4[%add3A_198, %dma_start3A_199, %dma_start3A_203] : memref<4096x4x1024xf32, #tpu.memory_space<hbm>> -> memref<1x1x1024xf32, #tpu.memory_space<hbm>>
      %dma_start3A_205 = tpu.memref_squeeze %dma_start3A_204 : memref<1x1x1024xf32, #tpu.memory_space<hbm>> -> memref<1024xf32, #tpu.memory_space<hbm>>
      %dma_start3A_206 = arith.constant 0 : i32
      %dma_start3A_207 = tpu.memref_slice %arg4[%add3A_198, %dma_start3A_199, %dma_start3A_206] : memref<4096x4x1024xf32, #tpu.memory_space<hbm>> -> memref<1x1x1024xf32, #tpu.memory_space<hbm>>
      %dma_start3A_208 = tpu.memref_squeeze %dma_start3A_207 : memref<1x1x1024xf32, #tpu.memory_space<hbm>> -> memref<1024xf32, #tpu.memory_space<hbm>>
      %dma_start3A_209 = arith.constant 0 : i32
      %dma_start3A_210 = tpu.memref_slice %arg6[%squeeze3A_193, %dma_start3A_209] : memref<2x1024xf32, #tpu.memory_space<vmem>> -> memref<1x1024xf32, #tpu.memory_space<vmem>>
      %dma_start3A_211 = tpu.memref_squeeze %dma_start3A_210 : memref<1x1024xf32, #tpu.memory_space<vmem>> -> memref<1024xf32, #tpu.memory_space<vmem>>
      tpu.enqueue_dma source(%dma_start3A_211 : memref<1024xf32, #tpu.memory_space<vmem>>) target(%dma_start3A_208 : memref<1024xf32, #tpu.memory_space<hbm>>) target_semaphore(%arg8 : memref<!tpu.dma_semaphore, #tpu.memory_space<semaphore_mem>>)
      %slice3A_212 = vector.extract_strided_slice %get3A_34 {offsets = [9], sizes = [1], strides = [1]} : vector<16xi32> to vector<1xi32>
      %squeeze3A_213 = vector.extract %slice3A_212[0] : i32 from vector<1xi32>
      %mul3A_214 = arith.constant 8 : i32
      %mul3A_215 = arith.muli %add3A_26, %mul3A_214 : i32
      %add3A_216 = arith.addi %mul3A_4, %mul3A_215 : i32
      %add3A_217 = arith.constant 2 : i32
      %add3A_218 = arith.addi %add3A_216, %add3A_217 : i32
      %dma_start3A_219 = arith.constant 1 : i32
      %dma_start3A_220 = arith.constant 0 : i32
      %dma_start3A_221 = tpu.memref_slice %arg6[%squeeze3A_213, %dma_start3A_220] : memref<2x1024xf32, #tpu.memory_space<vmem>> -> memref<1x1024xf32, #tpu.memory_space<vmem>>
      %dma_start3A_222 = tpu.memref_squeeze %dma_start3A_221 : memref<1x1024xf32, #tpu.memory_space<vmem>> -> memref<1024xf32, #tpu.memory_space<vmem>>
      %dma_start3A_223 = arith.constant 0 : i32
      %dma_start3A_224 = tpu.memref_slice %arg4[%add3A_218, %dma_start3A_219, %dma_start3A_223] : memref<4096x4x1024xf32, #tpu.memory_space<hbm>> -> memref<1x1x1024xf32, #tpu.memory_space<hbm>>
      %dma_start3A_225 = tpu.memref_squeeze %dma_start3A_224 : memref<1x1x1024xf32, #tpu.memory_space<hbm>> -> memref<1024xf32, #tpu.memory_space<hbm>>
      %dma_start3A_226 = arith.constant 0 : i32
      %dma_start3A_227 = tpu.memref_slice %arg4[%add3A_218, %dma_start3A_219, %dma_start3A_226] : memref<4096x4x1024xf32, #tpu.memory_space<hbm>> -> memref<1x1x1024xf32, #tpu.memory_space<hbm>>
      %dma_start3A_228 = tpu.memref_squeeze %dma_start3A_227 : memref<1x1x1024xf32, #tpu.memory_space<hbm>> -> memref<1024xf32, #tpu.memory_space<hbm>>
      %dma_start3A_229 = arith.constant 0 : i32
      %dma_start3A_230 = tpu.memref_slice %arg6[%squeeze3A_213, %dma_start3A_229] : memref<2x1024xf32, #tpu.memory_space<vmem>> -> memref<1x1024xf32, #tpu.memory_space<vmem>>
      %dma_start3A_231 = tpu.memref_squeeze %dma_start3A_230 : memref<1x1024xf32, #tpu.memory_space<vmem>> -> memref<1024xf32, #tpu.memory_space<vmem>>
      tpu.enqueue_dma source(%dma_start3A_231 : memref<1024xf32, #tpu.memory_space<vmem>>) target(%dma_start3A_228 : memref<1024xf32, #tpu.memory_space<hbm>>) target_semaphore(%arg8 : memref<!tpu.dma_semaphore, #tpu.memory_space<semaphore_mem>>)
      %slice3A_232 = vector.extract_strided_slice %get3A_34 {offsets = [10], sizes = [1], strides = [1]} : vector<16xi32> to vector<1xi32>
      %squeeze3A_233 = vector.extract %slice3A_232[0] : i32 from vector<1xi32>
      %mul3A_234 = arith.constant 8 : i32
      %mul3A_235 = arith.muli %add3A_26, %mul3A_234 : i32
      %add3A_236 = arith.addi %mul3A_4, %mul3A_235 : i32
      %add3A_237 = arith.constant 2 : i32
      %add3A_238 = arith.addi %add3A_236, %add3A_237 : i32
      %dma_start3A_239 = arith.constant 2 : i32
      %dma_start3A_240 = arith.constant 0 : i32
      %dma_start3A_241 = tpu.memref_slice %arg6[%squeeze3A_233, %dma_start3A_240] : memref<2x1024xf32, #tpu.memory_space<vmem>> -> memref<1x1024xf32, #tpu.memory_space<vmem>>
      %dma_start3A_242 = tpu.memref_squeeze %dma_start3A_241 : memref<1x1024xf32, #tpu.memory_space<vmem>> -> memref<1024xf32, #tpu.memory_space<vmem>>
      %dma_start3A_243 = arith.constant 0 : i32
      %dma_start3A_244 = tpu.memref_slice %arg4[%add3A_238, %dma_start3A_239, %dma_start3A_243] : memref<4096x4x1024xf32, #tpu.memory_space<hbm>> -> memref<1x1x1024xf32, #tpu.memory_space<hbm>>
      %dma_start3A_245 = tpu.memref_squeeze %dma_start3A_244 : memref<1x1x1024xf32, #tpu.memory_space<hbm>> -> memref<1024xf32, #tpu.memory_space<hbm>>
      %dma_start3A_246 = arith.constant 0 : i32
      %dma_start3A_247 = tpu.memref_slice %arg4[%add3A_238, %dma_start3A_239, %dma_start3A_246] : memref<4096x4x1024xf32, #tpu.memory_space<hbm>> -> memref<1x1x1024xf32, #tpu.memory_space<hbm>>
      %dma_start3A_248 = tpu.memref_squeeze %dma_start3A_247 : memref<1x1x1024xf32, #tpu.memory_space<hbm>> -> memref<1024xf32, #tpu.memory_space<hbm>>
      %dma_start3A_249 = arith.constant 0 : i32
      %dma_start3A_250 = tpu.memref_slice %arg6[%squeeze3A_233, %dma_start3A_249] : memref<2x1024xf32, #tpu.memory_space<vmem>> -> memref<1x1024xf32, #tpu.memory_space<vmem>>
      %dma_start3A_251 = tpu.memref_squeeze %dma_start3A_250 : memref<1x1024xf32, #tpu.memory_space<vmem>> -> memref<1024xf32, #tpu.memory_space<vmem>>
      tpu.enqueue_dma source(%dma_start3A_251 : memref<1024xf32, #tpu.memory_space<vmem>>) target(%dma_start3A_248 : memref<1024xf32, #tpu.memory_space<hbm>>) target_semaphore(%arg8 : memref<!tpu.dma_semaphore, #tpu.memory_space<semaphore_mem>>)
      %slice3A_252 = vector.extract_strided_slice %get3A_34 {offsets = [11], sizes = [1], strides = [1]} : vector<16xi32> to vector<1xi32>
      %squeeze3A_253 = vector.extract %slice3A_252[0] : i32 from vector<1xi32>
      %mul3A_254 = arith.constant 8 : i32
      %mul3A_255 = arith.muli %add3A_26, %mul3A_254 : i32
      %add3A_256 = arith.addi %mul3A_4, %mul3A_255 : i32
      %add3A_257 = arith.constant 2 : i32
      %add3A_258 = arith.addi %add3A_256, %add3A_257 : i32
      %dma_start3A_259 = arith.constant 3 : i32
      %dma_start3A_260 = arith.constant 0 : i32
      %dma_start3A_261 = tpu.memref_slice %arg6[%squeeze3A_253, %dma_start3A_260] : memref<2x1024xf32, #tpu.memory_space<vmem>> -> memref<1x1024xf32, #tpu.memory_space<vmem>>
      %dma_start3A_262 = tpu.memref_squeeze %dma_start3A_261 : memref<1x1024xf32, #tpu.memory_space<vmem>> -> memref<1024xf32, #tpu.memory_space<vmem>>
      %dma_start3A_263 = arith.constant 0 : i32
      %dma_start3A_264 = tpu.memref_slice %arg4[%add3A_258, %dma_start3A_259, %dma_start3A_263] : memref<4096x4x1024xf32, #tpu.memory_space<hbm>> -> memref<1x1x1024xf32, #tpu.memory_space<hbm>>
      %dma_start3A_265 = tpu.memref_squeeze %dma_start3A_264 : memref<1x1x1024xf32, #tpu.memory_space<hbm>> -> memref<1024xf32, #tpu.memory_space<hbm>>
      %dma_start3A_266 = arith.constant 0 : i32
      %dma_start3A_267 = tpu.memref_slice %arg4[%add3A_258, %dma_start3A_259, %dma_start3A_266] : memref<4096x4x1024xf32, #tpu.memory_space<hbm>> -> memref<1x1x1024xf32, #tpu.memory_space<hbm>>
      %dma_start3A_268 = tpu.memref_squeeze %dma_start3A_267 : memref<1x1x1024xf32, #tpu.memory_space<hbm>> -> memref<1024xf32, #tpu.memory_space<hbm>>
      %dma_start3A_269 = arith.constant 0 : i32
      %dma_start3A_270 = tpu.memref_slice %arg6[%squeeze3A_253, %dma_start3A_269] : memref<2x1024xf32, #tpu.memory_space<vmem>> -> memref<1x1024xf32, #tpu.memory_space<vmem>>
      %dma_start3A_271 = tpu.memref_squeeze %dma_start3A_270 : memref<1x1024xf32, #tpu.memory_space<vmem>> -> memref<1024xf32, #tpu.memory_space<vmem>>
      tpu.enqueue_dma source(%dma_start3A_271 : memref<1024xf32, #tpu.memory_space<vmem>>) target(%dma_start3A_268 : memref<1024xf32, #tpu.memory_space<hbm>>) target_semaphore(%arg8 : memref<!tpu.dma_semaphore, #tpu.memory_space<semaphore_mem>>)
      %slice3A_272 = vector.extract_strided_slice %get3A_34 {offsets = [12], sizes = [1], strides = [1]} : vector<16xi32> to vector<1xi32>
      %squeeze3A_273 = vector.extract %slice3A_272[0] : i32 from vector<1xi32>
      %mul3A_274 = arith.constant 8 : i32
      %mul3A_275 = arith.muli %add3A_26, %mul3A_274 : i32
      %add3A_276 = arith.addi %mul3A_4, %mul3A_275 : i32
      %add3A_277 = arith.constant 3 : i32
      %add3A_278 = arith.addi %add3A_276, %add3A_277 : i32
      %dma_start3A_279 = arith.constant 0 : i32
      %dma_start3A_280 = arith.constant 0 : i32
      %dma_start3A_281 = tpu.memref_slice %arg6[%squeeze3A_273, %dma_start3A_280] : memref<2x1024xf32, #tpu.memory_space<vmem>> -> memref<1x1024xf32, #tpu.memory_space<vmem>>
      %dma_start3A_282 = tpu.memref_squeeze %dma_start3A_281 : memref<1x1024xf32, #tpu.memory_space<vmem>> -> memref<1024xf32, #tpu.memory_space<vmem>>
      %dma_start3A_283 = arith.constant 0 : i32
      %dma_start3A_284 = tpu.memref_slice %arg4[%add3A_278, %dma_start3A_279, %dma_start3A_283] : memref<4096x4x1024xf32, #tpu.memory_space<hbm>> -> memref<1x1x1024xf32, #tpu.memory_space<hbm>>
      %dma_start3A_285 = tpu.memref_squeeze %dma_start3A_284 : memref<1x1x1024xf32, #tpu.memory_space<hbm>> -> memref<1024xf32, #tpu.memory_space<hbm>>
      %dma_start3A_286 = arith.constant 0 : i32
      %dma_start3A_287 = tpu.memref_slice %arg4[%add3A_278, %dma_start3A_279, %dma_start3A_286] : memref<4096x4x1024xf32, #tpu.memory_space<hbm>> -> memref<1x1x1024xf32, #tpu.memory_space<hbm>>
      %dma_start3A_288 = tpu.memref_squeeze %dma_start3A_287 : memref<1x1x1024xf32, #tpu.memory_space<hbm>> -> memref<1024xf32, #tpu.memory_space<hbm>>
      %dma_start3A_289 = arith.constant 0 : i32
      %dma_start3A_290 = tpu.memref_slice %arg6[%squeeze3A_273, %dma_start3A_289] : memref<2x1024xf32, #tpu.memory_space<vmem>> -> memref<1x1024xf32, #tpu.memory_space<vmem>>
      %dma_start3A_291 = tpu.memref_squeeze %dma_start3A_290 : memref<1x1024xf32, #tpu.memory_space<vmem>> -> memref<1024xf32, #tpu.memory_space<vmem>>
      tpu.enqueue_dma source(%dma_start3A_291 : memref<1024xf32, #tpu.memory_space<vmem>>) target(%dma_start3A_288 : memref<1024xf32, #tpu.memory_space<hbm>>) target_semaphore(%arg8 : memref<!tpu.dma_semaphore, #tpu.memory_space<semaphore_mem>>)
      %slice3A_292 = vector.extract_strided_slice %get3A_34 {offsets = [13], sizes = [1], strides = [1]} : vector<16xi32> to vector<1xi32>
      %squeeze3A_293 = vector.extract %slice3A_292[0] : i32 from vector<1xi32>
      %mul3A_294 = arith.constant 8 : i32
      %mul3A_295 = arith.muli %add3A_26, %mul3A_294 : i32
      %add3A_296 = arith.addi %mul3A_4, %mul3A_295 : i32
      %add3A_297 = arith.constant 3 : i32
      %add3A_298 = arith.addi %add3A_296, %add3A_297 : i32
      %dma_start3A_299 = arith.constant 1 : i32
      %dma_start3A_300 = arith.constant 0 : i32
      %dma_start3A_301 = tpu.memref_slice %arg6[%squeeze3A_293, %dma_start3A_300] : memref<2x1024xf32, #tpu.memory_space<vmem>> -> memref<1x1024xf32, #tpu.memory_space<vmem>>
      %dma_start3A_302 = tpu.memref_squeeze %dma_start3A_301 : memref<1x1024xf32, #tpu.memory_space<vmem>> -> memref<1024xf32, #tpu.memory_space<vmem>>
      %dma_start3A_303 = arith.constant 0 : i32
      %dma_start3A_304 = tpu.memref_slice %arg4[%add3A_298, %dma_start3A_299, %dma_start3A_303] : memref<4096x4x1024xf32, #tpu.memory_space<hbm>> -> memref<1x1x1024xf32, #tpu.memory_space<hbm>>
      %dma_start3A_305 = tpu.memref_squeeze %dma_start3A_304 : memref<1x1x1024xf32, #tpu.memory_space<hbm>> -> memref<1024xf32, #tpu.memory_space<hbm>>
      %dma_start3A_306 = arith.constant 0 : i32
      %dma_start3A_307 = tpu.memref_slice %arg4[%add3A_298, %dma_start3A_299, %dma_start3A_306] : memref<4096x4x1024xf32, #tpu.memory_space<hbm>> -> memref<1x1x1024xf32, #tpu.memory_space<hbm>>
      %dma_start3A_308 = tpu.memref_squeeze %dma_start3A_307 : memref<1x1x1024xf32, #tpu.memory_space<hbm>> -> memref<1024xf32, #tpu.memory_space<hbm>>
      %dma_start3A_309 = arith.constant 0 : i32
      %dma_start3A_310 = tpu.memref_slice %arg6[%squeeze3A_293, %dma_start3A_309] : memref<2x1024xf32, #tpu.memory_space<vmem>> -> memref<1x1024xf32, #tpu.memory_space<vmem>>
      %dma_start3A_311 = tpu.memref_squeeze %dma_start3A_310 : memref<1x1024xf32, #tpu.memory_space<vmem>> -> memref<1024xf32, #tpu.memory_space<vmem>>
      tpu.enqueue_dma source(%dma_start3A_311 : memref<1024xf32, #tpu.memory_space<vmem>>) target(%dma_start3A_308 : memref<1024xf32, #tpu.memory_space<hbm>>) target_semaphore(%arg8 : memref<!tpu.dma_semaphore, #tpu.memory_space<semaphore_mem>>)
      %slice3A_312 = vector.extract_strided_slice %get3A_34 {offsets = [14], sizes = [1], strides = [1]} : vector<16xi32> to vector<1xi32>
      %squeeze3A_313 = vector.extract %slice3A_312[0] : i32 from vector<1xi32>
      %mul3A_314 = arith.constant 8 : i32
      %mul3A_315 = arith.muli %add3A_26, %mul3A_314 : i32
      %add3A_316 = arith.addi %mul3A_4, %mul3A_315 : i32
      %add3A_317 = arith.constant 3 : i32
      %add3A_318 = arith.addi %add3A_316, %add3A_317 : i32
      %dma_start3A_319 = arith.constant 2 : i32
      %dma_start3A_320 = arith.constant 0 : i32
      %dma_start3A_321 = tpu.memref_slice %arg6[%squeeze3A_313, %dma_start3A_320] : memref<2x1024xf32, #tpu.memory_space<vmem>> -> memref<1x1024xf32, #tpu.memory_space<vmem>>
      %dma_start3A_322 = tpu.memref_squeeze %dma_start3A_321 : memref<1x1024xf32, #tpu.memory_space<vmem>> -> memref<1024xf32, #tpu.memory_space<vmem>>
      %dma_start3A_323 = arith.constant 0 : i32
      %dma_start3A_324 = tpu.memref_slice %arg4[%add3A_318, %dma_start3A_319, %dma_start3A_323] : memref<4096x4x1024xf32, #tpu.memory_space<hbm>> -> memref<1x1x1024xf32, #tpu.memory_space<hbm>>
      %dma_start3A_325 = tpu.memref_squeeze %dma_start3A_324 : memref<1x1x1024xf32, #tpu.memory_space<hbm>> -> memref<1024xf32, #tpu.memory_space<hbm>>
      %dma_start3A_326 = arith.constant 0 : i32
      %dma_start3A_327 = tpu.memref_slice %arg4[%add3A_318, %dma_start3A_319, %dma_start3A_326] : memref<4096x4x1024xf32, #tpu.memory_space<hbm>> -> memref<1x1x1024xf32, #tpu.memory_space<hbm>>
      %dma_start3A_328 = tpu.memref_squeeze %dma_start3A_327 : memref<1x1x1024xf32, #tpu.memory_space<hbm>> -> memref<1024xf32, #tpu.memory_space<hbm>>
      %dma_start3A_329 = arith.constant 0 : i32
      %dma_start3A_330 = tpu.memref_slice %arg6[%squeeze3A_313, %dma_start3A_329] : memref<2x1024xf32, #tpu.memory_space<vmem>> -> memref<1x1024xf32, #tpu.memory_space<vmem>>
      %dma_start3A_331 = tpu.memref_squeeze %dma_start3A_330 : memref<1x1024xf32, #tpu.memory_space<vmem>> -> memref<1024xf32, #tpu.memory_space<vmem>>
      tpu.enqueue_dma source(%dma_start3A_331 : memref<1024xf32, #tpu.memory_space<vmem>>) target(%dma_start3A_328 : memref<1024xf32, #tpu.memory_space<hbm>>) target_semaphore(%arg8 : memref<!tpu.dma_semaphore, #tpu.memory_space<semaphore_mem>>)
      %slice3A_332 = vector.extract_strided_slice %get3A_34 {offsets = [15], sizes = [1], strides = [1]} : vector<16xi32> to vector<1xi32>
      %squeeze3A_333 = vector.extract %slice3A_332[0] : i32 from vector<1xi32>
      %mul3A_334 = arith.constant 8 : i32
      %mul3A_335 = arith.muli %add3A_26, %mul3A_334 : i32
      %add3A_336 = arith.addi %mul3A_4, %mul3A_335 : i32
      %add3A_337 = arith.constant 3 : i32
      %add3A_338 = arith.addi %add3A_336, %add3A_337 : i32
      %dma_start3A_339 = arith.constant 3 : i32
      %dma_start3A_340 = arith.constant 0 : i32
      %dma_start3A_341 = tpu.memref_slice %arg6[%squeeze3A_333, %dma_start3A_340] : memref<2x1024xf32, #tpu.memory_space<vmem>> -> memref<1x1024xf32, #tpu.memory_space<vmem>>
      %dma_start3A_342 = tpu.memref_squeeze %dma_start3A_341 : memref<1x1024xf32, #tpu.memory_space<vmem>> -> memref<1024xf32, #tpu.memory_space<vmem>>
      %dma_start3A_343 = arith.constant 0 : i32
      %dma_start3A_344 = tpu.memref_slice %arg4[%add3A_338, %dma_start3A_339, %dma_start3A_343] : memref<4096x4x1024xf32, #tpu.memory_space<hbm>> -> memref<1x1x1024xf32, #tpu.memory_space<hbm>>
      %dma_start3A_345 = tpu.memref_squeeze %dma_start3A_344 : memref<1x1x1024xf32, #tpu.memory_space<hbm>> -> memref<1024xf32, #tpu.memory_space<hbm>>
      %dma_start3A_346 = arith.constant 0 : i32
      %dma_start3A_347 = tpu.memref_slice %arg4[%add3A_338, %dma_start3A_339, %dma_start3A_346] : memref<4096x4x1024xf32, #tpu.memory_space<hbm>> -> memref<1x1x1024xf32, #tpu.memory_space<hbm>>
      %dma_start3A_348 = tpu.memref_squeeze %dma_start3A_347 : memref<1x1x1024xf32, #tpu.memory_space<hbm>> -> memref<1024xf32, #tpu.memory_space<hbm>>
      %dma_start3A_349 = arith.constant 0 : i32
      %dma_start3A_350 = tpu.memref_slice %arg6[%squeeze3A_333, %dma_start3A_349] : memref<2x1024xf32, #tpu.memory_space<vmem>> -> memref<1x1024xf32, #tpu.memory_space<vmem>>
      %dma_start3A_351 = tpu.memref_squeeze %dma_start3A_350 : memref<1x1024xf32, #tpu.memory_space<vmem>> -> memref<1024xf32, #tpu.memory_space<vmem>>
      tpu.enqueue_dma source(%dma_start3A_351 : memref<1024xf32, #tpu.memory_space<vmem>>) target(%dma_start3A_348 : memref<1024xf32, #tpu.memory_space<hbm>>) target_semaphore(%arg8 : memref<!tpu.dma_semaphore, #tpu.memory_space<semaphore_mem>>)
      %mul3A_352 = arith.constant 32 : i32
      %mul3A_353 = arith.muli %add3A_26, %mul3A_352 : i32
      %add3A_354 = arith.constant 16 : i32
      %add3A_355 = arith.addi %mul3A_353, %add3A_354 : i32
      %get3A_356 = arith.index_cast %add3A_355 : i32 to index
      %get3A_357 = tpu.vector_load %arg5[%get3A_356] {strides = array<i32>} : memref<512xi32, #tpu.memory_space<vmem>>, vector<16xi32>,
      %get3A_358 = vector.shape_cast %get3A_357 : vector<16xi32> to vector<16xi32>
      %slice3A_359 = vector.extract_strided_slice %get3A_358 {offsets = [0], sizes = [1], strides = [1]} : vector<16xi32> to vector<1xi32>
      %squeeze3A_360 = vector.extract %slice3A_359[0] : i32 from vector<1xi32>
      %mul3A_361 = arith.constant 8 : i32
      %mul3A_362 = arith.muli %add3A_26, %mul3A_361 : i32
      %add3A_363 = arith.addi %mul3A_4, %mul3A_362 : i32
      %add3A_364 = arith.constant 4 : i32
      %add3A_365 = arith.addi %add3A_363, %add3A_364 : i32
      %dma_start3A_366 = arith.constant 0 : i32
      %dma_start3A_367 = arith.constant 0 : i32
      %dma_start3A_368 = tpu.memref_slice %arg6[%squeeze3A_360, %dma_start3A_367] : memref<2x1024xf32, #tpu.memory_space<vmem>> -> memref<1x1024xf32, #tpu.memory_space<vmem>>
      %dma_start3A_369 = tpu.memref_squeeze %dma_start3A_368 : memref<1x1024xf32, #tpu.memory_space<vmem>> -> memref<1024xf32, #tpu.memory_space<vmem>>
      %dma_start3A_370 = arith.constant 0 : i32
      %dma_start3A_371 = tpu.memref_slice %arg4[%add3A_365, %dma_start3A_366, %dma_start3A_370] : memref<4096x4x1024xf32, #tpu.memory_space<hbm>> -> memref<1x1x1024xf32, #tpu.memory_space<hbm>>
      %dma_start3A_372 = tpu.memref_squeeze %dma_start3A_371 : memref<1x1x1024xf32, #tpu.memory_space<hbm>> -> memref<1024xf32, #tpu.memory_space<hbm>>
      %dma_start3A_373 = arith.constant 0 : i32
      %dma_start3A_374 = tpu.memref_slice %arg4[%add3A_365, %dma_start3A_366, %dma_start3A_373] : memref<4096x4x1024xf32, #tpu.memory_space<hbm>> -> memref<1x1x1024xf32, #tpu.memory_space<hbm>>
      %dma_start3A_375 = tpu.memref_squeeze %dma_start3A_374 : memref<1x1x1024xf32, #tpu.memory_space<hbm>> -> memref<1024xf32, #tpu.memory_space<hbm>>
      %dma_start3A_376 = arith.constant 0 : i32
      %dma_start3A_377 = tpu.memref_slice %arg6[%squeeze3A_360, %dma_start3A_376] : memref<2x1024xf32, #tpu.memory_space<vmem>> -> memref<1x1024xf32, #tpu.memory_space<vmem>>
      %dma_start3A_378 = tpu.memref_squeeze %dma_start3A_377 : memref<1x1024xf32, #tpu.memory_space<vmem>> -> memref<1024xf32, #tpu.memory_space<vmem>>
      tpu.enqueue_dma source(%dma_start3A_378 : memref<1024xf32, #tpu.memory_space<vmem>>) target(%dma_start3A_375 : memref<1024xf32, #tpu.memory_space<hbm>>) target_semaphore(%arg8 : memref<!tpu.dma_semaphore, #tpu.memory_space<semaphore_mem>>)
      %slice3A_379 = vector.extract_strided_slice %get3A_358 {offsets = [1], sizes = [1], strides = [1]} : vector<16xi32> to vector<1xi32>
      %squeeze3A_380 = vector.extract %slice3A_379[0] : i32 from vector<1xi32>
      %mul3A_381 = arith.constant 8 : i32
      %mul3A_382 = arith.muli %add3A_26, %mul3A_381 : i32
      %add3A_383 = arith.addi %mul3A_4, %mul3A_382 : i32
      %add3A_384 = arith.constant 4 : i32
      %add3A_385 = arith.addi %add3A_383, %add3A_384 : i32
      %dma_start3A_386 = arith.constant 1 : i32
      %dma_start3A_387 = arith.constant 0 : i32
      %dma_start3A_388 = tpu.memref_slice %arg6[%squeeze3A_380, %dma_start3A_387] : memref<2x1024xf32, #tpu.memory_space<vmem>> -> memref<1x1024xf32, #tpu.memory_space<vmem>>
      %dma_start3A_389 = tpu.memref_squeeze %dma_start3A_388 : memref<1x1024xf32, #tpu.memory_space<vmem>> -> memref<1024xf32, #tpu.memory_space<vmem>>
      %dma_start3A_390 = arith.constant 0 : i32
      %dma_start3A_391 = tpu.memref_slice %arg4[%add3A_385, %dma_start3A_386, %dma_start3A_390] : memref<4096x4x1024xf32, #tpu.memory_space<hbm>> -> memref<1x1x1024xf32, #tpu.memory_space<hbm>>
      %dma_start3A_392 = tpu.memref_squeeze %dma_start3A_391 : memref<1x1x1024xf32, #tpu.memory_space<hbm>> -> memref<1024xf32, #tpu.memory_space<hbm>>
      %dma_start3A_393 = arith.constant 0 : i32
      %dma_start3A_394 = tpu.memref_slice %arg4[%add3A_385, %dma_start3A_386, %dma_start3A_393] : memref<4096x4x1024xf32, #tpu.memory_space<hbm>> -> memref<1x1x1024xf32, #tpu.memory_space<hbm>>
      %dma_start3A_395 = tpu.memref_squeeze %dma_start3A_394 : memref<1x1x1024xf32, #tpu.memory_space<hbm>> -> memref<1024xf32, #tpu.memory_space<hbm>>
      %dma_start3A_396 = arith.constant 0 : i32
      %dma_start3A_397 = tpu.memref_slice %arg6[%squeeze3A_380, %dma_start3A_396] : memref<2x1024xf32, #tpu.memory_space<vmem>> -> memref<1x1024xf32, #tpu.memory_space<vmem>>
      %dma_start3A_398 = tpu.memref_squeeze %dma_start3A_397 : memref<1x1024xf32, #tpu.memory_space<vmem>> -> memref<1024xf32, #tpu.memory_space<vmem>>
      tpu.enqueue_dma source(%dma_start3A_398 : memref<1024xf32, #tpu.memory_space<vmem>>) target(%dma_start3A_395 : memref<1024xf32, #tpu.memory_space<hbm>>) target_semaphore(%arg8 : memref<!tpu.dma_semaphore, #tpu.memory_space<semaphore_mem>>)
      %slice3A_399 = vector.extract_strided_slice %get3A_358 {offsets = [2], sizes = [1], strides = [1]} : vector<16xi32> to vector<1xi32>
      %squeeze3A_400 = vector.extract %slice3A_399[0] : i32 from vector<1xi32>
      %mul3A_401 = arith.constant 8 : i32
      %mul3A_402 = arith.muli %add3A_26, %mul3A_401 : i32
      %add3A_403 = arith.addi %mul3A_4, %mul3A_402 : i32
      %add3A_404 = arith.constant 4 : i32
      %add3A_405 = arith.addi %add3A_403, %add3A_404 : i32
      %dma_start3A_406 = arith.constant 2 : i32
      %dma_start3A_407 = arith.constant 0 : i32
      %dma_start3A_408 = tpu.memref_slice %arg6[%squeeze3A_400, %dma_start3A_407] : memref<2x1024xf32, #tpu.memory_space<vmem>> -> memref<1x1024xf32, #tpu.memory_space<vmem>>
      %dma_start3A_409 = tpu.memref_squeeze %dma_start3A_408 : memref<1x1024xf32, #tpu.memory_space<vmem>> -> memref<1024xf32, #tpu.memory_space<vmem>>
      %dma_start3A_410 = arith.constant 0 : i32
      %dma_start3A_411 = tpu.memref_slice %arg4[%add3A_405, %dma_start3A_406, %dma_start3A_410] : memref<4096x4x1024xf32, #tpu.memory_space<hbm>> -> memref<1x1x1024xf32, #tpu.memory_space<hbm>>
      %dma_start3A_412 = tpu.memref_squeeze %dma_start3A_411 : memref<1x1x1024xf32, #tpu.memory_space<hbm>> -> memref<1024xf32, #tpu.memory_space<hbm>>
      %dma_start3A_413 = arith.constant 0 : i32
      %dma_start3A_414 = tpu.memref_slice %arg4[%add3A_405, %dma_start3A_406, %dma_start3A_413] : memref<4096x4x1024xf32, #tpu.memory_space<hbm>> -> memref<1x1x1024xf32, #tpu.memory_space<hbm>>
      %dma_start3A_415 = tpu.memref_squeeze %dma_start3A_414 : memref<1x1x1024xf32, #tpu.memory_space<hbm>> -> memref<1024xf32, #tpu.memory_space<hbm>>
      %dma_start3A_416 = arith.constant 0 : i32
      %dma_start3A_417 = tpu.memref_slice %arg6[%squeeze3A_400, %dma_start3A_416] : memref<2x1024xf32, #tpu.memory_space<vmem>> -> memref<1x1024xf32, #tpu.memory_space<vmem>>
      %dma_start3A_418 = tpu.memref_squeeze %dma_start3A_417 : memref<1x1024xf32, #tpu.memory_space<vmem>> -> memref<1024xf32, #tpu.memory_space<vmem>>
      tpu.enqueue_dma source(%dma_start3A_418 : memref<1024xf32, #tpu.memory_space<vmem>>) target(%dma_start3A_415 : memref<1024xf32, #tpu.memory_space<hbm>>) target_semaphore(%arg8 : memref<!tpu.dma_semaphore, #tpu.memory_space<semaphore_mem>>)
      %slice3A_419 = vector.extract_strided_slice %get3A_358 {offsets = [3], sizes = [1], strides = [1]} : vector<16xi32> to vector<1xi32>
      %squeeze3A_420 = vector.extract %slice3A_419[0] : i32 from vector<1xi32>
      %mul3A_421 = arith.constant 8 : i32
      %mul3A_422 = arith.muli %add3A_26, %mul3A_421 : i32
      %add3A_423 = arith.addi %mul3A_4, %mul3A_422 : i32
      %add3A_424 = arith.constant 4 : i32
      %add3A_425 = arith.addi %add3A_423, %add3A_424 : i32
      %dma_start3A_426 = arith.constant 3 : i32
      %dma_start3A_427 = arith.constant 0 : i32
      %dma_start3A_428 = tpu.memref_slice %arg6[%squeeze3A_420, %dma_start3A_427] : memref<2x1024xf32, #tpu.memory_space<vmem>> -> memref<1x1024xf32, #tpu.memory_space<vmem>>
      %dma_start3A_429 = tpu.memref_squeeze %dma_start3A_428 : memref<1x1024xf32, #tpu.memory_space<vmem>> -> memref<1024xf32, #tpu.memory_space<vmem>>
      %dma_start3A_430 = arith.constant 0 : i32
      %dma_start3A_431 = tpu.memref_slice %arg4[%add3A_425, %dma_start3A_426, %dma_start3A_430] : memref<4096x4x1024xf32, #tpu.memory_space<hbm>> -> memref<1x1x1024xf32, #tpu.memory_space<hbm>>
      %dma_start3A_432 = tpu.memref_squeeze %dma_start3A_431 : memref<1x1x1024xf32, #tpu.memory_space<hbm>> -> memref<1024xf32, #tpu.memory_space<hbm>>
      %dma_start3A_433 = arith.constant 0 : i32
      %dma_start3A_434 = tpu.memref_slice %arg4[%add3A_425, %dma_start3A_426, %dma_start3A_433] : memref<4096x4x1024xf32, #tpu.memory_space<hbm>> -> memref<1x1x1024xf32, #tpu.memory_space<hbm>>
      %dma_start3A_435 = tpu.memref_squeeze %dma_start3A_434 : memref<1x1x1024xf32, #tpu.memory_space<hbm>> -> memref<1024xf32, #tpu.memory_space<hbm>>
      %dma_start3A_436 = arith.constant 0 : i32
      %dma_start3A_437 = tpu.memref_slice %arg6[%squeeze3A_420, %dma_start3A_436] : memref<2x1024xf32, #tpu.memory_space<vmem>> -> memref<1x1024xf32, #tpu.memory_space<vmem>>
      %dma_start3A_438 = tpu.memref_squeeze %dma_start3A_437 : memref<1x1024xf32, #tpu.memory_space<vmem>> -> memref<1024xf32, #tpu.memory_space<vmem>>
      tpu.enqueue_dma source(%dma_start3A_438 : memref<1024xf32, #tpu.memory_space<vmem>>) target(%dma_start3A_435 : memref<1024xf32, #tpu.memory_space<hbm>>) target_semaphore(%arg8 : memref<!tpu.dma_semaphore, #tpu.memory_space<semaphore_mem>>)
      %slice3A_439 = vector.extract_strided_slice %get3A_358 {offsets = [4], sizes = [1], strides = [1]} : vector<16xi32> to vector<1xi32>
      %squeeze3A_440 = vector.extract %slice3A_439[0] : i32 from vector<1xi32>
      %mul3A_441 = arith.constant 8 : i32
      %mul3A_442 = arith.muli %add3A_26, %mul3A_441 : i32
      %add3A_443 = arith.addi %mul3A_4, %mul3A_442 : i32
      %add3A_444 = arith.constant 5 : i32
      %add3A_445 = arith.addi %add3A_443, %add3A_444 : i32
      %dma_start3A_446 = arith.constant 0 : i32
      %dma_start3A_447 = arith.constant 0 : i32
      %dma_start3A_448 = tpu.memref_slice %arg6[%squeeze3A_440, %dma_start3A_447] : memref<2x1024xf32, #tpu.memory_space<vmem>> -> memref<1x1024xf32, #tpu.memory_space<vmem>>
      %dma_start3A_449 = tpu.memref_squeeze %dma_start3A_448 : memref<1x1024xf32, #tpu.memory_space<vmem>> -> memref<1024xf32, #tpu.memory_space<vmem>>
      %dma_start3A_450 = arith.constant 0 : i32
      %dma_start3A_451 = tpu.memref_slice %arg4[%add3A_445, %dma_start3A_446, %dma_start3A_450] : memref<4096x4x1024xf32, #tpu.memory_space<hbm>> -> memref<1x1x1024xf32, #tpu.memory_space<hbm>>
      %dma_start3A_452 = tpu.memref_squeeze %dma_start3A_451 : memref<1x1x1024xf32, #tpu.memory_space<hbm>> -> memref<1024xf32, #tpu.memory_space<hbm>>
      %dma_start3A_453 = arith.constant 0 : i32
      %dma_start3A_454 = tpu.memref_slice %arg4[%add3A_445, %dma_start3A_446, %dma_start3A_453] : memref<4096x4x1024xf32, #tpu.memory_space<hbm>> -> memref<1x1x1024xf32, #tpu.memory_space<hbm>>
      %dma_start3A_455 = tpu.memref_squeeze %dma_start3A_454 : memref<1x1x1024xf32, #tpu.memory_space<hbm>> -> memref<1024xf32, #tpu.memory_space<hbm>>
      %dma_start3A_456 = arith.constant 0 : i32
      %dma_start3A_457 = tpu.memref_slice %arg6[%squeeze3A_440, %dma_start3A_456] : memref<2x1024xf32, #tpu.memory_space<vmem>> -> memref<1x1024xf32, #tpu.memory_space<vmem>>
      %dma_start3A_458 = tpu.memref_squeeze %dma_start3A_457 : memref<1x1024xf32, #tpu.memory_space<vmem>> -> memref<1024xf32, #tpu.memory_space<vmem>>
      tpu.enqueue_dma source(%dma_start3A_458 : memref<1024xf32, #tpu.memory_space<vmem>>) target(%dma_start3A_455 : memref<1024xf32, #tpu.memory_space<hbm>>) target_semaphore(%arg8 : memref<!tpu.dma_semaphore, #tpu.memory_space<semaphore_mem>>)
      %slice3A_459 = vector.extract_strided_slice %get3A_358 {offsets = [5], sizes = [1], strides = [1]} : vector<16xi32> to vector<1xi32>
      %squeeze3A_460 = vector.extract %slice3A_459[0] : i32 from vector<1xi32>
      %mul3A_461 = arith.constant 8 : i32
      %mul3A_462 = arith.muli %add3A_26, %mul3A_461 : i32
      %add3A_463 = arith.addi %mul3A_4, %mul3A_462 : i32
      %add3A_464 = arith.constant 5 : i32
      %add3A_465 = arith.addi %add3A_463, %add3A_464 : i32
      %dma_start3A_466 = arith.constant 1 : i32
      %dma_start3A_467 = arith.constant 0 : i32
      %dma_start3A_468 = tpu.memref_slice %arg6[%squeeze3A_460, %dma_start3A_467] : memref<2x1024xf32, #tpu.memory_space<vmem>> -> memref<1x1024xf32, #tpu.memory_space<vmem>>
      %dma_start3A_469 = tpu.memref_squeeze %dma_start3A_468 : memref<1x1024xf32, #tpu.memory_space<vmem>> -> memref<1024xf32, #tpu.memory_space<vmem>>
      %dma_start3A_470 = arith.constant 0 : i32
      %dma_start3A_471 = tpu.memref_slice %arg4[%add3A_465, %dma_start3A_466, %dma_start3A_470] : memref<4096x4x1024xf32, #tpu.memory_space<hbm>> -> memref<1x1x1024xf32, #tpu.memory_space<hbm>>
      %dma_start3A_472 = tpu.memref_squeeze %dma_start3A_471 : memref<1x1x1024xf32, #tpu.memory_space<hbm>> -> memref<1024xf32, #tpu.memory_space<hbm>>
      %dma_start3A_473 = arith.constant 0 : i32
      %dma_start3A_474 = tpu.memref_slice %arg4[%add3A_465, %dma_start3A_466, %dma_start3A_473] : memref<4096x4x1024xf32, #tpu.memory_space<hbm>> -> memref<1x1x1024xf32, #tpu.memory_space<hbm>>
      %dma_start3A_475 = tpu.memref_squeeze %dma_start3A_474 : memref<1x1x1024xf32, #tpu.memory_space<hbm>> -> memref<1024xf32, #tpu.memory_space<hbm>>
      %dma_start3A_476 = arith.constant 0 : i32
      %dma_start3A_477 = tpu.memref_slice %arg6[%squeeze3A_460, %dma_start3A_476] : memref<2x1024xf32, #tpu.memory_space<vmem>> -> memref<1x1024xf32, #tpu.memory_space<vmem>>
      %dma_start3A_478 = tpu.memref_squeeze %dma_start3A_477 : memref<1x1024xf32, #tpu.memory_space<vmem>> -> memref<1024xf32, #tpu.memory_space<vmem>>
      tpu.enqueue_dma source(%dma_start3A_478 : memref<1024xf32, #tpu.memory_space<vmem>>) target(%dma_start3A_475 : memref<1024xf32, #tpu.memory_space<hbm>>) target_semaphore(%arg8 : memref<!tpu.dma_semaphore, #tpu.memory_space<semaphore_mem>>)
      %slice3A_479 = vector.extract_strided_slice %get3A_358 {offsets = [6], sizes = [1], strides = [1]} : vector<16xi32> to vector<1xi32>
      %squeeze3A_480 = vector.extract %slice3A_479[0] : i32 from vector<1xi32>
      %mul3A_481 = arith.constant 8 : i32
      %mul3A_482 = arith.muli %add3A_26, %mul3A_481 : i32
      %add3A_483 = arith.addi %mul3A_4, %mul3A_482 : i32
      %add3A_484 = arith.constant 5 : i32
      %add3A_485 = arith.addi %add3A_483, %add3A_484 : i32
      %dma_start3A_486 = arith.constant 2 : i32
      %dma_start3A_487 = arith.constant 0 : i32
      %dma_start3A_488 = tpu.memref_slice %arg6[%squeeze3A_480, %dma_start3A_487] : memref<2x1024xf32, #tpu.memory_space<vmem>> -> memref<1x1024xf32, #tpu.memory_space<vmem>>
      %dma_start3A_489 = tpu.memref_squeeze %dma_start3A_488 : memref<1x1024xf32, #tpu.memory_space<vmem>> -> memref<1024xf32, #tpu.memory_space<vmem>>
      %dma_start3A_490 = arith.constant 0 : i32
      %dma_start3A_491 = tpu.memref_slice %arg4[%add3A_485, %dma_start3A_486, %dma_start3A_490] : memref<4096x4x1024xf32, #tpu.memory_space<hbm>> -> memref<1x1x1024xf32, #tpu.memory_space<hbm>>
      %dma_start3A_492 = tpu.memref_squeeze %dma_start3A_491 : memref<1x1x1024xf32, #tpu.memory_space<hbm>> -> memref<1024xf32, #tpu.memory_space<hbm>>
      %dma_start3A_493 = arith.constant 0 : i32
      %dma_start3A_494 = tpu.memref_slice %arg4[%add3A_485, %dma_start3A_486, %dma_start3A_493] : memref<4096x4x1024xf32, #tpu.memory_space<hbm>> -> memref<1x1x1024xf32, #tpu.memory_space<hbm>>
      %dma_start3A_495 = tpu.memref_squeeze %dma_start3A_494 : memref<1x1x1024xf32, #tpu.memory_space<hbm>> -> memref<1024xf32, #tpu.memory_space<hbm>>
      %dma_start3A_496 = arith.constant 0 : i32
      %dma_start3A_497 = tpu.memref_slice %arg6[%squeeze3A_480, %dma_start3A_496] : memref<2x1024xf32, #tpu.memory_space<vmem>> -> memref<1x1024xf32, #tpu.memory_space<vmem>>
      %dma_start3A_498 = tpu.memref_squeeze %dma_start3A_497 : memref<1x1024xf32, #tpu.memory_space<vmem>> -> memref<1024xf32, #tpu.memory_space<vmem>>
      tpu.enqueue_dma source(%dma_start3A_498 : memref<1024xf32, #tpu.memory_space<vmem>>) target(%dma_start3A_495 : memref<1024xf32, #tpu.memory_space<hbm>>) target_semaphore(%arg8 : memref<!tpu.dma_semaphore, #tpu.memory_space<semaphore_mem>>)
      %slice3A_499 = vector.extract_strided_slice %get3A_358 {offsets = [7], sizes = [1], strides = [1]} : vector<16xi32> to vector<1xi32>
      %squeeze3A_500 = vector.extract %slice3A_499[0] : i32 from vector<1xi32>
      %mul3A_501 = arith.constant 8 : i32
      %mul3A_502 = arith.muli %add3A_26, %mul3A_501 : i32
      %add3A_503 = arith.addi %mul3A_4, %mul3A_502 : i32
      %add3A_504 = arith.constant 5 : i32
      %add3A_505 = arith.addi %add3A_503, %add3A_504 : i32
      %dma_start3A_506 = arith.constant 3 : i32
      %dma_start3A_507 = arith.constant 0 : i32
      %dma_start3A_508 = tpu.memref_slice %arg6[%squeeze3A_500, %dma_start3A_507] : memref<2x1024xf32, #tpu.memory_space<vmem>> -> memref<1x1024xf32, #tpu.memory_space<vmem>>
      %dma_start3A_509 = tpu.memref_squeeze %dma_start3A_508 : memref<1x1024xf32, #tpu.memory_space<vmem>> -> memref<1024xf32, #tpu.memory_space<vmem>>
      %dma_start3A_510 = arith.constant 0 : i32
      %dma_start3A_511 = tpu.memref_slice %arg4[%add3A_505, %dma_start3A_506, %dma_start3A_510] : memref<4096x4x1024xf32, #tpu.memory_space<hbm>> -> memref<1x1x1024xf32, #tpu.memory_space<hbm>>
      %dma_start3A_512 = tpu.memref_squeeze %dma_start3A_511 : memref<1x1x1024xf32, #tpu.memory_space<hbm>> -> memref<1024xf32, #tpu.memory_space<hbm>>
      %dma_start3A_513 = arith.constant 0 : i32
      %dma_start3A_514 = tpu.memref_slice %arg4[%add3A_505, %dma_start3A_506, %dma_start3A_513] : memref<4096x4x1024xf32, #tpu.memory_space<hbm>> -> memref<1x1x1024xf32, #tpu.memory_space<hbm>>
      %dma_start3A_515 = tpu.memref_squeeze %dma_start3A_514 : memref<1x1x1024xf32, #tpu.memory_space<hbm>> -> memref<1024xf32, #tpu.memory_space<hbm>>
      %dma_start3A_516 = arith.constant 0 : i32
      %dma_start3A_517 = tpu.memref_slice %arg6[%squeeze3A_500, %dma_start3A_516] : memref<2x1024xf32, #tpu.memory_space<vmem>> -> memref<1x1024xf32, #tpu.memory_space<vmem>>
      %dma_start3A_518 = tpu.memref_squeeze %dma_start3A_517 : memref<1x1024xf32, #tpu.memory_space<vmem>> -> memref<1024xf32, #tpu.memory_space<vmem>>
      tpu.enqueue_dma source(%dma_start3A_518 : memref<1024xf32, #tpu.memory_space<vmem>>) target(%dma_start3A_515 : memref<1024xf32, #tpu.memory_space<hbm>>) target_semaphore(%arg8 : memref<!tpu.dma_semaphore, #tpu.memory_space<semaphore_mem>>)
      %slice3A_519 = vector.extract_strided_slice %get3A_358 {offsets = [8], sizes = [1], strides = [1]} : vector<16xi32> to vector<1xi32>
      %squeeze3A_520 = vector.extract %slice3A_519[0] : i32 from vector<1xi32>
      %mul3A_521 = arith.constant 8 : i32
      %mul3A_522 = arith.muli %add3A_26, %mul3A_521 : i32
      %add3A_523 = arith.addi %mul3A_4, %mul3A_522 : i32
      %add3A_524 = arith.constant 6 : i32
      %add3A_525 = arith.addi %add3A_523, %add3A_524 : i32
      %dma_start3A_526 = arith.constant 0 : i32
      %dma_start3A_527 = arith.constant 0 : i32
      %dma_start3A_528 = tpu.memref_slice %arg6[%squeeze3A_520, %dma_start3A_527] : memref<2x1024xf32, #tpu.memory_space<vmem>> -> memref<1x1024xf32, #tpu.memory_space<vmem>>
      %dma_start3A_529 = tpu.memref_squeeze %dma_start3A_528 : memref<1x1024xf32, #tpu.memory_space<vmem>> -> memref<1024xf32, #tpu.memory_space<vmem>>
      %dma_start3A_530 = arith.constant 0 : i32
      %dma_start3A_531 = tpu.memref_slice %arg4[%add3A_525, %dma_start3A_526, %dma_start3A_530] : memref<4096x4x1024xf32, #tpu.memory_space<hbm>> -> memref<1x1x1024xf32, #tpu.memory_space<hbm>>
      %dma_start3A_532 = tpu.memref_squeeze %dma_start3A_531 : memref<1x1x1024xf32, #tpu.memory_space<hbm>> -> memref<1024xf32, #tpu.memory_space<hbm>>
      %dma_start3A_533 = arith.constant 0 : i32
      %dma_start3A_534 = tpu.memref_slice %arg4[%add3A_525, %dma_start3A_526, %dma_start3A_533] : memref<4096x4x1024xf32, #tpu.memory_space<hbm>> -> memref<1x1x1024xf32, #tpu.memory_space<hbm>>
      %dma_start3A_535 = tpu.memref_squeeze %dma_start3A_534 : memref<1x1x1024xf32, #tpu.memory_space<hbm>> -> memref<1024xf32, #tpu.memory_space<hbm>>
      %dma_start3A_536 = arith.constant 0 : i32
      %dma_start3A_537 = tpu.memref_slice %arg6[%squeeze3A_520, %dma_start3A_536] : memref<2x1024xf32, #tpu.memory_space<vmem>> -> memref<1x1024xf32, #tpu.memory_space<vmem>>
      %dma_start3A_538 = tpu.memref_squeeze %dma_start3A_537 : memref<1x1024xf32, #tpu.memory_space<vmem>> -> memref<1024xf32, #tpu.memory_space<vmem>>
      tpu.enqueue_dma source(%dma_start3A_538 : memref<1024xf32, #tpu.memory_space<vmem>>) target(%dma_start3A_535 : memref<1024xf32, #tpu.memory_space<hbm>>) target_semaphore(%arg8 : memref<!tpu.dma_semaphore, #tpu.memory_space<semaphore_mem>>)
      %slice3A_539 = vector.extract_strided_slice %get3A_358 {offsets = [9], sizes = [1], strides = [1]} : vector<16xi32> to vector<1xi32>
      %squeeze3A_540 = vector.extract %slice3A_539[0] : i32 from vector<1xi32>
      %mul3A_541 = arith.constant 8 : i32
      %mul3A_542 = arith.muli %add3A_26, %mul3A_541 : i32
      %add3A_543 = arith.addi %mul3A_4, %mul3A_542 : i32
      %add3A_544 = arith.constant 6 : i32
      %add3A_545 = arith.addi %add3A_543, %add3A_544 : i32
      %dma_start3A_546 = arith.constant 1 : i32
      %dma_start3A_547 = arith.constant 0 : i32
      %dma_start3A_548 = tpu.memref_slice %arg6[%squeeze3A_540, %dma_start3A_547] : memref<2x1024xf32, #tpu.memory_space<vmem>> -> memref<1x1024xf32, #tpu.memory_space<vmem>>
      %dma_start3A_549 = tpu.memref_squeeze %dma_start3A_548 : memref<1x1024xf32, #tpu.memory_space<vmem>> -> memref<1024xf32, #tpu.memory_space<vmem>>
      %dma_start3A_550 = arith.constant 0 : i32
      %dma_start3A_551 = tpu.memref_slice %arg4[%add3A_545, %dma_start3A_546, %dma_start3A_550] : memref<4096x4x1024xf32, #tpu.memory_space<hbm>> -> memref<1x1x1024xf32, #tpu.memory_space<hbm>>
      %dma_start3A_552 = tpu.memref_squeeze %dma_start3A_551 : memref<1x1x1024xf32, #tpu.memory_space<hbm>> -> memref<1024xf32, #tpu.memory_space<hbm>>
      %dma_start3A_553 = arith.constant 0 : i32
      %dma_start3A_554 = tpu.memref_slice %arg4[%add3A_545, %dma_start3A_546, %dma_start3A_553] : memref<4096x4x1024xf32, #tpu.memory_space<hbm>> -> memref<1x1x1024xf32, #tpu.memory_space<hbm>>
      %dma_start3A_555 = tpu.memref_squeeze %dma_start3A_554 : memref<1x1x1024xf32, #tpu.memory_space<hbm>> -> memref<1024xf32, #tpu.memory_space<hbm>>
      %dma_start3A_556 = arith.constant 0 : i32
      %dma_start3A_557 = tpu.memref_slice %arg6[%squeeze3A_540, %dma_start3A_556] : memref<2x1024xf32, #tpu.memory_space<vmem>> -> memref<1x1024xf32, #tpu.memory_space<vmem>>
      %dma_start3A_558 = tpu.memref_squeeze %dma_start3A_557 : memref<1x1024xf32, #tpu.memory_space<vmem>> -> memref<1024xf32, #tpu.memory_space<vmem>>
      tpu.enqueue_dma source(%dma_start3A_558 : memref<1024xf32, #tpu.memory_space<vmem>>) target(%dma_start3A_555 : memref<1024xf32, #tpu.memory_space<hbm>>) target_semaphore(%arg8 : memref<!tpu.dma_semaphore, #tpu.memory_space<semaphore_mem>>)
      %slice3A_559 = vector.extract_strided_slice %get3A_358 {offsets = [10], sizes = [1], strides = [1]} : vector<16xi32> to vector<1xi32>
      %squeeze3A_560 = vector.extract %slice3A_559[0] : i32 from vector<1xi32>
      %mul3A_561 = arith.constant 8 : i32
      %mul3A_562 = arith.muli %add3A_26, %mul3A_561 : i32
      %add3A_563 = arith.addi %mul3A_4, %mul3A_562 : i32
      %add3A_564 = arith.constant 6 : i32
      %add3A_565 = arith.addi %add3A_563, %add3A_564 : i32
      %dma_start3A_566 = arith.constant 2 : i32
      %dma_start3A_567 = arith.constant 0 : i32
      %dma_start3A_568 = tpu.memref_slice %arg6[%squeeze3A_560, %dma_start3A_567] : memref<2x1024xf32, #tpu.memory_space<vmem>> -> memref<1x1024xf32, #tpu.memory_space<vmem>>
      %dma_start3A_569 = tpu.memref_squeeze %dma_start3A_568 : memref<1x1024xf32, #tpu.memory_space<vmem>> -> memref<1024xf32, #tpu.memory_space<vmem>>
      %dma_start3A_570 = arith.constant 0 : i32
      %dma_start3A_571 = tpu.memref_slice %arg4[%add3A_565, %dma_start3A_566, %dma_start3A_570] : memref<4096x4x1024xf32, #tpu.memory_space<hbm>> -> memref<1x1x1024xf32, #tpu.memory_space<hbm>>
      %dma_start3A_572 = tpu.memref_squeeze %dma_start3A_571 : memref<1x1x1024xf32, #tpu.memory_space<hbm>> -> memref<1024xf32, #tpu.memory_space<hbm>>
      %dma_start3A_573 = arith.constant 0 : i32
      %dma_start3A_574 = tpu.memref_slice %arg4[%add3A_565, %dma_start3A_566, %dma_start3A_573] : memref<4096x4x1024xf32, #tpu.memory_space<hbm>> -> memref<1x1x1024xf32, #tpu.memory_space<hbm>>
      %dma_start3A_575 = tpu.memref_squeeze %dma_start3A_574 : memref<1x1x1024xf32, #tpu.memory_space<hbm>> -> memref<1024xf32, #tpu.memory_space<hbm>>
      %dma_start3A_576 = arith.constant 0 : i32
      %dma_start3A_577 = tpu.memref_slice %arg6[%squeeze3A_560, %dma_start3A_576] : memref<2x1024xf32, #tpu.memory_space<vmem>> -> memref<1x1024xf32, #tpu.memory_space<vmem>>
      %dma_start3A_578 = tpu.memref_squeeze %dma_start3A_577 : memref<1x1024xf32, #tpu.memory_space<vmem>> -> memref<1024xf32, #tpu.memory_space<vmem>>
      tpu.enqueue_dma source(%dma_start3A_578 : memref<1024xf32, #tpu.memory_space<vmem>>) target(%dma_start3A_575 : memref<1024xf32, #tpu.memory_space<hbm>>) target_semaphore(%arg8 : memref<!tpu.dma_semaphore, #tpu.memory_space<semaphore_mem>>)
      %slice3A_579 = vector.extract_strided_slice %get3A_358 {offsets = [11], sizes = [1], strides = [1]} : vector<16xi32> to vector<1xi32>
      %squeeze3A_580 = vector.extract %slice3A_579[0] : i32 from vector<1xi32>
      %mul3A_581 = arith.constant 8 : i32
      %mul3A_582 = arith.muli %add3A_26, %mul3A_581 : i32
      %add3A_583 = arith.addi %mul3A_4, %mul3A_582 : i32
      %add3A_584 = arith.constant 6 : i32
      %add3A_585 = arith.addi %add3A_583, %add3A_584 : i32
      %dma_start3A_586 = arith.constant 3 : i32
      %dma_start3A_587 = arith.constant 0 : i32
      %dma_start3A_588 = tpu.memref_slice %arg6[%squeeze3A_580, %dma_start3A_587] : memref<2x1024xf32, #tpu.memory_space<vmem>> -> memref<1x1024xf32, #tpu.memory_space<vmem>>
      %dma_start3A_589 = tpu.memref_squeeze %dma_start3A_588 : memref<1x1024xf32, #tpu.memory_space<vmem>> -> memref<1024xf32, #tpu.memory_space<vmem>>
      %dma_start3A_590 = arith.constant 0 : i32
      %dma_start3A_591 = tpu.memref_slice %arg4[%add3A_585, %dma_start3A_586, %dma_start3A_590] : memref<4096x4x1024xf32, #tpu.memory_space<hbm>> -> memref<1x1x1024xf32, #tpu.memory_space<hbm>>
      %dma_start3A_592 = tpu.memref_squeeze %dma_start3A_591 : memref<1x1x1024xf32, #tpu.memory_space<hbm>> -> memref<1024xf32, #tpu.memory_space<hbm>>
      %dma_start3A_593 = arith.constant 0 : i32
      %dma_start3A_594 = tpu.memref_slice %arg4[%add3A_585, %dma_start3A_586, %dma_start3A_593] : memref<4096x4x1024xf32, #tpu.memory_space<hbm>> -> memref<1x1x1024xf32, #tpu.memory_space<hbm>>
      %dma_start3A_595 = tpu.memref_squeeze %dma_start3A_594 : memref<1x1x1024xf32, #tpu.memory_space<hbm>> -> memref<1024xf32, #tpu.memory_space<hbm>>
      %dma_start3A_596 = arith.constant 0 : i32
      %dma_start3A_597 = tpu.memref_slice %arg6[%squeeze3A_580, %dma_start3A_596] : memref<2x1024xf32, #tpu.memory_space<vmem>> -> memref<1x1024xf32, #tpu.memory_space<vmem>>
      %dma_start3A_598 = tpu.memref_squeeze %dma_start3A_597 : memref<1x1024xf32, #tpu.memory_space<vmem>> -> memref<1024xf32, #tpu.memory_space<vmem>>
      tpu.enqueue_dma source(%dma_start3A_598 : memref<1024xf32, #tpu.memory_space<vmem>>) target(%dma_start3A_595 : memref<1024xf32, #tpu.memory_space<hbm>>) target_semaphore(%arg8 : memref<!tpu.dma_semaphore, #tpu.memory_space<semaphore_mem>>)
      %slice3A_599 = vector.extract_strided_slice %get3A_358 {offsets = [12], sizes = [1], strides = [1]} : vector<16xi32> to vector<1xi32>
      %squeeze3A_600 = vector.extract %slice3A_599[0] : i32 from vector<1xi32>
      %mul3A_601 = arith.constant 8 : i32
      %mul3A_602 = arith.muli %add3A_26, %mul3A_601 : i32
      %add3A_603 = arith.addi %mul3A_4, %mul3A_602 : i32
      %add3A_604 = arith.constant 7 : i32
      %add3A_605 = arith.addi %add3A_603, %add3A_604 : i32
      %dma_start3A_606 = arith.constant 0 : i32
      %dma_start3A_607 = arith.constant 0 : i32
      %dma_start3A_608 = tpu.memref_slice %arg6[%squeeze3A_600, %dma_start3A_607] : memref<2x1024xf32, #tpu.memory_space<vmem>> -> memref<1x1024xf32, #tpu.memory_space<vmem>>
      %dma_start3A_609 = tpu.memref_squeeze %dma_start3A_608 : memref<1x1024xf32, #tpu.memory_space<vmem>> -> memref<1024xf32, #tpu.memory_space<vmem>>
      %dma_start3A_610 = arith.constant 0 : i32
      %dma_start3A_611 = tpu.memref_slice %arg4[%add3A_605, %dma_start3A_606, %dma_start3A_610] : memref<4096x4x1024xf32, #tpu.memory_space<hbm>> -> memref<1x1x1024xf32, #tpu.memory_space<hbm>>
      %dma_start3A_612 = tpu.memref_squeeze %dma_start3A_611 : memref<1x1x1024xf32, #tpu.memory_space<hbm>> -> memref<1024xf32, #tpu.memory_space<hbm>>
      %dma_start3A_613 = arith.constant 0 : i32
      %dma_start3A_614 = tpu.memref_slice %arg4[%add3A_605, %dma_start3A_606, %dma_start3A_613] : memref<4096x4x1024xf32, #tpu.memory_space<hbm>> -> memref<1x1x1024xf32, #tpu.memory_space<hbm>>
      %dma_start3A_615 = tpu.memref_squeeze %dma_start3A_614 : memref<1x1x1024xf32, #tpu.memory_space<hbm>> -> memref<1024xf32, #tpu.memory_space<hbm>>
      %dma_start3A_616 = arith.constant 0 : i32
      %dma_start3A_617 = tpu.memref_slice %arg6[%squeeze3A_600, %dma_start3A_616] : memref<2x1024xf32, #tpu.memory_space<vmem>> -> memref<1x1024xf32, #tpu.memory_space<vmem>>
      %dma_start3A_618 = tpu.memref_squeeze %dma_start3A_617 : memref<1x1024xf32, #tpu.memory_space<vmem>> -> memref<1024xf32, #tpu.memory_space<vmem>>
      tpu.enqueue_dma source(%dma_start3A_618 : memref<1024xf32, #tpu.memory_space<vmem>>) target(%dma_start3A_615 : memref<1024xf32, #tpu.memory_space<hbm>>) target_semaphore(%arg8 : memref<!tpu.dma_semaphore, #tpu.memory_space<semaphore_mem>>)
      %slice3A_619 = vector.extract_strided_slice %get3A_358 {offsets = [13], sizes = [1], strides = [1]} : vector<16xi32> to vector<1xi32>
      %squeeze3A_620 = vector.extract %slice3A_619[0] : i32 from vector<1xi32>
      %mul3A_621 = arith.constant 8 : i32
      %mul3A_622 = arith.muli %add3A_26, %mul3A_621 : i32
      %add3A_623 = arith.addi %mul3A_4, %mul3A_622 : i32
      %add3A_624 = arith.constant 7 : i32
      %add3A_625 = arith.addi %add3A_623, %add3A_624 : i32
      %dma_start3A_626 = arith.constant 1 : i32
      %dma_start3A_627 = arith.constant 0 : i32
      %dma_start3A_628 = tpu.memref_slice %arg6[%squeeze3A_620, %dma_start3A_627] : memref<2x1024xf32, #tpu.memory_space<vmem>> -> memref<1x1024xf32, #tpu.memory_space<vmem>>
      %dma_start3A_629 = tpu.memref_squeeze %dma_start3A_628 : memref<1x1024xf32, #tpu.memory_space<vmem>> -> memref<1024xf32, #tpu.memory_space<vmem>>
      %dma_start3A_630 = arith.constant 0 : i32
      %dma_start3A_631 = tpu.memref_slice %arg4[%add3A_625, %dma_start3A_626, %dma_start3A_630] : memref<4096x4x1024xf32, #tpu.memory_space<hbm>> -> memref<1x1x1024xf32, #tpu.memory_space<hbm>>
      %dma_start3A_632 = tpu.memref_squeeze %dma_start3A_631 : memref<1x1x1024xf32, #tpu.memory_space<hbm>> -> memref<1024xf32, #tpu.memory_space<hbm>>
      %dma_start3A_633 = arith.constant 0 : i32
      %dma_start3A_634 = tpu.memref_slice %arg4[%add3A_625, %dma_start3A_626, %dma_start3A_633] : memref<4096x4x1024xf32, #tpu.memory_space<hbm>> -> memref<1x1x1024xf32, #tpu.memory_space<hbm>>
      %dma_start3A_635 = tpu.memref_squeeze %dma_start3A_634 : memref<1x1x1024xf32, #tpu.memory_space<hbm>> -> memref<1024xf32, #tpu.memory_space<hbm>>
      %dma_start3A_636 = arith.constant 0 : i32
      %dma_start3A_637 = tpu.memref_slice %arg6[%squeeze3A_620, %dma_start3A_636] : memref<2x1024xf32, #tpu.memory_space<vmem>> -> memref<1x1024xf32, #tpu.memory_space<vmem>>
      %dma_start3A_638 = tpu.memref_squeeze %dma_start3A_637 : memref<1x1024xf32, #tpu.memory_space<vmem>> -> memref<1024xf32, #tpu.memory_space<vmem>>
      tpu.enqueue_dma source(%dma_start3A_638 : memref<1024xf32, #tpu.memory_space<vmem>>) target(%dma_start3A_635 : memref<1024xf32, #tpu.memory_space<hbm>>) target_semaphore(%arg8 : memref<!tpu.dma_semaphore, #tpu.memory_space<semaphore_mem>>)
      %slice3A_639 = vector.extract_strided_slice %get3A_358 {offsets = [14], sizes = [1], strides = [1]} : vector<16xi32> to vector<1xi32>
      %squeeze3A_640 = vector.extract %slice3A_639[0] : i32 from vector<1xi32>
      %mul3A_641 = arith.constant 8 : i32
      %mul3A_642 = arith.muli %add3A_26, %mul3A_641 : i32
      %add3A_643 = arith.addi %mul3A_4, %mul3A_642 : i32
      %add3A_644 = arith.constant 7 : i32
      %add3A_645 = arith.addi %add3A_643, %add3A_644 : i32
      %dma_start3A_646 = arith.constant 2 : i32
      %dma_start3A_647 = arith.constant 0 : i32
      %dma_start3A_648 = tpu.memref_slice %arg6[%squeeze3A_640, %dma_start3A_647] : memref<2x1024xf32, #tpu.memory_space<vmem>> -> memref<1x1024xf32, #tpu.memory_space<vmem>>
      %dma_start3A_649 = tpu.memref_squeeze %dma_start3A_648 : memref<1x1024xf32, #tpu.memory_space<vmem>> -> memref<1024xf32, #tpu.memory_space<vmem>>
      %dma_start3A_650 = arith.constant 0 : i32
      %dma_start3A_651 = tpu.memref_slice %arg4[%add3A_645, %dma_start3A_646, %dma_start3A_650] : memref<4096x4x1024xf32, #tpu.memory_space<hbm>> -> memref<1x1x1024xf32, #tpu.memory_space<hbm>>
      %dma_start3A_652 = tpu.memref_squeeze %dma_start3A_651 : memref<1x1x1024xf32, #tpu.memory_space<hbm>> -> memref<1024xf32, #tpu.memory_space<hbm>>
      %dma_start3A_653 = arith.constant 0 : i32
      %dma_start3A_654 = tpu.memref_slice %arg4[%add3A_645, %dma_start3A_646, %dma_start3A_653] : memref<4096x4x1024xf32, #tpu.memory_space<hbm>> -> memref<1x1x1024xf32, #tpu.memory_space<hbm>>
      %dma_start3A_655 = tpu.memref_squeeze %dma_start3A_654 : memref<1x1x1024xf32, #tpu.memory_space<hbm>> -> memref<1024xf32, #tpu.memory_space<hbm>>
      %dma_start3A_656 = arith.constant 0 : i32
      %dma_start3A_657 = tpu.memref_slice %arg6[%squeeze3A_640, %dma_start3A_656] : memref<2x1024xf32, #tpu.memory_space<vmem>> -> memref<1x1024xf32, #tpu.memory_space<vmem>>
      %dma_start3A_658 = tpu.memref_squeeze %dma_start3A_657 : memref<1x1024xf32, #tpu.memory_space<vmem>> -> memref<1024xf32, #tpu.memory_space<vmem>>
      tpu.enqueue_dma source(%dma_start3A_658 : memref<1024xf32, #tpu.memory_space<vmem>>) target(%dma_start3A_655 : memref<1024xf32, #tpu.memory_space<hbm>>) target_semaphore(%arg8 : memref<!tpu.dma_semaphore, #tpu.memory_space<semaphore_mem>>)
      %slice3A_659 = vector.extract_strided_slice %get3A_358 {offsets = [15], sizes = [1], strides = [1]} : vector<16xi32> to vector<1xi32>
      %squeeze3A_660 = vector.extract %slice3A_659[0] : i32 from vector<1xi32>
      %mul3A_661 = arith.constant 8 : i32
      %mul3A_662 = arith.muli %add3A_26, %mul3A_661 : i32
      %add3A_663 = arith.addi %mul3A_4, %mul3A_662 : i32
      %add3A_664 = arith.constant 7 : i32
      %add3A_665 = arith.addi %add3A_663, %add3A_664 : i32
      %dma_start3A_666 = arith.constant 3 : i32
      %dma_start3A_667 = arith.constant 0 : i32
      %dma_start3A_668 = tpu.memref_slice %arg6[%squeeze3A_660, %dma_start3A_667] : memref<2x1024xf32, #tpu.memory_space<vmem>> -> memref<1x1024xf32, #tpu.memory_space<vmem>>
      %dma_start3A_669 = tpu.memref_squeeze %dma_start3A_668 : memref<1x1024xf32, #tpu.memory_space<vmem>> -> memref<1024xf32, #tpu.memory_space<vmem>>
      %dma_start3A_670 = arith.constant 0 : i32
      %dma_start3A_671 = tpu.memref_slice %arg4[%add3A_665, %dma_start3A_666, %dma_start3A_670] : memref<4096x4x1024xf32, #tpu.memory_space<hbm>> -> memref<1x1x1024xf32, #tpu.memory_space<hbm>>
      %dma_start3A_672 = tpu.memref_squeeze %dma_start3A_671 : memref<1x1x1024xf32, #tpu.memory_space<hbm>> -> memref<1024xf32, #tpu.memory_space<hbm>>
      %dma_start3A_673 = arith.constant 0 : i32
      %dma_start3A_674 = tpu.memref_slice %arg4[%add3A_665, %dma_start3A_666, %dma_start3A_673] : memref<4096x4x1024xf32, #tpu.memory_space<hbm>> -> memref<1x1x1024xf32, #tpu.memory_space<hbm>>
      %dma_start3A_675 = tpu.memref_squeeze %dma_start3A_674 : memref<1x1x1024xf32, #tpu.memory_space<hbm>> -> memref<1024xf32, #tpu.memory_space<hbm>>
      %dma_start3A_676 = arith.constant 0 : i32
      %dma_start3A_677 = tpu.memref_slice %arg6[%squeeze3A_660, %dma_start3A_676] : memref<2x1024xf32, #tpu.memory_space<vmem>> -> memref<1x1024xf32, #tpu.memory_space<vmem>>
      %dma_start3A_678 = tpu.memref_squeeze %dma_start3A_677 : memref<1x1024xf32, #tpu.memory_space<vmem>> -> memref<1024xf32, #tpu.memory_space<vmem>>
      tpu.enqueue_dma source(%dma_start3A_678 : memref<1024xf32, #tpu.memory_space<vmem>>) target(%dma_start3A_675 : memref<1024xf32, #tpu.memory_space<hbm>>) target_semaphore(%arg8 : memref<!tpu.dma_semaphore, #tpu.memory_space<semaphore_mem>>)
      %add3A_679 = arith.constant 1 : i32
      %add3A_680 = arith.addi %add3A_24, %add3A_679 : i32
      %ge3A_681 = arith.constant 2 : i32
      %ge3A_682 = arith.cmpi sge, %add3A_680, %ge3A_681 : i32
      %convert_element_type3A_683 = arith.extui %ge3A_682 : i1 to i32
      %cond3A_684 = arith.constant 0 : i32
      %cond3A_685 = arith.cmpi ne, %convert_element_type3A_683, %cond3A_684 : i32
      scf.if %cond3A_685 {
        %dma_wait3A_1340 = arith.constant 0 : i32
        %dma_wait3A_1341 = arith.constant 0 : i32
        %dma_wait3A_1342 = tpu.memref_slice %arg4[%mul3A_4, %dma_wait3A_1340, %dma_wait3A_1341] : memref<4096x4x1024xf32, #tpu.memory_space<hbm>> -> memref<8x4x1024xf32, #tpu.memory_space<hbm>>
        %dma_wait3A_1343 = arith.constant 0 : i32
        %dma_wait3A_1344 = arith.constant 0 : i32
        %dma_wait3A_1345 = tpu.memref_slice %arg4[%mul3A_4, %dma_wait3A_1343, %dma_wait3A_1344] : memref<4096x4x1024xf32, #tpu.memory_space<hbm>> -> memref<8x4x1024xf32, #tpu.memory_space<hbm>>
        tpu.wait_dma2 semaphore(%arg9 : memref<!tpu.dma_semaphore, #tpu.memory_space<semaphore_mem>>) src(%arg7 : memref<8x4x1024xf32, #tpu.memory_space<vmem>>) dst(%dma_wait3A_1345 : memref<8x4x1024xf32, #tpu.memory_space<hbm>>)
      } else {
      }
      %mul3A_686 = arith.constant 32 : i32
      %mul3A_687 = arith.muli %add3A_680, %mul3A_686 : i32
      %add3A_688 = arith.constant 0 : i32
      %add3A_689 = arith.addi %mul3A_687, %add3A_688 : i32
      %get3A_690 = arith.index_cast %add3A_689 : i32 to index
      %get3A_691 = tpu.vector_load %arg5[%get3A_690] {strides = array<i32>} : memref<512xi32, #tpu.memory_space<vmem>>, vector<16xi32>,
      %get3A_692 = vector.shape_cast %get3A_691 : vector<16xi32> to vector<16xi32>
      %slice3A_693 = vector.extract_strided_slice %get3A_692 {offsets = [0], sizes = [1], strides = [1]} : vector<16xi32> to vector<1xi32>
      %squeeze3A_694 = vector.extract %slice3A_693[0] : i32 from vector<1xi32>
      %mul3A_695 = arith.constant 8 : i32
      %mul3A_696 = arith.muli %add3A_680, %mul3A_695 : i32
      %add3A_697 = arith.addi %mul3A_4, %mul3A_696 : i32
      %add3A_698 = arith.constant 0 : i32
      %add3A_699 = arith.addi %add3A_697, %add3A_698 : i32
      %dma_start3A_700 = arith.constant 0 : i32
      %dma_start3A_701 = arith.constant 0 : i32
      %dma_start3A_702 = tpu.memref_slice %arg6[%squeeze3A_694, %dma_start3A_701] : memref<2x1024xf32, #tpu.memory_space<vmem>> -> memref<1x1024xf32, #tpu.memory_space<vmem>>
      %dma_start3A_703 = tpu.memref_squeeze %dma_start3A_702 : memref<1x1024xf32, #tpu.memory_space<vmem>> -> memref<1024xf32, #tpu.memory_space<vmem>>
      %dma_start3A_704 = arith.constant 0 : i32
      %dma_start3A_705 = tpu.memref_slice %arg4[%add3A_699, %dma_start3A_700, %dma_start3A_704] : memref<4096x4x1024xf32, #tpu.memory_space<hbm>> -> memref<1x1x1024xf32, #tpu.memory_space<hbm>>
      %dma_start3A_706 = tpu.memref_squeeze %dma_start3A_705 : memref<1x1x1024xf32, #tpu.memory_space<hbm>> -> memref<1024xf32, #tpu.memory_space<hbm>>
      %dma_start3A_707 = arith.constant 0 : i32
      %dma_start3A_708 = tpu.memref_slice %arg4[%add3A_699, %dma_start3A_700, %dma_start3A_707] : memref<4096x4x1024xf32, #tpu.memory_space<hbm>> -> memref<1x1x1024xf32, #tpu.memory_space<hbm>>
      %dma_start3A_709 = tpu.memref_squeeze %dma_start3A_708 : memref<1x1x1024xf32, #tpu.memory_space<hbm>> -> memref<1024xf32, #tpu.memory_space<hbm>>
      %dma_start3A_710 = arith.constant 0 : i32
      %dma_start3A_711 = tpu.memref_slice %arg6[%squeeze3A_694, %dma_start3A_710] : memref<2x1024xf32, #tpu.memory_space<vmem>> -> memref<1x1024xf32, #tpu.memory_space<vmem>>
      %dma_start3A_712 = tpu.memref_squeeze %dma_start3A_711 : memref<1x1024xf32, #tpu.memory_space<vmem>> -> memref<1024xf32, #tpu.memory_space<vmem>>
      tpu.enqueue_dma source(%dma_start3A_712 : memref<1024xf32, #tpu.memory_space<vmem>>) target(%dma_start3A_709 : memref<1024xf32, #tpu.memory_space<hbm>>) target_semaphore(%arg9 : memref<!tpu.dma_semaphore, #tpu.memory_space<semaphore_mem>>)
      %slice3A_713 = vector.extract_strided_slice %get3A_692 {offsets = [1], sizes = [1], strides = [1]} : vector<16xi32> to vector<1xi32>
      %squeeze3A_714 = vector.extract %slice3A_713[0] : i32 from vector<1xi32>
      %mul3A_715 = arith.constant 8 : i32
      %mul3A_716 = arith.muli %add3A_680, %mul3A_715 : i32
      %add3A_717 = arith.addi %mul3A_4, %mul3A_716 : i32
      %add3A_718 = arith.constant 0 : i32
      %add3A_719 = arith.addi %add3A_717, %add3A_718 : i32
      %dma_start3A_720 = arith.constant 1 : i32
      %dma_start3A_721 = arith.constant 0 : i32
      %dma_start3A_722 = tpu.memref_slice %arg6[%squeeze3A_714, %dma_start3A_721] : memref<2x1024xf32, #tpu.memory_space<vmem>> -> memref<1x1024xf32, #tpu.memory_space<vmem>>
      %dma_start3A_723 = tpu.memref_squeeze %dma_start3A_722 : memref<1x1024xf32, #tpu.memory_space<vmem>> -> memref<1024xf32, #tpu.memory_space<vmem>>
      %dma_start3A_724 = arith.constant 0 : i32
      %dma_start3A_725 = tpu.memref_slice %arg4[%add3A_719, %dma_start3A_720, %dma_start3A_724] : memref<4096x4x1024xf32, #tpu.memory_space<hbm>> -> memref<1x1x1024xf32, #tpu.memory_space<hbm>>
      %dma_start3A_726 = tpu.memref_squeeze %dma_start3A_725 : memref<1x1x1024xf32, #tpu.memory_space<hbm>> -> memref<1024xf32, #tpu.memory_space<hbm>>
      %dma_start3A_727 = arith.constant 0 : i32
      %dma_start3A_728 = tpu.memref_slice %arg4[%add3A_719, %dma_start3A_720, %dma_start3A_727] : memref<4096x4x1024xf32, #tpu.memory_space<hbm>> -> memref<1x1x1024xf32, #tpu.memory_space<hbm>>
      %dma_start3A_729 = tpu.memref_squeeze %dma_start3A_728 : memref<1x1x1024xf32, #tpu.memory_space<hbm>> -> memref<1024xf32, #tpu.memory_space<hbm>>
      %dma_start3A_730 = arith.constant 0 : i32
      %dma_start3A_731 = tpu.memref_slice %arg6[%squeeze3A_714, %dma_start3A_730] : memref<2x1024xf32, #tpu.memory_space<vmem>> -> memref<1x1024xf32, #tpu.memory_space<vmem>>
      %dma_start3A_732 = tpu.memref_squeeze %dma_start3A_731 : memref<1x1024xf32, #tpu.memory_space<vmem>> -> memref<1024xf32, #tpu.memory_space<vmem>>
      tpu.enqueue_dma source(%dma_start3A_732 : memref<1024xf32, #tpu.memory_space<vmem>>) target(%dma_start3A_729 : memref<1024xf32, #tpu.memory_space<hbm>>) target_semaphore(%arg9 : memref<!tpu.dma_semaphore, #tpu.memory_space<semaphore_mem>>)
      %slice3A_733 = vector.extract_strided_slice %get3A_692 {offsets = [2], sizes = [1], strides = [1]} : vector<16xi32> to vector<1xi32>
      %squeeze3A_734 = vector.extract %slice3A_733[0] : i32 from vector<1xi32>
      %mul3A_735 = arith.constant 8 : i32
      %mul3A_736 = arith.muli %add3A_680, %mul3A_735 : i32
      %add3A_737 = arith.addi %mul3A_4, %mul3A_736 : i32
      %add3A_738 = arith.constant 0 : i32
      %add3A_739 = arith.addi %add3A_737, %add3A_738 : i32
      %dma_start3A_740 = arith.constant 2 : i32
      %dma_start3A_741 = arith.constant 0 : i32
      %dma_start3A_742 = tpu.memref_slice %arg6[%squeeze3A_734, %dma_start3A_741] : memref<2x1024xf32, #tpu.memory_space<vmem>> -> memref<1x1024xf32, #tpu.memory_space<vmem>>
      %dma_start3A_743 = tpu.memref_squeeze %dma_start3A_742 : memref<1x1024xf32, #tpu.memory_space<vmem>> -> memref<1024xf32, #tpu.memory_space<vmem>>
      %dma_start3A_744 = arith.constant 0 : i32
      %dma_start3A_745 = tpu.memref_slice %arg4[%add3A_739, %dma_start3A_740, %dma_start3A_744] : memref<4096x4x1024xf32, #tpu.memory_space<hbm>> -> memref<1x1x1024xf32, #tpu.memory_space<hbm>>
      %dma_start3A_746 = tpu.memref_squeeze %dma_start3A_745 : memref<1x1x1024xf32, #tpu.memory_space<hbm>> -> memref<1024xf32, #tpu.memory_space<hbm>>
      %dma_start3A_747 = arith.constant 0 : i32
      %dma_start3A_748 = tpu.memref_slice %arg4[%add3A_739, %dma_start3A_740, %dma_start3A_747] : memref<4096x4x1024xf32, #tpu.memory_space<hbm>> -> memref<1x1x1024xf32, #tpu.memory_space<hbm>>
      %dma_start3A_749 = tpu.memref_squeeze %dma_start3A_748 : memref<1x1x1024xf32, #tpu.memory_space<hbm>> -> memref<1024xf32, #tpu.memory_space<hbm>>
      %dma_start3A_750 = arith.constant 0 : i32
      %dma_start3A_751 = tpu.memref_slice %arg6[%squeeze3A_734, %dma_start3A_750] : memref<2x1024xf32, #tpu.memory_space<vmem>> -> memref<1x1024xf32, #tpu.memory_space<vmem>>
      %dma_start3A_752 = tpu.memref_squeeze %dma_start3A_751 : memref<1x1024xf32, #tpu.memory_space<vmem>> -> memref<1024xf32, #tpu.memory_space<vmem>>
      tpu.enqueue_dma source(%dma_start3A_752 : memref<1024xf32, #tpu.memory_space<vmem>>) target(%dma_start3A_749 : memref<1024xf32, #tpu.memory_space<hbm>>) target_semaphore(%arg9 : memref<!tpu.dma_semaphore, #tpu.memory_space<semaphore_mem>>)
      %slice3A_753 = vector.extract_strided_slice %get3A_692 {offsets = [3], sizes = [1], strides = [1]} : vector<16xi32> to vector<1xi32>
      %squeeze3A_754 = vector.extract %slice3A_753[0] : i32 from vector<1xi32>
      %mul3A_755 = arith.constant 8 : i32
      %mul3A_756 = arith.muli %add3A_680, %mul3A_755 : i32
      %add3A_757 = arith.addi %mul3A_4, %mul3A_756 : i32
      %add3A_758 = arith.constant 0 : i32
      %add3A_759 = arith.addi %add3A_757, %add3A_758 : i32
      %dma_start3A_760 = arith.constant 3 : i32
      %dma_start3A_761 = arith.constant 0 : i32
      %dma_start3A_762 = tpu.memref_slice %arg6[%squeeze3A_754, %dma_start3A_761] : memref<2x1024xf32, #tpu.memory_space<vmem>> -> memref<1x1024xf32, #tpu.memory_space<vmem>>
      %dma_start3A_763 = tpu.memref_squeeze %dma_start3A_762 : memref<1x1024xf32, #tpu.memory_space<vmem>> -> memref<1024xf32, #tpu.memory_space<vmem>>
      %dma_start3A_764 = arith.constant 0 : i32
      %dma_start3A_765 = tpu.memref_slice %arg4[%add3A_759, %dma_start3A_760, %dma_start3A_764] : memref<4096x4x1024xf32, #tpu.memory_space<hbm>> -> memref<1x1x1024xf32, #tpu.memory_space<hbm>>
      %dma_start3A_766 = tpu.memref_squeeze %dma_start3A_765 : memref<1x1x1024xf32, #tpu.memory_space<hbm>> -> memref<1024xf32, #tpu.memory_space<hbm>>
      %dma_start3A_767 = arith.constant 0 : i32
      %dma_start3A_768 = tpu.memref_slice %arg4[%add3A_759, %dma_start3A_760, %dma_start3A_767] : memref<4096x4x1024xf32, #tpu.memory_space<hbm>> -> memref<1x1x1024xf32, #tpu.memory_space<hbm>>
      %dma_start3A_769 = tpu.memref_squeeze %dma_start3A_768 : memref<1x1x1024xf32, #tpu.memory_space<hbm>> -> memref<1024xf32, #tpu.memory_space<hbm>>
      %dma_start3A_770 = arith.constant 0 : i32
      %dma_start3A_771 = tpu.memref_slice %arg6[%squeeze3A_754, %dma_start3A_770] : memref<2x1024xf32, #tpu.memory_space<vmem>> -> memref<1x1024xf32, #tpu.memory_space<vmem>>
      %dma_start3A_772 = tpu.memref_squeeze %dma_start3A_771 : memref<1x1024xf32, #tpu.memory_space<vmem>> -> memref<1024xf32, #tpu.memory_space<vmem>>
      tpu.enqueue_dma source(%dma_start3A_772 : memref<1024xf32, #tpu.memory_space<vmem>>) target(%dma_start3A_769 : memref<1024xf32, #tpu.memory_space<hbm>>) target_semaphore(%arg9 : memref<!tpu.dma_semaphore, #tpu.memory_space<semaphore_mem>>)
      %slice3A_773 = vector.extract_strided_slice %get3A_692 {offsets = [4], sizes = [1], strides = [1]} : vector<16xi32> to vector<1xi32>
      %squeeze3A_774 = vector.extract %slice3A_773[0] : i32 from vector<1xi32>
      %mul3A_775 = arith.constant 8 : i32
      %mul3A_776 = arith.muli %add3A_680, %mul3A_775 : i32
      %add3A_777 = arith.addi %mul3A_4, %mul3A_776 : i32
      %add3A_778 = arith.constant 1 : i32
      %add3A_779 = arith.addi %add3A_777, %add3A_778 : i32
      %dma_start3A_780 = arith.constant 0 : i32
      %dma_start3A_781 = arith.constant 0 : i32
      %dma_start3A_782 = tpu.memref_slice %arg6[%squeeze3A_774, %dma_start3A_781] : memref<2x1024xf32, #tpu.memory_space<vmem>> -> memref<1x1024xf32, #tpu.memory_space<vmem>>
      %dma_start3A_783 = tpu.memref_squeeze %dma_start3A_782 : memref<1x1024xf32, #tpu.memory_space<vmem>> -> memref<1024xf32, #tpu.memory_space<vmem>>
      %dma_start3A_784 = arith.constant 0 : i32
      %dma_start3A_785 = tpu.memref_slice %arg4[%add3A_779, %dma_start3A_780, %dma_start3A_784] : memref<4096x4x1024xf32, #tpu.memory_space<hbm>> -> memref<1x1x1024xf32, #tpu.memory_space<hbm>>
      %dma_start3A_786 = tpu.memref_squeeze %dma_start3A_785 : memref<1x1x1024xf32, #tpu.memory_space<hbm>> -> memref<1024xf32, #tpu.memory_space<hbm>>
      %dma_start3A_787 = arith.constant 0 : i32
      %dma_start3A_788 = tpu.memref_slice %arg4[%add3A_779, %dma_start3A_780, %dma_start3A_787] : memref<4096x4x1024xf32, #tpu.memory_space<hbm>> -> memref<1x1x1024xf32, #tpu.memory_space<hbm>>
      %dma_start3A_789 = tpu.memref_squeeze %dma_start3A_788 : memref<1x1x1024xf32, #tpu.memory_space<hbm>> -> memref<1024xf32, #tpu.memory_space<hbm>>
      %dma_start3A_790 = arith.constant 0 : i32
      %dma_start3A_791 = tpu.memref_slice %arg6[%squeeze3A_774, %dma_start3A_790] : memref<2x1024xf32, #tpu.memory_space<vmem>> -> memref<1x1024xf32, #tpu.memory_space<vmem>>
      %dma_start3A_792 = tpu.memref_squeeze %dma_start3A_791 : memref<1x1024xf32, #tpu.memory_space<vmem>> -> memref<1024xf32, #tpu.memory_space<vmem>>
      tpu.enqueue_dma source(%dma_start3A_792 : memref<1024xf32, #tpu.memory_space<vmem>>) target(%dma_start3A_789 : memref<1024xf32, #tpu.memory_space<hbm>>) target_semaphore(%arg9 : memref<!tpu.dma_semaphore, #tpu.memory_space<semaphore_mem>>)
      %slice3A_793 = vector.extract_strided_slice %get3A_692 {offsets = [5], sizes = [1], strides = [1]} : vector<16xi32> to vector<1xi32>
      %squeeze3A_794 = vector.extract %slice3A_793[0] : i32 from vector<1xi32>
      %mul3A_795 = arith.constant 8 : i32
      %mul3A_796 = arith.muli %add3A_680, %mul3A_795 : i32
      %add3A_797 = arith.addi %mul3A_4, %mul3A_796 : i32
      %add3A_798 = arith.constant 1 : i32
      %add3A_799 = arith.addi %add3A_797, %add3A_798 : i32
      %dma_start3A_800 = arith.constant 1 : i32
      %dma_start3A_801 = arith.constant 0 : i32
      %dma_start3A_802 = tpu.memref_slice %arg6[%squeeze3A_794, %dma_start3A_801] : memref<2x1024xf32, #tpu.memory_space<vmem>> -> memref<1x1024xf32, #tpu.memory_space<vmem>>
      %dma_start3A_803 = tpu.memref_squeeze %dma_start3A_802 : memref<1x1024xf32, #tpu.memory_space<vmem>> -> memref<1024xf32, #tpu.memory_space<vmem>>
      %dma_start3A_804 = arith.constant 0 : i32
      %dma_start3A_805 = tpu.memref_slice %arg4[%add3A_799, %dma_start3A_800, %dma_start3A_804] : memref<4096x4x1024xf32, #tpu.memory_space<hbm>> -> memref<1x1x1024xf32, #tpu.memory_space<hbm>>
      %dma_start3A_806 = tpu.memref_squeeze %dma_start3A_805 : memref<1x1x1024xf32, #tpu.memory_space<hbm>> -> memref<1024xf32, #tpu.memory_space<hbm>>
      %dma_start3A_807 = arith.constant 0 : i32
      %dma_start3A_808 = tpu.memref_slice %arg4[%add3A_799, %dma_start3A_800, %dma_start3A_807] : memref<4096x4x1024xf32, #tpu.memory_space<hbm>> -> memref<1x1x1024xf32, #tpu.memory_space<hbm>>
      %dma_start3A_809 = tpu.memref_squeeze %dma_start3A_808 : memref<1x1x1024xf32, #tpu.memory_space<hbm>> -> memref<1024xf32, #tpu.memory_space<hbm>>
      %dma_start3A_810 = arith.constant 0 : i32
      %dma_start3A_811 = tpu.memref_slice %arg6[%squeeze3A_794, %dma_start3A_810] : memref<2x1024xf32, #tpu.memory_space<vmem>> -> memref<1x1024xf32, #tpu.memory_space<vmem>>
      %dma_start3A_812 = tpu.memref_squeeze %dma_start3A_811 : memref<1x1024xf32, #tpu.memory_space<vmem>> -> memref<1024xf32, #tpu.memory_space<vmem>>
      tpu.enqueue_dma source(%dma_start3A_812 : memref<1024xf32, #tpu.memory_space<vmem>>) target(%dma_start3A_809 : memref<1024xf32, #tpu.memory_space<hbm>>) target_semaphore(%arg9 : memref<!tpu.dma_semaphore, #tpu.memory_space<semaphore_mem>>)
      %slice3A_813 = vector.extract_strided_slice %get3A_692 {offsets = [6], sizes = [1], strides = [1]} : vector<16xi32> to vector<1xi32>
      %squeeze3A_814 = vector.extract %slice3A_813[0] : i32 from vector<1xi32>
      %mul3A_815 = arith.constant 8 : i32
      %mul3A_816 = arith.muli %add3A_680, %mul3A_815 : i32
      %add3A_817 = arith.addi %mul3A_4, %mul3A_816 : i32
      %add3A_818 = arith.constant 1 : i32
      %add3A_819 = arith.addi %add3A_817, %add3A_818 : i32
      %dma_start3A_820 = arith.constant 2 : i32
      %dma_start3A_821 = arith.constant 0 : i32
      %dma_start3A_822 = tpu.memref_slice %arg6[%squeeze3A_814, %dma_start3A_821] : memref<2x1024xf32, #tpu.memory_space<vmem>> -> memref<1x1024xf32, #tpu.memory_space<vmem>>
      %dma_start3A_823 = tpu.memref_squeeze %dma_start3A_822 : memref<1x1024xf32, #tpu.memory_space<vmem>> -> memref<1024xf32, #tpu.memory_space<vmem>>
      %dma_start3A_824 = arith.constant 0 : i32
      %dma_start3A_825 = tpu.memref_slice %arg4[%add3A_819, %dma_start3A_820, %dma_start3A_824] : memref<4096x4x1024xf32, #tpu.memory_space<hbm>> -> memref<1x1x1024xf32, #tpu.memory_space<hbm>>
      %dma_start3A_826 = tpu.memref_squeeze %dma_start3A_825 : memref<1x1x1024xf32, #tpu.memory_space<hbm>> -> memref<1024xf32, #tpu.memory_space<hbm>>
      %dma_start3A_827 = arith.constant 0 : i32
      %dma_start3A_828 = tpu.memref_slice %arg4[%add3A_819, %dma_start3A_820, %dma_start3A_827] : memref<4096x4x1024xf32, #tpu.memory_space<hbm>> -> memref<1x1x1024xf32, #tpu.memory_space<hbm>>
      %dma_start3A_829 = tpu.memref_squeeze %dma_start3A_828 : memref<1x1x1024xf32, #tpu.memory_space<hbm>> -> memref<1024xf32, #tpu.memory_space<hbm>>
      %dma_start3A_830 = arith.constant 0 : i32
      %dma_start3A_831 = tpu.memref_slice %arg6[%squeeze3A_814, %dma_start3A_830] : memref<2x1024xf32, #tpu.memory_space<vmem>> -> memref<1x1024xf32, #tpu.memory_space<vmem>>
      %dma_start3A_832 = tpu.memref_squeeze %dma_start3A_831 : memref<1x1024xf32, #tpu.memory_space<vmem>> -> memref<1024xf32, #tpu.memory_space<vmem>>
      tpu.enqueue_dma source(%dma_start3A_832 : memref<1024xf32, #tpu.memory_space<vmem>>) target(%dma_start3A_829 : memref<1024xf32, #tpu.memory_space<hbm>>) target_semaphore(%arg9 : memref<!tpu.dma_semaphore, #tpu.memory_space<semaphore_mem>>)
      %slice3A_833 = vector.extract_strided_slice %get3A_692 {offsets = [7], sizes = [1], strides = [1]} : vector<16xi32> to vector<1xi32>
      %squeeze3A_834 = vector.extract %slice3A_833[0] : i32 from vector<1xi32>
      %mul3A_835 = arith.constant 8 : i32
      %mul3A_836 = arith.muli %add3A_680, %mul3A_835 : i32
      %add3A_837 = arith.addi %mul3A_4, %mul3A_836 : i32
      %add3A_838 = arith.constant 1 : i32
      %add3A_839 = arith.addi %add3A_837, %add3A_838 : i32
      %dma_start3A_840 = arith.constant 3 : i32
      %dma_start3A_841 = arith.constant 0 : i32
      %dma_start3A_842 = tpu.memref_slice %arg6[%squeeze3A_834, %dma_start3A_841] : memref<2x1024xf32, #tpu.memory_space<vmem>> -> memref<1x1024xf32, #tpu.memory_space<vmem>>
      %dma_start3A_843 = tpu.memref_squeeze %dma_start3A_842 : memref<1x1024xf32, #tpu.memory_space<vmem>> -> memref<1024xf32, #tpu.memory_space<vmem>>
      %dma_start3A_844 = arith.constant 0 : i32
      %dma_start3A_845 = tpu.memref_slice %arg4[%add3A_839, %dma_start3A_840, %dma_start3A_844] : memref<4096x4x1024xf32, #tpu.memory_space<hbm>> -> memref<1x1x1024xf32, #tpu.memory_space<hbm>>
      %dma_start3A_846 = tpu.memref_squeeze %dma_start3A_845 : memref<1x1x1024xf32, #tpu.memory_space<hbm>> -> memref<1024xf32, #tpu.memory_space<hbm>>
      %dma_start3A_847 = arith.constant 0 : i32
      %dma_start3A_848 = tpu.memref_slice %arg4[%add3A_839, %dma_start3A_840, %dma_start3A_847] : memref<4096x4x1024xf32, #tpu.memory_space<hbm>> -> memref<1x1x1024xf32, #tpu.memory_space<hbm>>
      %dma_start3A_849 = tpu.memref_squeeze %dma_start3A_848 : memref<1x1x1024xf32, #tpu.memory_space<hbm>> -> memref<1024xf32, #tpu.memory_space<hbm>>
      %dma_start3A_850 = arith.constant 0 : i32
      %dma_start3A_851 = tpu.memref_slice %arg6[%squeeze3A_834, %dma_start3A_850] : memref<2x1024xf32, #tpu.memory_space<vmem>> -> memref<1x1024xf32, #tpu.memory_space<vmem>>
      %dma_start3A_852 = tpu.memref_squeeze %dma_start3A_851 : memref<1x1024xf32, #tpu.memory_space<vmem>> -> memref<1024xf32, #tpu.memory_space<vmem>>
      tpu.enqueue_dma source(%dma_start3A_852 : memref<1024xf32, #tpu.memory_space<vmem>>) target(%dma_start3A_849 : memref<1024xf32, #tpu.memory_space<hbm>>) target_semaphore(%arg9 : memref<!tpu.dma_semaphore, #tpu.memory_space<semaphore_mem>>)
      %slice3A_853 = vector.extract_strided_slice %get3A_692 {offsets = [8], sizes = [1], strides = [1]} : vector<16xi32> to vector<1xi32>
      %squeeze3A_854 = vector.extract %slice3A_853[0] : i32 from vector<1xi32>
      %mul3A_855 = arith.constant 8 : i32
      %mul3A_856 = arith.muli %add3A_680, %mul3A_855 : i32
      %add3A_857 = arith.addi %mul3A_4, %mul3A_856 : i32
      %add3A_858 = arith.constant 2 : i32
      %add3A_859 = arith.addi %add3A_857, %add3A_858 : i32
      %dma_start3A_860 = arith.constant 0 : i32
      %dma_start3A_861 = arith.constant 0 : i32
      %dma_start3A_862 = tpu.memref_slice %arg6[%squeeze3A_854, %dma_start3A_861] : memref<2x1024xf32, #tpu.memory_space<vmem>> -> memref<1x1024xf32, #tpu.memory_space<vmem>>
      %dma_start3A_863 = tpu.memref_squeeze %dma_start3A_862 : memref<1x1024xf32, #tpu.memory_space<vmem>> -> memref<1024xf32, #tpu.memory_space<vmem>>
      %dma_start3A_864 = arith.constant 0 : i32
      %dma_start3A_865 = tpu.memref_slice %arg4[%add3A_859, %dma_start3A_860, %dma_start3A_864] : memref<4096x4x1024xf32, #tpu.memory_space<hbm>> -> memref<1x1x1024xf32, #tpu.memory_space<hbm>>
      %dma_start3A_866 = tpu.memref_squeeze %dma_start3A_865 : memref<1x1x1024xf32, #tpu.memory_space<hbm>> -> memref<1024xf32, #tpu.memory_space<hbm>>
      %dma_start3A_867 = arith.constant 0 : i32
      %dma_start3A_868 = tpu.memref_slice %arg4[%add3A_859, %dma_start3A_860, %dma_start3A_867] : memref<4096x4x1024xf32, #tpu.memory_space<hbm>> -> memref<1x1x1024xf32, #tpu.memory_space<hbm>>
      %dma_start3A_869 = tpu.memref_squeeze %dma_start3A_868 : memref<1x1x1024xf32, #tpu.memory_space<hbm>> -> memref<1024xf32, #tpu.memory_space<hbm>>
      %dma_start3A_870 = arith.constant 0 : i32
      %dma_start3A_871 = tpu.memref_slice %arg6[%squeeze3A_854, %dma_start3A_870] : memref<2x1024xf32, #tpu.memory_space<vmem>> -> memref<1x1024xf32, #tpu.memory_space<vmem>>
      %dma_start3A_872 = tpu.memref_squeeze %dma_start3A_871 : memref<1x1024xf32, #tpu.memory_space<vmem>> -> memref<1024xf32, #tpu.memory_space<vmem>>
      tpu.enqueue_dma source(%dma_start3A_872 : memref<1024xf32, #tpu.memory_space<vmem>>) target(%dma_start3A_869 : memref<1024xf32, #tpu.memory_space<hbm>>) target_semaphore(%arg9 : memref<!tpu.dma_semaphore, #tpu.memory_space<semaphore_mem>>)
      %slice3A_873 = vector.extract_strided_slice %get3A_692 {offsets = [9], sizes = [1], strides = [1]} : vector<16xi32> to vector<1xi32>
      %squeeze3A_874 = vector.extract %slice3A_873[0] : i32 from vector<1xi32>
      %mul3A_875 = arith.constant 8 : i32
      %mul3A_876 = arith.muli %add3A_680, %mul3A_875 : i32
      %add3A_877 = arith.addi %mul3A_4, %mul3A_876 : i32
      %add3A_878 = arith.constant 2 : i32
      %add3A_879 = arith.addi %add3A_877, %add3A_878 : i32
      %dma_start3A_880 = arith.constant 1 : i32
      %dma_start3A_881 = arith.constant 0 : i32
      %dma_start3A_882 = tpu.memref_slice %arg6[%squeeze3A_874, %dma_start3A_881] : memref<2x1024xf32, #tpu.memory_space<vmem>> -> memref<1x1024xf32, #tpu.memory_space<vmem>>
      %dma_start3A_883 = tpu.memref_squeeze %dma_start3A_882 : memref<1x1024xf32, #tpu.memory_space<vmem>> -> memref<1024xf32, #tpu.memory_space<vmem>>
      %dma_start3A_884 = arith.constant 0 : i32
      %dma_start3A_885 = tpu.memref_slice %arg4[%add3A_879, %dma_start3A_880, %dma_start3A_884] : memref<4096x4x1024xf32, #tpu.memory_space<hbm>> -> memref<1x1x1024xf32, #tpu.memory_space<hbm>>
      %dma_start3A_886 = tpu.memref_squeeze %dma_start3A_885 : memref<1x1x1024xf32, #tpu.memory_space<hbm>> -> memref<1024xf32, #tpu.memory_space<hbm>>
      %dma_start3A_887 = arith.constant 0 : i32
      %dma_start3A_888 = tpu.memref_slice %arg4[%add3A_879, %dma_start3A_880, %dma_start3A_887] : memref<4096x4x1024xf32, #tpu.memory_space<hbm>> -> memref<1x1x1024xf32, #tpu.memory_space<hbm>>
      %dma_start3A_889 = tpu.memref_squeeze %dma_start3A_888 : memref<1x1x1024xf32, #tpu.memory_space<hbm>> -> memref<1024xf32, #tpu.memory_space<hbm>>
      %dma_start3A_890 = arith.constant 0 : i32
      %dma_start3A_891 = tpu.memref_slice %arg6[%squeeze3A_874, %dma_start3A_890] : memref<2x1024xf32, #tpu.memory_space<vmem>> -> memref<1x1024xf32, #tpu.memory_space<vmem>>
      %dma_start3A_892 = tpu.memref_squeeze %dma_start3A_891 : memref<1x1024xf32, #tpu.memory_space<vmem>> -> memref<1024xf32, #tpu.memory_space<vmem>>
      tpu.enqueue_dma source(%dma_start3A_892 : memref<1024xf32, #tpu.memory_space<vmem>>) target(%dma_start3A_889 : memref<1024xf32, #tpu.memory_space<hbm>>) target_semaphore(%arg9 : memref<!tpu.dma_semaphore, #tpu.memory_space<semaphore_mem>>)
      %slice3A_893 = vector.extract_strided_slice %get3A_692 {offsets = [10], sizes = [1], strides = [1]} : vector<16xi32> to vector<1xi32>
      %squeeze3A_894 = vector.extract %slice3A_893[0] : i32 from vector<1xi32>
      %mul3A_895 = arith.constant 8 : i32
      %mul3A_896 = arith.muli %add3A_680, %mul3A_895 : i32
      %add3A_897 = arith.addi %mul3A_4, %mul3A_896 : i32
      %add3A_898 = arith.constant 2 : i32
      %add3A_899 = arith.addi %add3A_897, %add3A_898 : i32
      %dma_start3A_900 = arith.constant 2 : i32
      %dma_start3A_901 = arith.constant 0 : i32
      %dma_start3A_902 = tpu.memref_slice %arg6[%squeeze3A_894, %dma_start3A_901] : memref<2x1024xf32, #tpu.memory_space<vmem>> -> memref<1x1024xf32, #tpu.memory_space<vmem>>
      %dma_start3A_903 = tpu.memref_squeeze %dma_start3A_902 : memref<1x1024xf32, #tpu.memory_space<vmem>> -> memref<1024xf32, #tpu.memory_space<vmem>>
      %dma_start3A_904 = arith.constant 0 : i32
      %dma_start3A_905 = tpu.memref_slice %arg4[%add3A_899, %dma_start3A_900, %dma_start3A_904] : memref<4096x4x1024xf32, #tpu.memory_space<hbm>> -> memref<1x1x1024xf32, #tpu.memory_space<hbm>>
      %dma_start3A_906 = tpu.memref_squeeze %dma_start3A_905 : memref<1x1x1024xf32, #tpu.memory_space<hbm>> -> memref<1024xf32, #tpu.memory_space<hbm>>
      %dma_start3A_907 = arith.constant 0 : i32
      %dma_start3A_908 = tpu.memref_slice %arg4[%add3A_899, %dma_start3A_900, %dma_start3A_907] : memref<4096x4x1024xf32, #tpu.memory_space<hbm>> -> memref<1x1x1024xf32, #tpu.memory_space<hbm>>
      %dma_start3A_909 = tpu.memref_squeeze %dma_start3A_908 : memref<1x1x1024xf32, #tpu.memory_space<hbm>> -> memref<1024xf32, #tpu.memory_space<hbm>>
      %dma_start3A_910 = arith.constant 0 : i32
      %dma_start3A_911 = tpu.memref_slice %arg6[%squeeze3A_894, %dma_start3A_910] : memref<2x1024xf32, #tpu.memory_space<vmem>> -> memref<1x1024xf32, #tpu.memory_space<vmem>>
      %dma_start3A_912 = tpu.memref_squeeze %dma_start3A_911 : memref<1x1024xf32, #tpu.memory_space<vmem>> -> memref<1024xf32, #tpu.memory_space<vmem>>
      tpu.enqueue_dma source(%dma_start3A_912 : memref<1024xf32, #tpu.memory_space<vmem>>) target(%dma_start3A_909 : memref<1024xf32, #tpu.memory_space<hbm>>) target_semaphore(%arg9 : memref<!tpu.dma_semaphore, #tpu.memory_space<semaphore_mem>>)
      %slice3A_913 = vector.extract_strided_slice %get3A_692 {offsets = [11], sizes = [1], strides = [1]} : vector<16xi32> to vector<1xi32>
      %squeeze3A_914 = vector.extract %slice3A_913[0] : i32 from vector<1xi32>
      %mul3A_915 = arith.constant 8 : i32
      %mul3A_916 = arith.muli %add3A_680, %mul3A_915 : i32
      %add3A_917 = arith.addi %mul3A_4, %mul3A_916 : i32
      %add3A_918 = arith.constant 2 : i32
      %add3A_919 = arith.addi %add3A_917, %add3A_918 : i32
      %dma_start3A_920 = arith.constant 3 : i32
      %dma_start3A_921 = arith.constant 0 : i32
      %dma_start3A_922 = tpu.memref_slice %arg6[%squeeze3A_914, %dma_start3A_921] : memref<2x1024xf32, #tpu.memory_space<vmem>> -> memref<1x1024xf32, #tpu.memory_space<vmem>>
      %dma_start3A_923 = tpu.memref_squeeze %dma_start3A_922 : memref<1x1024xf32, #tpu.memory_space<vmem>> -> memref<1024xf32, #tpu.memory_space<vmem>>
      %dma_start3A_924 = arith.constant 0 : i32
      %dma_start3A_925 = tpu.memref_slice %arg4[%add3A_919, %dma_start3A_920, %dma_start3A_924] : memref<4096x4x1024xf32, #tpu.memory_space<hbm>> -> memref<1x1x1024xf32, #tpu.memory_space<hbm>>
      %dma_start3A_926 = tpu.memref_squeeze %dma_start3A_925 : memref<1x1x1024xf32, #tpu.memory_space<hbm>> -> memref<1024xf32, #tpu.memory_space<hbm>>
      %dma_start3A_927 = arith.constant 0 : i32
      %dma_start3A_928 = tpu.memref_slice %arg4[%add3A_919, %dma_start3A_920, %dma_start3A_927] : memref<4096x4x1024xf32, #tpu.memory_space<hbm>> -> memref<1x1x1024xf32, #tpu.memory_space<hbm>>
      %dma_start3A_929 = tpu.memref_squeeze %dma_start3A_928 : memref<1x1x1024xf32, #tpu.memory_space<hbm>> -> memref<1024xf32, #tpu.memory_space<hbm>>
      %dma_start3A_930 = arith.constant 0 : i32
      %dma_start3A_931 = tpu.memref_slice %arg6[%squeeze3A_914, %dma_start3A_930] : memref<2x1024xf32, #tpu.memory_space<vmem>> -> memref<1x1024xf32, #tpu.memory_space<vmem>>
      %dma_start3A_932 = tpu.memref_squeeze %dma_start3A_931 : memref<1x1024xf32, #tpu.memory_space<vmem>> -> memref<1024xf32, #tpu.memory_space<vmem>>
      tpu.enqueue_dma source(%dma_start3A_932 : memref<1024xf32, #tpu.memory_space<vmem>>) target(%dma_start3A_929 : memref<1024xf32, #tpu.memory_space<hbm>>) target_semaphore(%arg9 : memref<!tpu.dma_semaphore, #tpu.memory_space<semaphore_mem>>)
      %slice3A_933 = vector.extract_strided_slice %get3A_692 {offsets = [12], sizes = [1], strides = [1]} : vector<16xi32> to vector<1xi32>
      %squeeze3A_934 = vector.extract %slice3A_933[0] : i32 from vector<1xi32>
      %mul3A_935 = arith.constant 8 : i32
      %mul3A_936 = arith.muli %add3A_680, %mul3A_935 : i32
      %add3A_937 = arith.addi %mul3A_4, %mul3A_936 : i32
      %add3A_938 = arith.constant 3 : i32
      %add3A_939 = arith.addi %add3A_937, %add3A_938 : i32
      %dma_start3A_940 = arith.constant 0 : i32
      %dma_start3A_941 = arith.constant 0 : i32
      %dma_start3A_942 = tpu.memref_slice %arg6[%squeeze3A_934, %dma_start3A_941] : memref<2x1024xf32, #tpu.memory_space<vmem>> -> memref<1x1024xf32, #tpu.memory_space<vmem>>
      %dma_start3A_943 = tpu.memref_squeeze %dma_start3A_942 : memref<1x1024xf32, #tpu.memory_space<vmem>> -> memref<1024xf32, #tpu.memory_space<vmem>>
      %dma_start3A_944 = arith.constant 0 : i32
      %dma_start3A_945 = tpu.memref_slice %arg4[%add3A_939, %dma_start3A_940, %dma_start3A_944] : memref<4096x4x1024xf32, #tpu.memory_space<hbm>> -> memref<1x1x1024xf32, #tpu.memory_space<hbm>>
      %dma_start3A_946 = tpu.memref_squeeze %dma_start3A_945 : memref<1x1x1024xf32, #tpu.memory_space<hbm>> -> memref<1024xf32, #tpu.memory_space<hbm>>
      %dma_start3A_947 = arith.constant 0 : i32
      %dma_start3A_948 = tpu.memref_slice %arg4[%add3A_939, %dma_start3A_940, %dma_start3A_947] : memref<4096x4x1024xf32, #tpu.memory_space<hbm>> -> memref<1x1x1024xf32, #tpu.memory_space<hbm>>
      %dma_start3A_949 = tpu.memref_squeeze %dma_start3A_948 : memref<1x1x1024xf32, #tpu.memory_space<hbm>> -> memref<1024xf32, #tpu.memory_space<hbm>>
      %dma_start3A_950 = arith.constant 0 : i32
      %dma_start3A_951 = tpu.memref_slice %arg6[%squeeze3A_934, %dma_start3A_950] : memref<2x1024xf32, #tpu.memory_space<vmem>> -> memref<1x1024xf32, #tpu.memory_space<vmem>>
      %dma_start3A_952 = tpu.memref_squeeze %dma_start3A_951 : memref<1x1024xf32, #tpu.memory_space<vmem>> -> memref<1024xf32, #tpu.memory_space<vmem>>
      tpu.enqueue_dma source(%dma_start3A_952 : memref<1024xf32, #tpu.memory_space<vmem>>) target(%dma_start3A_949 : memref<1024xf32, #tpu.memory_space<hbm>>) target_semaphore(%arg9 : memref<!tpu.dma_semaphore, #tpu.memory_space<semaphore_mem>>)
      %slice3A_953 = vector.extract_strided_slice %get3A_692 {offsets = [13], sizes = [1], strides = [1]} : vector<16xi32> to vector<1xi32>
      %squeeze3A_954 = vector.extract %slice3A_953[0] : i32 from vector<1xi32>
      %mul3A_955 = arith.constant 8 : i32
      %mul3A_956 = arith.muli %add3A_680, %mul3A_955 : i32
      %add3A_957 = arith.addi %mul3A_4, %mul3A_956 : i32
      %add3A_958 = arith.constant 3 : i32
      %add3A_959 = arith.addi %add3A_957, %add3A_958 : i32
      %dma_start3A_960 = arith.constant 1 : i32
      %dma_start3A_961 = arith.constant 0 : i32
      %dma_start3A_962 = tpu.memref_slice %arg6[%squeeze3A_954, %dma_start3A_961] : memref<2x1024xf32, #tpu.memory_space<vmem>> -> memref<1x1024xf32, #tpu.memory_space<vmem>>
      %dma_start3A_963 = tpu.memref_squeeze %dma_start3A_962 : memref<1x1024xf32, #tpu.memory_space<vmem>> -> memref<1024xf32, #tpu.memory_space<vmem>>
      %dma_start3A_964 = arith.constant 0 : i32
      %dma_start3A_965 = tpu.memref_slice %arg4[%add3A_959, %dma_start3A_960, %dma_start3A_964] : memref<4096x4x1024xf32, #tpu.memory_space<hbm>> -> memref<1x1x1024xf32, #tpu.memory_space<hbm>>
      %dma_start3A_966 = tpu.memref_squeeze %dma_start3A_965 : memref<1x1x1024xf32, #tpu.memory_space<hbm>> -> memref<1024xf32, #tpu.memory_space<hbm>>
      %dma_start3A_967 = arith.constant 0 : i32
      %dma_start3A_968 = tpu.memref_slice %arg4[%add3A_959, %dma_start3A_960, %dma_start3A_967] : memref<4096x4x1024xf32, #tpu.memory_space<hbm>> -> memref<1x1x1024xf32, #tpu.memory_space<hbm>>
      %dma_start3A_969 = tpu.memref_squeeze %dma_start3A_968 : memref<1x1x1024xf32, #tpu.memory_space<hbm>> -> memref<1024xf32, #tpu.memory_space<hbm>>
      %dma_start3A_970 = arith.constant 0 : i32
      %dma_start3A_971 = tpu.memref_slice %arg6[%squeeze3A_954, %dma_start3A_970] : memref<2x1024xf32, #tpu.memory_space<vmem>> -> memref<1x1024xf32, #tpu.memory_space<vmem>>
      %dma_start3A_972 = tpu.memref_squeeze %dma_start3A_971 : memref<1x1024xf32, #tpu.memory_space<vmem>> -> memref<1024xf32, #tpu.memory_space<vmem>>
      tpu.enqueue_dma source(%dma_start3A_972 : memref<1024xf32, #tpu.memory_space<vmem>>) target(%dma_start3A_969 : memref<1024xf32, #tpu.memory_space<hbm>>) target_semaphore(%arg9 : memref<!tpu.dma_semaphore, #tpu.memory_space<semaphore_mem>>)
      %slice3A_973 = vector.extract_strided_slice %get3A_692 {offsets = [14], sizes = [1], strides = [1]} : vector<16xi32> to vector<1xi32>
      %squeeze3A_974 = vector.extract %slice3A_973[0] : i32 from vector<1xi32>
      %mul3A_975 = arith.constant 8 : i32
      %mul3A_976 = arith.muli %add3A_680, %mul3A_975 : i32
      %add3A_977 = arith.addi %mul3A_4, %mul3A_976 : i32
      %add3A_978 = arith.constant 3 : i32
      %add3A_979 = arith.addi %add3A_977, %add3A_978 : i32
      %dma_start3A_980 = arith.constant 2 : i32
      %dma_start3A_981 = arith.constant 0 : i32
      %dma_start3A_982 = tpu.memref_slice %arg6[%squeeze3A_974, %dma_start3A_981] : memref<2x1024xf32, #tpu.memory_space<vmem>> -> memref<1x1024xf32, #tpu.memory_space<vmem>>
      %dma_start3A_983 = tpu.memref_squeeze %dma_start3A_982 : memref<1x1024xf32, #tpu.memory_space<vmem>> -> memref<1024xf32, #tpu.memory_space<vmem>>
      %dma_start3A_984 = arith.constant 0 : i32
      %dma_start3A_985 = tpu.memref_slice %arg4[%add3A_979, %dma_start3A_980, %dma_start3A_984] : memref<4096x4x1024xf32, #tpu.memory_space<hbm>> -> memref<1x1x1024xf32, #tpu.memory_space<hbm>>
      %dma_start3A_986 = tpu.memref_squeeze %dma_start3A_985 : memref<1x1x1024xf32, #tpu.memory_space<hbm>> -> memref<1024xf32, #tpu.memory_space<hbm>>
      %dma_start3A_987 = arith.constant 0 : i32
      %dma_start3A_988 = tpu.memref_slice %arg4[%add3A_979, %dma_start3A_980, %dma_start3A_987] : memref<4096x4x1024xf32, #tpu.memory_space<hbm>> -> memref<1x1x1024xf32, #tpu.memory_space<hbm>>
      %dma_start3A_989 = tpu.memref_squeeze %dma_start3A_988 : memref<1x1x1024xf32, #tpu.memory_space<hbm>> -> memref<1024xf32, #tpu.memory_space<hbm>>
      %dma_start3A_990 = arith.constant 0 : i32
      %dma_start3A_991 = tpu.memref_slice %arg6[%squeeze3A_974, %dma_start3A_990] : memref<2x1024xf32, #tpu.memory_space<vmem>> -> memref<1x1024xf32, #tpu.memory_space<vmem>>
      %dma_start3A_992 = tpu.memref_squeeze %dma_start3A_991 : memref<1x1024xf32, #tpu.memory_space<vmem>> -> memref<1024xf32, #tpu.memory_space<vmem>>
      tpu.enqueue_dma source(%dma_start3A_992 : memref<1024xf32, #tpu.memory_space<vmem>>) target(%dma_start3A_989 : memref<1024xf32, #tpu.memory_space<hbm>>) target_semaphore(%arg9 : memref<!tpu.dma_semaphore, #tpu.memory_space<semaphore_mem>>)
      %slice3A_993 = vector.extract_strided_slice %get3A_692 {offsets = [15], sizes = [1], strides = [1]} : vector<16xi32> to vector<1xi32>
      %squeeze3A_994 = vector.extract %slice3A_993[0] : i32 from vector<1xi32>
      %mul3A_995 = arith.constant 8 : i32
      %mul3A_996 = arith.muli %add3A_680, %mul3A_995 : i32
      %add3A_997 = arith.addi %mul3A_4, %mul3A_996 : i32
      %add3A_998 = arith.constant 3 : i32
      %add3A_999 = arith.addi %add3A_997, %add3A_998 : i32
      %dma_start3A_1000 = arith.constant 3 : i32
      %dma_start3A_1001 = arith.constant 0 : i32
      %dma_start3A_1002 = tpu.memref_slice %arg6[%squeeze3A_994, %dma_start3A_1001] : memref<2x1024xf32, #tpu.memory_space<vmem>> -> memref<1x1024xf32, #tpu.memory_space<vmem>>
      %dma_start3A_1003 = tpu.memref_squeeze %dma_start3A_1002 : memref<1x1024xf32, #tpu.memory_space<vmem>> -> memref<1024xf32, #tpu.memory_space<vmem>>
      %dma_start3A_1004 = arith.constant 0 : i32
      %dma_start3A_1005 = tpu.memref_slice %arg4[%add3A_999, %dma_start3A_1000, %dma_start3A_1004] : memref<4096x4x1024xf32, #tpu.memory_space<hbm>> -> memref<1x1x1024xf32, #tpu.memory_space<hbm>>
      %dma_start3A_1006 = tpu.memref_squeeze %dma_start3A_1005 : memref<1x1x1024xf32, #tpu.memory_space<hbm>> -> memref<1024xf32, #tpu.memory_space<hbm>>
      %dma_start3A_1007 = arith.constant 0 : i32
      %dma_start3A_1008 = tpu.memref_slice %arg4[%add3A_999, %dma_start3A_1000, %dma_start3A_1007] : memref<4096x4x1024xf32, #tpu.memory_space<hbm>> -> memref<1x1x1024xf32, #tpu.memory_space<hbm>>
      %dma_start3A_1009 = tpu.memref_squeeze %dma_start3A_1008 : memref<1x1x1024xf32, #tpu.memory_space<hbm>> -> memref<1024xf32, #tpu.memory_space<hbm>>
      %dma_start3A_1010 = arith.constant 0 : i32
      %dma_start3A_1011 = tpu.memref_slice %arg6[%squeeze3A_994, %dma_start3A_1010] : memref<2x1024xf32, #tpu.memory_space<vmem>> -> memref<1x1024xf32, #tpu.memory_space<vmem>>
      %dma_start3A_1012 = tpu.memref_squeeze %dma_start3A_1011 : memref<1x1024xf32, #tpu.memory_space<vmem>> -> memref<1024xf32, #tpu.memory_space<vmem>>
      tpu.enqueue_dma source(%dma_start3A_1012 : memref<1024xf32, #tpu.memory_space<vmem>>) target(%dma_start3A_1009 : memref<1024xf32, #tpu.memory_space<hbm>>) target_semaphore(%arg9 : memref<!tpu.dma_semaphore, #tpu.memory_space<semaphore_mem>>)
      %mul3A_1013 = arith.constant 32 : i32
      %mul3A_1014 = arith.muli %add3A_680, %mul3A_1013 : i32
      %add3A_1015 = arith.constant 16 : i32
      %add3A_1016 = arith.addi %mul3A_1014, %add3A_1015 : i32
      %get3A_1017 = arith.index_cast %add3A_1016 : i32 to index
      %get3A_1018 = tpu.vector_load %arg5[%get3A_1017] {strides = array<i32>} : memref<512xi32, #tpu.memory_space<vmem>>, vector<16xi32>,
      %get3A_1019 = vector.shape_cast %get3A_1018 : vector<16xi32> to vector<16xi32>
      %slice3A_1020 = vector.extract_strided_slice %get3A_1019 {offsets = [0], sizes = [1], strides = [1]} : vector<16xi32> to vector<1xi32>
      %squeeze3A_1021 = vector.extract %slice3A_1020[0] : i32 from vector<1xi32>
      %mul3A_1022 = arith.constant 8 : i32
      %mul3A_1023 = arith.muli %add3A_680, %mul3A_1022 : i32
      %add3A_1024 = arith.addi %mul3A_4, %mul3A_1023 : i32
      %add3A_1025 = arith.constant 4 : i32
      %add3A_1026 = arith.addi %add3A_1024, %add3A_1025 : i32
      %dma_start3A_1027 = arith.constant 0 : i32
      %dma_start3A_1028 = arith.constant 0 : i32
      %dma_start3A_1029 = tpu.memref_slice %arg6[%squeeze3A_1021, %dma_start3A_1028] : memref<2x1024xf32, #tpu.memory_space<vmem>> -> memref<1x1024xf32, #tpu.memory_space<vmem>>
      %dma_start3A_1030 = tpu.memref_squeeze %dma_start3A_1029 : memref<1x1024xf32, #tpu.memory_space<vmem>> -> memref<1024xf32, #tpu.memory_space<vmem>>
      %dma_start3A_1031 = arith.constant 0 : i32
      %dma_start3A_1032 = tpu.memref_slice %arg4[%add3A_1026, %dma_start3A_1027, %dma_start3A_1031] : memref<4096x4x1024xf32, #tpu.memory_space<hbm>> -> memref<1x1x1024xf32, #tpu.memory_space<hbm>>
      %dma_start3A_1033 = tpu.memref_squeeze %dma_start3A_1032 : memref<1x1x1024xf32, #tpu.memory_space<hbm>> -> memref<1024xf32, #tpu.memory_space<hbm>>
      %dma_start3A_1034 = arith.constant 0 : i32
      %dma_start3A_1035 = tpu.memref_slice %arg4[%add3A_1026, %dma_start3A_1027, %dma_start3A_1034] : memref<4096x4x1024xf32, #tpu.memory_space<hbm>> -> memref<1x1x1024xf32, #tpu.memory_space<hbm>>
      %dma_start3A_1036 = tpu.memref_squeeze %dma_start3A_1035 : memref<1x1x1024xf32, #tpu.memory_space<hbm>> -> memref<1024xf32, #tpu.memory_space<hbm>>
      %dma_start3A_1037 = arith.constant 0 : i32
      %dma_start3A_1038 = tpu.memref_slice %arg6[%squeeze3A_1021, %dma_start3A_1037] : memref<2x1024xf32, #tpu.memory_space<vmem>> -> memref<1x1024xf32, #tpu.memory_space<vmem>>
      %dma_start3A_1039 = tpu.memref_squeeze %dma_start3A_1038 : memref<1x1024xf32, #tpu.memory_space<vmem>> -> memref<1024xf32, #tpu.memory_space<vmem>>
      tpu.enqueue_dma source(%dma_start3A_1039 : memref<1024xf32, #tpu.memory_space<vmem>>) target(%dma_start3A_1036 : memref<1024xf32, #tpu.memory_space<hbm>>) target_semaphore(%arg9 : memref<!tpu.dma_semaphore, #tpu.memory_space<semaphore_mem>>)
      %slice3A_1040 = vector.extract_strided_slice %get3A_1019 {offsets = [1], sizes = [1], strides = [1]} : vector<16xi32> to vector<1xi32>
      %squeeze3A_1041 = vector.extract %slice3A_1040[0] : i32 from vector<1xi32>
      %mul3A_1042 = arith.constant 8 : i32
      %mul3A_1043 = arith.muli %add3A_680, %mul3A_1042 : i32
      %add3A_1044 = arith.addi %mul3A_4, %mul3A_1043 : i32
      %add3A_1045 = arith.constant 4 : i32
      %add3A_1046 = arith.addi %add3A_1044, %add3A_1045 : i32
      %dma_start3A_1047 = arith.constant 1 : i32
      %dma_start3A_1048 = arith.constant 0 : i32
      %dma_start3A_1049 = tpu.memref_slice %arg6[%squeeze3A_1041, %dma_start3A_1048] : memref<2x1024xf32, #tpu.memory_space<vmem>> -> memref<1x1024xf32, #tpu.memory_space<vmem>>
      %dma_start3A_1050 = tpu.memref_squeeze %dma_start3A_1049 : memref<1x1024xf32, #tpu.memory_space<vmem>> -> memref<1024xf32, #tpu.memory_space<vmem>>
      %dma_start3A_1051 = arith.constant 0 : i32
      %dma_start3A_1052 = tpu.memref_slice %arg4[%add3A_1046, %dma_start3A_1047, %dma_start3A_1051] : memref<4096x4x1024xf32, #tpu.memory_space<hbm>> -> memref<1x1x1024xf32, #tpu.memory_space<hbm>>
      %dma_start3A_1053 = tpu.memref_squeeze %dma_start3A_1052 : memref<1x1x1024xf32, #tpu.memory_space<hbm>> -> memref<1024xf32, #tpu.memory_space<hbm>>
      %dma_start3A_1054 = arith.constant 0 : i32
      %dma_start3A_1055 = tpu.memref_slice %arg4[%add3A_1046, %dma_start3A_1047, %dma_start3A_1054] : memref<4096x4x1024xf32, #tpu.memory_space<hbm>> -> memref<1x1x1024xf32, #tpu.memory_space<hbm>>
      %dma_start3A_1056 = tpu.memref_squeeze %dma_start3A_1055 : memref<1x1x1024xf32, #tpu.memory_space<hbm>> -> memref<1024xf32, #tpu.memory_space<hbm>>
      %dma_start3A_1057 = arith.constant 0 : i32
      %dma_start3A_1058 = tpu.memref_slice %arg6[%squeeze3A_1041, %dma_start3A_1057] : memref<2x1024xf32, #tpu.memory_space<vmem>> -> memref<1x1024xf32, #tpu.memory_space<vmem>>
      %dma_start3A_1059 = tpu.memref_squeeze %dma_start3A_1058 : memref<1x1024xf32, #tpu.memory_space<vmem>> -> memref<1024xf32, #tpu.memory_space<vmem>>
      tpu.enqueue_dma source(%dma_start3A_1059 : memref<1024xf32, #tpu.memory_space<vmem>>) target(%dma_start3A_1056 : memref<1024xf32, #tpu.memory_space<hbm>>) target_semaphore(%arg9 : memref<!tpu.dma_semaphore, #tpu.memory_space<semaphore_mem>>)
      %slice3A_1060 = vector.extract_strided_slice %get3A_1019 {offsets = [2], sizes = [1], strides = [1]} : vector<16xi32> to vector<1xi32>
      %squeeze3A_1061 = vector.extract %slice3A_1060[0] : i32 from vector<1xi32>
      %mul3A_1062 = arith.constant 8 : i32
      %mul3A_1063 = arith.muli %add3A_680, %mul3A_1062 : i32
      %add3A_1064 = arith.addi %mul3A_4, %mul3A_1063 : i32
      %add3A_1065 = arith.constant 4 : i32
      %add3A_1066 = arith.addi %add3A_1064, %add3A_1065 : i32
      %dma_start3A_1067 = arith.constant 2 : i32
      %dma_start3A_1068 = arith.constant 0 : i32
      %dma_start3A_1069 = tpu.memref_slice %arg6[%squeeze3A_1061, %dma_start3A_1068] : memref<2x1024xf32, #tpu.memory_space<vmem>> -> memref<1x1024xf32, #tpu.memory_space<vmem>>
      %dma_start3A_1070 = tpu.memref_squeeze %dma_start3A_1069 : memref<1x1024xf32, #tpu.memory_space<vmem>> -> memref<1024xf32, #tpu.memory_space<vmem>>
      %dma_start3A_1071 = arith.constant 0 : i32
      %dma_start3A_1072 = tpu.memref_slice %arg4[%add3A_1066, %dma_start3A_1067, %dma_start3A_1071] : memref<4096x4x1024xf32, #tpu.memory_space<hbm>> -> memref<1x1x1024xf32, #tpu.memory_space<hbm>>
      %dma_start3A_1073 = tpu.memref_squeeze %dma_start3A_1072 : memref<1x1x1024xf32, #tpu.memory_space<hbm>> -> memref<1024xf32, #tpu.memory_space<hbm>>
      %dma_start3A_1074 = arith.constant 0 : i32
      %dma_start3A_1075 = tpu.memref_slice %arg4[%add3A_1066, %dma_start3A_1067, %dma_start3A_1074] : memref<4096x4x1024xf32, #tpu.memory_space<hbm>> -> memref<1x1x1024xf32, #tpu.memory_space<hbm>>
      %dma_start3A_1076 = tpu.memref_squeeze %dma_start3A_1075 : memref<1x1x1024xf32, #tpu.memory_space<hbm>> -> memref<1024xf32, #tpu.memory_space<hbm>>
      %dma_start3A_1077 = arith.constant 0 : i32
      %dma_start3A_1078 = tpu.memref_slice %arg6[%squeeze3A_1061, %dma_start3A_1077] : memref<2x1024xf32, #tpu.memory_space<vmem>> -> memref<1x1024xf32, #tpu.memory_space<vmem>>
      %dma_start3A_1079 = tpu.memref_squeeze %dma_start3A_1078 : memref<1x1024xf32, #tpu.memory_space<vmem>> -> memref<1024xf32, #tpu.memory_space<vmem>>
      tpu.enqueue_dma source(%dma_start3A_1079 : memref<1024xf32, #tpu.memory_space<vmem>>) target(%dma_start3A_1076 : memref<1024xf32, #tpu.memory_space<hbm>>) target_semaphore(%arg9 : memref<!tpu.dma_semaphore, #tpu.memory_space<semaphore_mem>>)
      %slice3A_1080 = vector.extract_strided_slice %get3A_1019 {offsets = [3], sizes = [1], strides = [1]} : vector<16xi32> to vector<1xi32>
      %squeeze3A_1081 = vector.extract %slice3A_1080[0] : i32 from vector<1xi32>
      %mul3A_1082 = arith.constant 8 : i32
      %mul3A_1083 = arith.muli %add3A_680, %mul3A_1082 : i32
      %add3A_1084 = arith.addi %mul3A_4, %mul3A_1083 : i32
      %add3A_1085 = arith.constant 4 : i32
      %add3A_1086 = arith.addi %add3A_1084, %add3A_1085 : i32
      %dma_start3A_1087 = arith.constant 3 : i32
      %dma_start3A_1088 = arith.constant 0 : i32
      %dma_start3A_1089 = tpu.memref_slice %arg6[%squeeze3A_1081, %dma_start3A_1088] : memref<2x1024xf32, #tpu.memory_space<vmem>> -> memref<1x1024xf32, #tpu.memory_space<vmem>>
      %dma_start3A_1090 = tpu.memref_squeeze %dma_start3A_1089 : memref<1x1024xf32, #tpu.memory_space<vmem>> -> memref<1024xf32, #tpu.memory_space<vmem>>
      %dma_start3A_1091 = arith.constant 0 : i32
      %dma_start3A_1092 = tpu.memref_slice %arg4[%add3A_1086, %dma_start3A_1087, %dma_start3A_1091] : memref<4096x4x1024xf32, #tpu.memory_space<hbm>> -> memref<1x1x1024xf32, #tpu.memory_space<hbm>>
      %dma_start3A_1093 = tpu.memref_squeeze %dma_start3A_1092 : memref<1x1x1024xf32, #tpu.memory_space<hbm>> -> memref<1024xf32, #tpu.memory_space<hbm>>
      %dma_start3A_1094 = arith.constant 0 : i32
      %dma_start3A_1095 = tpu.memref_slice %arg4[%add3A_1086, %dma_start3A_1087, %dma_start3A_1094] : memref<4096x4x1024xf32, #tpu.memory_space<hbm>> -> memref<1x1x1024xf32, #tpu.memory_space<hbm>>
      %dma_start3A_1096 = tpu.memref_squeeze %dma_start3A_1095 : memref<1x1x1024xf32, #tpu.memory_space<hbm>> -> memref<1024xf32, #tpu.memory_space<hbm>>
      %dma_start3A_1097 = arith.constant 0 : i32
      %dma_start3A_1098 = tpu.memref_slice %arg6[%squeeze3A_1081, %dma_start3A_1097] : memref<2x1024xf32, #tpu.memory_space<vmem>> -> memref<1x1024xf32, #tpu.memory_space<vmem>>
      %dma_start3A_1099 = tpu.memref_squeeze %dma_start3A_1098 : memref<1x1024xf32, #tpu.memory_space<vmem>> -> memref<1024xf32, #tpu.memory_space<vmem>>
      tpu.enqueue_dma source(%dma_start3A_1099 : memref<1024xf32, #tpu.memory_space<vmem>>) target(%dma_start3A_1096 : memref<1024xf32, #tpu.memory_space<hbm>>) target_semaphore(%arg9 : memref<!tpu.dma_semaphore, #tpu.memory_space<semaphore_mem>>)
      %slice3A_1100 = vector.extract_strided_slice %get3A_1019 {offsets = [4], sizes = [1], strides = [1]} : vector<16xi32> to vector<1xi32>
      %squeeze3A_1101 = vector.extract %slice3A_1100[0] : i32 from vector<1xi32>
      %mul3A_1102 = arith.constant 8 : i32
      %mul3A_1103 = arith.muli %add3A_680, %mul3A_1102 : i32
      %add3A_1104 = arith.addi %mul3A_4, %mul3A_1103 : i32
      %add3A_1105 = arith.constant 5 : i32
      %add3A_1106 = arith.addi %add3A_1104, %add3A_1105 : i32
      %dma_start3A_1107 = arith.constant 0 : i32
      %dma_start3A_1108 = arith.constant 0 : i32
      %dma_start3A_1109 = tpu.memref_slice %arg6[%squeeze3A_1101, %dma_start3A_1108] : memref<2x1024xf32, #tpu.memory_space<vmem>> -> memref<1x1024xf32, #tpu.memory_space<vmem>>
      %dma_start3A_1110 = tpu.memref_squeeze %dma_start3A_1109 : memref<1x1024xf32, #tpu.memory_space<vmem>> -> memref<1024xf32, #tpu.memory_space<vmem>>
      %dma_start3A_1111 = arith.constant 0 : i32
      %dma_start3A_1112 = tpu.memref_slice %arg4[%add3A_1106, %dma_start3A_1107, %dma_start3A_1111] : memref<4096x4x1024xf32, #tpu.memory_space<hbm>> -> memref<1x1x1024xf32, #tpu.memory_space<hbm>>
      %dma_start3A_1113 = tpu.memref_squeeze %dma_start3A_1112 : memref<1x1x1024xf32, #tpu.memory_space<hbm>> -> memref<1024xf32, #tpu.memory_space<hbm>>
      %dma_start3A_1114 = arith.constant 0 : i32
      %dma_start3A_1115 = tpu.memref_slice %arg4[%add3A_1106, %dma_start3A_1107, %dma_start3A_1114] : memref<4096x4x1024xf32, #tpu.memory_space<hbm>> -> memref<1x1x1024xf32, #tpu.memory_space<hbm>>
      %dma_start3A_1116 = tpu.memref_squeeze %dma_start3A_1115 : memref<1x1x1024xf32, #tpu.memory_space<hbm>> -> memref<1024xf32, #tpu.memory_space<hbm>>
      %dma_start3A_1117 = arith.constant 0 : i32
      %dma_start3A_1118 = tpu.memref_slice %arg6[%squeeze3A_1101, %dma_start3A_1117] : memref<2x1024xf32, #tpu.memory_space<vmem>> -> memref<1x1024xf32, #tpu.memory_space<vmem>>
      %dma_start3A_1119 = tpu.memref_squeeze %dma_start3A_1118 : memref<1x1024xf32, #tpu.memory_space<vmem>> -> memref<1024xf32, #tpu.memory_space<vmem>>
      tpu.enqueue_dma source(%dma_start3A_1119 : memref<1024xf32, #tpu.memory_space<vmem>>) target(%dma_start3A_1116 : memref<1024xf32, #tpu.memory_space<hbm>>) target_semaphore(%arg9 : memref<!tpu.dma_semaphore, #tpu.memory_space<semaphore_mem>>)
      %slice3A_1120 = vector.extract_strided_slice %get3A_1019 {offsets = [5], sizes = [1], strides = [1]} : vector<16xi32> to vector<1xi32>
      %squeeze3A_1121 = vector.extract %slice3A_1120[0] : i32 from vector<1xi32>
      %mul3A_1122 = arith.constant 8 : i32
      %mul3A_1123 = arith.muli %add3A_680, %mul3A_1122 : i32
      %add3A_1124 = arith.addi %mul3A_4, %mul3A_1123 : i32
      %add3A_1125 = arith.constant 5 : i32
      %add3A_1126 = arith.addi %add3A_1124, %add3A_1125 : i32
      %dma_start3A_1127 = arith.constant 1 : i32
      %dma_start3A_1128 = arith.constant 0 : i32
      %dma_start3A_1129 = tpu.memref_slice %arg6[%squeeze3A_1121, %dma_start3A_1128] : memref<2x1024xf32, #tpu.memory_space<vmem>> -> memref<1x1024xf32, #tpu.memory_space<vmem>>
      %dma_start3A_1130 = tpu.memref_squeeze %dma_start3A_1129 : memref<1x1024xf32, #tpu.memory_space<vmem>> -> memref<1024xf32, #tpu.memory_space<vmem>>
      %dma_start3A_1131 = arith.constant 0 : i32
      %dma_start3A_1132 = tpu.memref_slice %arg4[%add3A_1126, %dma_start3A_1127, %dma_start3A_1131] : memref<4096x4x1024xf32, #tpu.memory_space<hbm>> -> memref<1x1x1024xf32, #tpu.memory_space<hbm>>
      %dma_start3A_1133 = tpu.memref_squeeze %dma_start3A_1132 : memref<1x1x1024xf32, #tpu.memory_space<hbm>> -> memref<1024xf32, #tpu.memory_space<hbm>>
      %dma_start3A_1134 = arith.constant 0 : i32
      %dma_start3A_1135 = tpu.memref_slice %arg4[%add3A_1126, %dma_start3A_1127, %dma_start3A_1134] : memref<4096x4x1024xf32, #tpu.memory_space<hbm>> -> memref<1x1x1024xf32, #tpu.memory_space<hbm>>
      %dma_start3A_1136 = tpu.memref_squeeze %dma_start3A_1135 : memref<1x1x1024xf32, #tpu.memory_space<hbm>> -> memref<1024xf32, #tpu.memory_space<hbm>>
      %dma_start3A_1137 = arith.constant 0 : i32
      %dma_start3A_1138 = tpu.memref_slice %arg6[%squeeze3A_1121, %dma_start3A_1137] : memref<2x1024xf32, #tpu.memory_space<vmem>> -> memref<1x1024xf32, #tpu.memory_space<vmem>>
      %dma_start3A_1139 = tpu.memref_squeeze %dma_start3A_1138 : memref<1x1024xf32, #tpu.memory_space<vmem>> -> memref<1024xf32, #tpu.memory_space<vmem>>
      tpu.enqueue_dma source(%dma_start3A_1139 : memref<1024xf32, #tpu.memory_space<vmem>>) target(%dma_start3A_1136 : memref<1024xf32, #tpu.memory_space<hbm>>) target_semaphore(%arg9 : memref<!tpu.dma_semaphore, #tpu.memory_space<semaphore_mem>>)
      %slice3A_1140 = vector.extract_strided_slice %get3A_1019 {offsets = [6], sizes = [1], strides = [1]} : vector<16xi32> to vector<1xi32>
      %squeeze3A_1141 = vector.extract %slice3A_1140[0] : i32 from vector<1xi32>
      %mul3A_1142 = arith.constant 8 : i32
      %mul3A_1143 = arith.muli %add3A_680, %mul3A_1142 : i32
      %add3A_1144 = arith.addi %mul3A_4, %mul3A_1143 : i32
      %add3A_1145 = arith.constant 5 : i32
      %add3A_1146 = arith.addi %add3A_1144, %add3A_1145 : i32
      %dma_start3A_1147 = arith.constant 2 : i32
      %dma_start3A_1148 = arith.constant 0 : i32
      %dma_start3A_1149 = tpu.memref_slice %arg6[%squeeze3A_1141, %dma_start3A_1148] : memref<2x1024xf32, #tpu.memory_space<vmem>> -> memref<1x1024xf32, #tpu.memory_space<vmem>>
      %dma_start3A_1150 = tpu.memref_squeeze %dma_start3A_1149 : memref<1x1024xf32, #tpu.memory_space<vmem>> -> memref<1024xf32, #tpu.memory_space<vmem>>
      %dma_start3A_1151 = arith.constant 0 : i32
      %dma_start3A_1152 = tpu.memref_slice %arg4[%add3A_1146, %dma_start3A_1147, %dma_start3A_1151] : memref<4096x4x1024xf32, #tpu.memory_space<hbm>> -> memref<1x1x1024xf32, #tpu.memory_space<hbm>>
      %dma_start3A_1153 = tpu.memref_squeeze %dma_start3A_1152 : memref<1x1x1024xf32, #tpu.memory_space<hbm>> -> memref<1024xf32, #tpu.memory_space<hbm>>
      %dma_start3A_1154 = arith.constant 0 : i32
      %dma_start3A_1155 = tpu.memref_slice %arg4[%add3A_1146, %dma_start3A_1147, %dma_start3A_1154] : memref<4096x4x1024xf32, #tpu.memory_space<hbm>> -> memref<1x1x1024xf32, #tpu.memory_space<hbm>>
      %dma_start3A_1156 = tpu.memref_squeeze %dma_start3A_1155 : memref<1x1x1024xf32, #tpu.memory_space<hbm>> -> memref<1024xf32, #tpu.memory_space<hbm>>
      %dma_start3A_1157 = arith.constant 0 : i32
      %dma_start3A_1158 = tpu.memref_slice %arg6[%squeeze3A_1141, %dma_start3A_1157] : memref<2x1024xf32, #tpu.memory_space<vmem>> -> memref<1x1024xf32, #tpu.memory_space<vmem>>
      %dma_start3A_1159 = tpu.memref_squeeze %dma_start3A_1158 : memref<1x1024xf32, #tpu.memory_space<vmem>> -> memref<1024xf32, #tpu.memory_space<vmem>>
      tpu.enqueue_dma source(%dma_start3A_1159 : memref<1024xf32, #tpu.memory_space<vmem>>) target(%dma_start3A_1156 : memref<1024xf32, #tpu.memory_space<hbm>>) target_semaphore(%arg9 : memref<!tpu.dma_semaphore, #tpu.memory_space<semaphore_mem>>)
      %slice3A_1160 = vector.extract_strided_slice %get3A_1019 {offsets = [7], sizes = [1], strides = [1]} : vector<16xi32> to vector<1xi32>
      %squeeze3A_1161 = vector.extract %slice3A_1160[0] : i32 from vector<1xi32>
      %mul3A_1162 = arith.constant 8 : i32
      %mul3A_1163 = arith.muli %add3A_680, %mul3A_1162 : i32
      %add3A_1164 = arith.addi %mul3A_4, %mul3A_1163 : i32
      %add3A_1165 = arith.constant 5 : i32
      %add3A_1166 = arith.addi %add3A_1164, %add3A_1165 : i32
      %dma_start3A_1167 = arith.constant 3 : i32
      %dma_start3A_1168 = arith.constant 0 : i32
      %dma_start3A_1169 = tpu.memref_slice %arg6[%squeeze3A_1161, %dma_start3A_1168] : memref<2x1024xf32, #tpu.memory_space<vmem>> -> memref<1x1024xf32, #tpu.memory_space<vmem>>
      %dma_start3A_1170 = tpu.memref_squeeze %dma_start3A_1169 : memref<1x1024xf32, #tpu.memory_space<vmem>> -> memref<1024xf32, #tpu.memory_space<vmem>>
      %dma_start3A_1171 = arith.constant 0 : i32
      %dma_start3A_1172 = tpu.memref_slice %arg4[%add3A_1166, %dma_start3A_1167, %dma_start3A_1171] : memref<4096x4x1024xf32, #tpu.memory_space<hbm>> -> memref<1x1x1024xf32, #tpu.memory_space<hbm>>
      %dma_start3A_1173 = tpu.memref_squeeze %dma_start3A_1172 : memref<1x1x1024xf32, #tpu.memory_space<hbm>> -> memref<1024xf32, #tpu.memory_space<hbm>>
      %dma_start3A_1174 = arith.constant 0 : i32
      %dma_start3A_1175 = tpu.memref_slice %arg4[%add3A_1166, %dma_start3A_1167, %dma_start3A_1174] : memref<4096x4x1024xf32, #tpu.memory_space<hbm>> -> memref<1x1x1024xf32, #tpu.memory_space<hbm>>
      %dma_start3A_1176 = tpu.memref_squeeze %dma_start3A_1175 : memref<1x1x1024xf32, #tpu.memory_space<hbm>> -> memref<1024xf32, #tpu.memory_space<hbm>>
      %dma_start3A_1177 = arith.constant 0 : i32
      %dma_start3A_1178 = tpu.memref_slice %arg6[%squeeze3A_1161, %dma_start3A_1177] : memref<2x1024xf32, #tpu.memory_space<vmem>> -> memref<1x1024xf32, #tpu.memory_space<vmem>>
      %dma_start3A_1179 = tpu.memref_squeeze %dma_start3A_1178 : memref<1x1024xf32, #tpu.memory_space<vmem>> -> memref<1024xf32, #tpu.memory_space<vmem>>
      tpu.enqueue_dma source(%dma_start3A_1179 : memref<1024xf32, #tpu.memory_space<vmem>>) target(%dma_start3A_1176 : memref<1024xf32, #tpu.memory_space<hbm>>) target_semaphore(%arg9 : memref<!tpu.dma_semaphore, #tpu.memory_space<semaphore_mem>>)
      %slice3A_1180 = vector.extract_strided_slice %get3A_1019 {offsets = [8], sizes = [1], strides = [1]} : vector<16xi32> to vector<1xi32>
      %squeeze3A_1181 = vector.extract %slice3A_1180[0] : i32 from vector<1xi32>
      %mul3A_1182 = arith.constant 8 : i32
      %mul3A_1183 = arith.muli %add3A_680, %mul3A_1182 : i32
      %add3A_1184 = arith.addi %mul3A_4, %mul3A_1183 : i32
      %add3A_1185 = arith.constant 6 : i32
      %add3A_1186 = arith.addi %add3A_1184, %add3A_1185 : i32
      %dma_start3A_1187 = arith.constant 0 : i32
      %dma_start3A_1188 = arith.constant 0 : i32
      %dma_start3A_1189 = tpu.memref_slice %arg6[%squeeze3A_1181, %dma_start3A_1188] : memref<2x1024xf32, #tpu.memory_space<vmem>> -> memref<1x1024xf32, #tpu.memory_space<vmem>>
      %dma_start3A_1190 = tpu.memref_squeeze %dma_start3A_1189 : memref<1x1024xf32, #tpu.memory_space<vmem>> -> memref<1024xf32, #tpu.memory_space<vmem>>
      %dma_start3A_1191 = arith.constant 0 : i32
      %dma_start3A_1192 = tpu.memref_slice %arg4[%add3A_1186, %dma_start3A_1187, %dma_start3A_1191] : memref<4096x4x1024xf32, #tpu.memory_space<hbm>> -> memref<1x1x1024xf32, #tpu.memory_space<hbm>>
      %dma_start3A_1193 = tpu.memref_squeeze %dma_start3A_1192 : memref<1x1x1024xf32, #tpu.memory_space<hbm>> -> memref<1024xf32, #tpu.memory_space<hbm>>
      %dma_start3A_1194 = arith.constant 0 : i32
      %dma_start3A_1195 = tpu.memref_slice %arg4[%add3A_1186, %dma_start3A_1187, %dma_start3A_1194] : memref<4096x4x1024xf32, #tpu.memory_space<hbm>> -> memref<1x1x1024xf32, #tpu.memory_space<hbm>>
      %dma_start3A_1196 = tpu.memref_squeeze %dma_start3A_1195 : memref<1x1x1024xf32, #tpu.memory_space<hbm>> -> memref<1024xf32, #tpu.memory_space<hbm>>
      %dma_start3A_1197 = arith.constant 0 : i32
      %dma_start3A_1198 = tpu.memref_slice %arg6[%squeeze3A_1181, %dma_start3A_1197] : memref<2x1024xf32, #tpu.memory_space<vmem>> -> memref<1x1024xf32, #tpu.memory_space<vmem>>
      %dma_start3A_1199 = tpu.memref_squeeze %dma_start3A_1198 : memref<1x1024xf32, #tpu.memory_space<vmem>> -> memref<1024xf32, #tpu.memory_space<vmem>>
      tpu.enqueue_dma source(%dma_start3A_1199 : memref<1024xf32, #tpu.memory_space<vmem>>) target(%dma_start3A_1196 : memref<1024xf32, #tpu.memory_space<hbm>>) target_semaphore(%arg9 : memref<!tpu.dma_semaphore, #tpu.memory_space<semaphore_mem>>)
      %slice3A_1200 = vector.extract_strided_slice %get3A_1019 {offsets = [9], sizes = [1], strides = [1]} : vector<16xi32> to vector<1xi32>
      %squeeze3A_1201 = vector.extract %slice3A_1200[0] : i32 from vector<1xi32>
      %mul3A_1202 = arith.constant 8 : i32
      %mul3A_1203 = arith.muli %add3A_680, %mul3A_1202 : i32
      %add3A_1204 = arith.addi %mul3A_4, %mul3A_1203 : i32
      %add3A_1205 = arith.constant 6 : i32
      %add3A_1206 = arith.addi %add3A_1204, %add3A_1205 : i32
      %dma_start3A_1207 = arith.constant 1 : i32
      %dma_start3A_1208 = arith.constant 0 : i32
      %dma_start3A_1209 = tpu.memref_slice %arg6[%squeeze3A_1201, %dma_start3A_1208] : memref<2x1024xf32, #tpu.memory_space<vmem>> -> memref<1x1024xf32, #tpu.memory_space<vmem>>
      %dma_start3A_1210 = tpu.memref_squeeze %dma_start3A_1209 : memref<1x1024xf32, #tpu.memory_space<vmem>> -> memref<1024xf32, #tpu.memory_space<vmem>>
      %dma_start3A_1211 = arith.constant 0 : i32
      %dma_start3A_1212 = tpu.memref_slice %arg4[%add3A_1206, %dma_start3A_1207, %dma_start3A_1211] : memref<4096x4x1024xf32, #tpu.memory_space<hbm>> -> memref<1x1x1024xf32, #tpu.memory_space<hbm>>
      %dma_start3A_1213 = tpu.memref_squeeze %dma_start3A_1212 : memref<1x1x1024xf32, #tpu.memory_space<hbm>> -> memref<1024xf32, #tpu.memory_space<hbm>>
      %dma_start3A_1214 = arith.constant 0 : i32
      %dma_start3A_1215 = tpu.memref_slice %arg4[%add3A_1206, %dma_start3A_1207, %dma_start3A_1214] : memref<4096x4x1024xf32, #tpu.memory_space<hbm>> -> memref<1x1x1024xf32, #tpu.memory_space<hbm>>
      %dma_start3A_1216 = tpu.memref_squeeze %dma_start3A_1215 : memref<1x1x1024xf32, #tpu.memory_space<hbm>> -> memref<1024xf32, #tpu.memory_space<hbm>>
      %dma_start3A_1217 = arith.constant 0 : i32
      %dma_start3A_1218 = tpu.memref_slice %arg6[%squeeze3A_1201, %dma_start3A_1217] : memref<2x1024xf32, #tpu.memory_space<vmem>> -> memref<1x1024xf32, #tpu.memory_space<vmem>>
      %dma_start3A_1219 = tpu.memref_squeeze %dma_start3A_1218 : memref<1x1024xf32, #tpu.memory_space<vmem>> -> memref<1024xf32, #tpu.memory_space<vmem>>
      tpu.enqueue_dma source(%dma_start3A_1219 : memref<1024xf32, #tpu.memory_space<vmem>>) target(%dma_start3A_1216 : memref<1024xf32, #tpu.memory_space<hbm>>) target_semaphore(%arg9 : memref<!tpu.dma_semaphore, #tpu.memory_space<semaphore_mem>>)
      %slice3A_1220 = vector.extract_strided_slice %get3A_1019 {offsets = [10], sizes = [1], strides = [1]} : vector<16xi32> to vector<1xi32>
      %squeeze3A_1221 = vector.extract %slice3A_1220[0] : i32 from vector<1xi32>
      %mul3A_1222 = arith.constant 8 : i32
      %mul3A_1223 = arith.muli %add3A_680, %mul3A_1222 : i32
      %add3A_1224 = arith.addi %mul3A_4, %mul3A_1223 : i32
      %add3A_1225 = arith.constant 6 : i32
      %add3A_1226 = arith.addi %add3A_1224, %add3A_1225 : i32
      %dma_start3A_1227 = arith.constant 2 : i32
      %dma_start3A_1228 = arith.constant 0 : i32
      %dma_start3A_1229 = tpu.memref_slice %arg6[%squeeze3A_1221, %dma_start3A_1228] : memref<2x1024xf32, #tpu.memory_space<vmem>> -> memref<1x1024xf32, #tpu.memory_space<vmem>>
      %dma_start3A_1230 = tpu.memref_squeeze %dma_start3A_1229 : memref<1x1024xf32, #tpu.memory_space<vmem>> -> memref<1024xf32, #tpu.memory_space<vmem>>
      %dma_start3A_1231 = arith.constant 0 : i32
      %dma_start3A_1232 = tpu.memref_slice %arg4[%add3A_1226, %dma_start3A_1227, %dma_start3A_1231] : memref<4096x4x1024xf32, #tpu.memory_space<hbm>> -> memref<1x1x1024xf32, #tpu.memory_space<hbm>>
      %dma_start3A_1233 = tpu.memref_squeeze %dma_start3A_1232 : memref<1x1x1024xf32, #tpu.memory_space<hbm>> -> memref<1024xf32, #tpu.memory_space<hbm>>
      %dma_start3A_1234 = arith.constant 0 : i32
      %dma_start3A_1235 = tpu.memref_slice %arg4[%add3A_1226, %dma_start3A_1227, %dma_start3A_1234] : memref<4096x4x1024xf32, #tpu.memory_space<hbm>> -> memref<1x1x1024xf32, #tpu.memory_space<hbm>>
      %dma_start3A_1236 = tpu.memref_squeeze %dma_start3A_1235 : memref<1x1x1024xf32, #tpu.memory_space<hbm>> -> memref<1024xf32, #tpu.memory_space<hbm>>
      %dma_start3A_1237 = arith.constant 0 : i32
      %dma_start3A_1238 = tpu.memref_slice %arg6[%squeeze3A_1221, %dma_start3A_1237] : memref<2x1024xf32, #tpu.memory_space<vmem>> -> memref<1x1024xf32, #tpu.memory_space<vmem>>
      %dma_start3A_1239 = tpu.memref_squeeze %dma_start3A_1238 : memref<1x1024xf32, #tpu.memory_space<vmem>> -> memref<1024xf32, #tpu.memory_space<vmem>>
      tpu.enqueue_dma source(%dma_start3A_1239 : memref<1024xf32, #tpu.memory_space<vmem>>) target(%dma_start3A_1236 : memref<1024xf32, #tpu.memory_space<hbm>>) target_semaphore(%arg9 : memref<!tpu.dma_semaphore, #tpu.memory_space<semaphore_mem>>)
      %slice3A_1240 = vector.extract_strided_slice %get3A_1019 {offsets = [11], sizes = [1], strides = [1]} : vector<16xi32> to vector<1xi32>
      %squeeze3A_1241 = vector.extract %slice3A_1240[0] : i32 from vector<1xi32>
      %mul3A_1242 = arith.constant 8 : i32
      %mul3A_1243 = arith.muli %add3A_680, %mul3A_1242 : i32
      %add3A_1244 = arith.addi %mul3A_4, %mul3A_1243 : i32
      %add3A_1245 = arith.constant 6 : i32
      %add3A_1246 = arith.addi %add3A_1244, %add3A_1245 : i32
      %dma_start3A_1247 = arith.constant 3 : i32
      %dma_start3A_1248 = arith.constant 0 : i32
      %dma_start3A_1249 = tpu.memref_slice %arg6[%squeeze3A_1241, %dma_start3A_1248] : memref<2x1024xf32, #tpu.memory_space<vmem>> -> memref<1x1024xf32, #tpu.memory_space<vmem>>
      %dma_start3A_1250 = tpu.memref_squeeze %dma_start3A_1249 : memref<1x1024xf32, #tpu.memory_space<vmem>> -> memref<1024xf32, #tpu.memory_space<vmem>>
      %dma_start3A_1251 = arith.constant 0 : i32
      %dma_start3A_1252 = tpu.memref_slice %arg4[%add3A_1246, %dma_start3A_1247, %dma_start3A_1251] : memref<4096x4x1024xf32, #tpu.memory_space<hbm>> -> memref<1x1x1024xf32, #tpu.memory_space<hbm>>
      %dma_start3A_1253 = tpu.memref_squeeze %dma_start3A_1252 : memref<1x1x1024xf32, #tpu.memory_space<hbm>> -> memref<1024xf32, #tpu.memory_space<hbm>>
      %dma_start3A_1254 = arith.constant 0 : i32
      %dma_start3A_1255 = tpu.memref_slice %arg4[%add3A_1246, %dma_start3A_1247, %dma_start3A_1254] : memref<4096x4x1024xf32, #tpu.memory_space<hbm>> -> memref<1x1x1024xf32, #tpu.memory_space<hbm>>
      %dma_start3A_1256 = tpu.memref_squeeze %dma_start3A_1255 : memref<1x1x1024xf32, #tpu.memory_space<hbm>> -> memref<1024xf32, #tpu.memory_space<hbm>>
      %dma_start3A_1257 = arith.constant 0 : i32
      %dma_start3A_1258 = tpu.memref_slice %arg6[%squeeze3A_1241, %dma_start3A_1257] : memref<2x1024xf32, #tpu.memory_space<vmem>> -> memref<1x1024xf32, #tpu.memory_space<vmem>>
      %dma_start3A_1259 = tpu.memref_squeeze %dma_start3A_1258 : memref<1x1024xf32, #tpu.memory_space<vmem>> -> memref<1024xf32, #tpu.memory_space<vmem>>
      tpu.enqueue_dma source(%dma_start3A_1259 : memref<1024xf32, #tpu.memory_space<vmem>>) target(%dma_start3A_1256 : memref<1024xf32, #tpu.memory_space<hbm>>) target_semaphore(%arg9 : memref<!tpu.dma_semaphore, #tpu.memory_space<semaphore_mem>>)
      %slice3A_1260 = vector.extract_strided_slice %get3A_1019 {offsets = [12], sizes = [1], strides = [1]} : vector<16xi32> to vector<1xi32>
      %squeeze3A_1261 = vector.extract %slice3A_1260[0] : i32 from vector<1xi32>
      %mul3A_1262 = arith.constant 8 : i32
      %mul3A_1263 = arith.muli %add3A_680, %mul3A_1262 : i32
      %add3A_1264 = arith.addi %mul3A_4, %mul3A_1263 : i32
      %add3A_1265 = arith.constant 7 : i32
      %add3A_1266 = arith.addi %add3A_1264, %add3A_1265 : i32
      %dma_start3A_1267 = arith.constant 0 : i32
      %dma_start3A_1268 = arith.constant 0 : i32
      %dma_start3A_1269 = tpu.memref_slice %arg6[%squeeze3A_1261, %dma_start3A_1268] : memref<2x1024xf32, #tpu.memory_space<vmem>> -> memref<1x1024xf32, #tpu.memory_space<vmem>>
      %dma_start3A_1270 = tpu.memref_squeeze %dma_start3A_1269 : memref<1x1024xf32, #tpu.memory_space<vmem>> -> memref<1024xf32, #tpu.memory_space<vmem>>
      %dma_start3A_1271 = arith.constant 0 : i32
      %dma_start3A_1272 = tpu.memref_slice %arg4[%add3A_1266, %dma_start3A_1267, %dma_start3A_1271] : memref<4096x4x1024xf32, #tpu.memory_space<hbm>> -> memref<1x1x1024xf32, #tpu.memory_space<hbm>>
      %dma_start3A_1273 = tpu.memref_squeeze %dma_start3A_1272 : memref<1x1x1024xf32, #tpu.memory_space<hbm>> -> memref<1024xf32, #tpu.memory_space<hbm>>
      %dma_start3A_1274 = arith.constant 0 : i32
      %dma_start3A_1275 = tpu.memref_slice %arg4[%add3A_1266, %dma_start3A_1267, %dma_start3A_1274] : memref<4096x4x1024xf32, #tpu.memory_space<hbm>> -> memref<1x1x1024xf32, #tpu.memory_space<hbm>>
      %dma_start3A_1276 = tpu.memref_squeeze %dma_start3A_1275 : memref<1x1x1024xf32, #tpu.memory_space<hbm>> -> memref<1024xf32, #tpu.memory_space<hbm>>
      %dma_start3A_1277 = arith.constant 0 : i32
      %dma_start3A_1278 = tpu.memref_slice %arg6[%squeeze3A_1261, %dma_start3A_1277] : memref<2x1024xf32, #tpu.memory_space<vmem>> -> memref<1x1024xf32, #tpu.memory_space<vmem>>
      %dma_start3A_1279 = tpu.memref_squeeze %dma_start3A_1278 : memref<1x1024xf32, #tpu.memory_space<vmem>> -> memref<1024xf32, #tpu.memory_space<vmem>>
      tpu.enqueue_dma source(%dma_start3A_1279 : memref<1024xf32, #tpu.memory_space<vmem>>) target(%dma_start3A_1276 : memref<1024xf32, #tpu.memory_space<hbm>>) target_semaphore(%arg9 : memref<!tpu.dma_semaphore, #tpu.memory_space<semaphore_mem>>)
      %slice3A_1280 = vector.extract_strided_slice %get3A_1019 {offsets = [13], sizes = [1], strides = [1]} : vector<16xi32> to vector<1xi32>
      %squeeze3A_1281 = vector.extract %slice3A_1280[0] : i32 from vector<1xi32>
      %mul3A_1282 = arith.constant 8 : i32
      %mul3A_1283 = arith.muli %add3A_680, %mul3A_1282 : i32
      %add3A_1284 = arith.addi %mul3A_4, %mul3A_1283 : i32
      %add3A_1285 = arith.constant 7 : i32
      %add3A_1286 = arith.addi %add3A_1284, %add3A_1285 : i32
      %dma_start3A_1287 = arith.constant 1 : i32
      %dma_start3A_1288 = arith.constant 0 : i32
      %dma_start3A_1289 = tpu.memref_slice %arg6[%squeeze3A_1281, %dma_start3A_1288] : memref<2x1024xf32, #tpu.memory_space<vmem>> -> memref<1x1024xf32, #tpu.memory_space<vmem>>
      %dma_start3A_1290 = tpu.memref_squeeze %dma_start3A_1289 : memref<1x1024xf32, #tpu.memory_space<vmem>> -> memref<1024xf32, #tpu.memory_space<vmem>>
      %dma_start3A_1291 = arith.constant 0 : i32
      %dma_start3A_1292 = tpu.memref_slice %arg4[%add3A_1286, %dma_start3A_1287, %dma_start3A_1291] : memref<4096x4x1024xf32, #tpu.memory_space<hbm>> -> memref<1x1x1024xf32, #tpu.memory_space<hbm>>
      %dma_start3A_1293 = tpu.memref_squeeze %dma_start3A_1292 : memref<1x1x1024xf32, #tpu.memory_space<hbm>> -> memref<1024xf32, #tpu.memory_space<hbm>>
      %dma_start3A_1294 = arith.constant 0 : i32
      %dma_start3A_1295 = tpu.memref_slice %arg4[%add3A_1286, %dma_start3A_1287, %dma_start3A_1294] : memref<4096x4x1024xf32, #tpu.memory_space<hbm>> -> memref<1x1x1024xf32, #tpu.memory_space<hbm>>
      %dma_start3A_1296 = tpu.memref_squeeze %dma_start3A_1295 : memref<1x1x1024xf32, #tpu.memory_space<hbm>> -> memref<1024xf32, #tpu.memory_space<hbm>>
      %dma_start3A_1297 = arith.constant 0 : i32
      %dma_start3A_1298 = tpu.memref_slice %arg6[%squeeze3A_1281, %dma_start3A_1297] : memref<2x1024xf32, #tpu.memory_space<vmem>> -> memref<1x1024xf32, #tpu.memory_space<vmem>>
      %dma_start3A_1299 = tpu.memref_squeeze %dma_start3A_1298 : memref<1x1024xf32, #tpu.memory_space<vmem>> -> memref<1024xf32, #tpu.memory_space<vmem>>
      tpu.enqueue_dma source(%dma_start3A_1299 : memref<1024xf32, #tpu.memory_space<vmem>>) target(%dma_start3A_1296 : memref<1024xf32, #tpu.memory_space<hbm>>) target_semaphore(%arg9 : memref<!tpu.dma_semaphore, #tpu.memory_space<semaphore_mem>>)
      %slice3A_1300 = vector.extract_strided_slice %get3A_1019 {offsets = [14], sizes = [1], strides = [1]} : vector<16xi32> to vector<1xi32>
      %squeeze3A_1301 = vector.extract %slice3A_1300[0] : i32 from vector<1xi32>
      %mul3A_1302 = arith.constant 8 : i32
      %mul3A_1303 = arith.muli %add3A_680, %mul3A_1302 : i32
      %add3A_1304 = arith.addi %mul3A_4, %mul3A_1303 : i32
      %add3A_1305 = arith.constant 7 : i32
      %add3A_1306 = arith.addi %add3A_1304, %add3A_1305 : i32
      %dma_start3A_1307 = arith.constant 2 : i32
      %dma_start3A_1308 = arith.constant 0 : i32
      %dma_start3A_1309 = tpu.memref_slice %arg6[%squeeze3A_1301, %dma_start3A_1308] : memref<2x1024xf32, #tpu.memory_space<vmem>> -> memref<1x1024xf32, #tpu.memory_space<vmem>>
      %dma_start3A_1310 = tpu.memref_squeeze %dma_start3A_1309 : memref<1x1024xf32, #tpu.memory_space<vmem>> -> memref<1024xf32, #tpu.memory_space<vmem>>
      %dma_start3A_1311 = arith.constant 0 : i32
      %dma_start3A_1312 = tpu.memref_slice %arg4[%add3A_1306, %dma_start3A_1307, %dma_start3A_1311] : memref<4096x4x1024xf32, #tpu.memory_space<hbm>> -> memref<1x1x1024xf32, #tpu.memory_space<hbm>>
      %dma_start3A_1313 = tpu.memref_squeeze %dma_start3A_1312 : memref<1x1x1024xf32, #tpu.memory_space<hbm>> -> memref<1024xf32, #tpu.memory_space<hbm>>
      %dma_start3A_1314 = arith.constant 0 : i32
      %dma_start3A_1315 = tpu.memref_slice %arg4[%add3A_1306, %dma_start3A_1307, %dma_start3A_1314] : memref<4096x4x1024xf32, #tpu.memory_space<hbm>> -> memref<1x1x1024xf32, #tpu.memory_space<hbm>>
      %dma_start3A_1316 = tpu.memref_squeeze %dma_start3A_1315 : memref<1x1x1024xf32, #tpu.memory_space<hbm>> -> memref<1024xf32, #tpu.memory_space<hbm>>
      %dma_start3A_1317 = arith.constant 0 : i32
      %dma_start3A_1318 = tpu.memref_slice %arg6[%squeeze3A_1301, %dma_start3A_1317] : memref<2x1024xf32, #tpu.memory_space<vmem>> -> memref<1x1024xf32, #tpu.memory_space<vmem>>
      %dma_start3A_1319 = tpu.memref_squeeze %dma_start3A_1318 : memref<1x1024xf32, #tpu.memory_space<vmem>> -> memref<1024xf32, #tpu.memory_space<vmem>>
      tpu.enqueue_dma source(%dma_start3A_1319 : memref<1024xf32, #tpu.memory_space<vmem>>) target(%dma_start3A_1316 : memref<1024xf32, #tpu.memory_space<hbm>>) target_semaphore(%arg9 : memref<!tpu.dma_semaphore, #tpu.memory_space<semaphore_mem>>)
      %slice3A_1320 = vector.extract_strided_slice %get3A_1019 {offsets = [15], sizes = [1], strides = [1]} : vector<16xi32> to vector<1xi32>
      %squeeze3A_1321 = vector.extract %slice3A_1320[0] : i32 from vector<1xi32>
      %mul3A_1322 = arith.constant 8 : i32
      %mul3A_1323 = arith.muli %add3A_680, %mul3A_1322 : i32
      %add3A_1324 = arith.addi %mul3A_4, %mul3A_1323 : i32
      %add3A_1325 = arith.constant 7 : i32
      %add3A_1326 = arith.addi %add3A_1324, %add3A_1325 : i32
      %dma_start3A_1327 = arith.constant 3 : i32
      %dma_start3A_1328 = arith.constant 0 : i32
      %dma_start3A_1329 = tpu.memref_slice %arg6[%squeeze3A_1321, %dma_start3A_1328] : memref<2x1024xf32, #tpu.memory_space<vmem>> -> memref<1x1024xf32, #tpu.memory_space<vmem>>
      %dma_start3A_1330 = tpu.memref_squeeze %dma_start3A_1329 : memref<1x1024xf32, #tpu.memory_space<vmem>> -> memref<1024xf32, #tpu.memory_space<vmem>>
      %dma_start3A_1331 = arith.constant 0 : i32
      %dma_start3A_1332 = tpu.memref_slice %arg4[%add3A_1326, %dma_start3A_1327, %dma_start3A_1331] : memref<4096x4x1024xf32, #tpu.memory_space<hbm>> -> memref<1x1x1024xf32, #tpu.memory_space<hbm>>
      %dma_start3A_1333 = tpu.memref_squeeze %dma_start3A_1332 : memref<1x1x1024xf32, #tpu.memory_space<hbm>> -> memref<1024xf32, #tpu.memory_space<hbm>>
      %dma_start3A_1334 = arith.constant 0 : i32
      %dma_start3A_1335 = tpu.memref_slice %arg4[%add3A_1326, %dma_start3A_1327, %dma_start3A_1334] : memref<4096x4x1024xf32, #tpu.memory_space<hbm>> -> memref<1x1x1024xf32, #tpu.memory_space<hbm>>
      %dma_start3A_1336 = tpu.memref_squeeze %dma_start3A_1335 : memref<1x1x1024xf32, #tpu.memory_space<hbm>> -> memref<1024xf32, #tpu.memory_space<hbm>>
      %dma_start3A_1337 = arith.constant 0 : i32
      %dma_start3A_1338 = tpu.memref_slice %arg6[%squeeze3A_1321, %dma_start3A_1337] : memref<2x1024xf32, #tpu.memory_space<vmem>> -> memref<1x1024xf32, #tpu.memory_space<vmem>>
      %dma_start3A_1339 = tpu.memref_squeeze %dma_start3A_1338 : memref<1x1024xf32, #tpu.memory_space<vmem>> -> memref<1024xf32, #tpu.memory_space<vmem>>
      tpu.enqueue_dma source(%dma_start3A_1339 : memref<1024xf32, #tpu.memory_space<vmem>>) target(%dma_start3A_1336 : memref<1024xf32, #tpu.memory_space<hbm>>) target_semaphore(%arg9 : memref<!tpu.dma_semaphore, #tpu.memory_space<semaphore_mem>>)
    }
    %scan3A_8 = arith.constant 8 : i32
    %dma_wait3A = arith.constant 0 : i32
    %dma_wait3A_9 = arith.constant 0 : i32
    %dma_wait3A_10 = tpu.memref_slice %arg4[%mul3A_4, %dma_wait3A, %dma_wait3A_9] : memref<4096x4x1024xf32, #tpu.memory_space<hbm>> -> memref<8x4x1024xf32, #tpu.memory_space<hbm>>
    %dma_wait3A_11 = arith.constant 0 : i32
    %dma_wait3A_12 = arith.constant 0 : i32
    %dma_wait3A_13 = tpu.memref_slice %arg4[%mul3A_4, %dma_wait3A_11, %dma_wait3A_12] : memref<4096x4x1024xf32, #tpu.memory_space<hbm>> -> memref<8x4x1024xf32, #tpu.memory_space<hbm>>
    tpu.wait_dma2 semaphore(%arg8 : memref<!tpu.dma_semaphore, #tpu.memory_space<semaphore_mem>>) src(%arg7 : memref<8x4x1024xf32, #tpu.memory_space<vmem>>) dst(%dma_wait3A_13 : memref<8x4x1024xf32, #tpu.memory_space<hbm>>)
    %dma_wait3A_14 = arith.constant 0 : i32
    %dma_wait3A_15 = arith.constant 0 : i32
    %dma_wait3A_16 = tpu.memref_slice %arg4[%mul3A_4, %dma_wait3A_14, %dma_wait3A_15] : memref<4096x4x1024xf32, #tpu.memory_space<hbm>> -> memref<8x4x1024xf32, #tpu.memory_space<hbm>>
    %dma_wait3A_17 = arith.constant 0 : i32
    %dma_wait3A_18 = arith.constant 0 : i32
    %dma_wait3A_19 = tpu.memref_slice %arg4[%mul3A_4, %dma_wait3A_17, %dma_wait3A_18] : memref<4096x4x1024xf32, #tpu.memory_space<hbm>> -> memref<8x4x1024xf32, #tpu.memory_space<hbm>>
    tpu.wait_dma2 semaphore(%arg9 : memref<!tpu.dma_semaphore, #tpu.memory_space<semaphore_mem>>) src(%arg7 : memref<8x4x1024xf32, #tpu.memory_space<vmem>>) dst(%dma_wait3A_19 : memref<8x4x1024xf32, #tpu.memory_space<hbm>>)
    return
  }
}

</mosaic_0001>

<sc_bundles>
// kernel: kernel.3.cloned.1.call-start
scs
__scs_entry_jumppad:
0x0: {  	(pc) =	sbr.rel $0x88, $3  }
0x1: {  	(tag) =	ssettag $0x0;
	lr =	simm.s32 $0x1  }
0x2: {  	[smem:$0x3F9F] =	sst lr;
	_ =	strace $0xD0000000  }
0x3: {  	_ = 	snop  }
0x4: {  	_ = 	snop  }
0x5: {  	_ = 	snop  }
0x6: {  	_ = 	snop  }
0x7: {  	_ = 	snop  }
__scs_overlays_trampoline_lowered:
0x8: {  	[smem:$0x3FAE] =	sst s0  }
0x9: {  	[smem:$0x3FAF] =	sst s1  }
0xa: {  	[smem:$0x3FB0] =	sst s2  }
0xb: {  	[smem:$0x3FB1] =	sst s3  }
0xc: {  	[smem:$0x3FB2] =	sst s4  }
0xd: {  	[smem:$0x3FB3] =	sst s5  }
0xe: {  	[smem:$0x3FB4] =	sst s6  }
0xf: {  	[smem:$0x3FB5] =	sst s7  }
0x10: {  	[smem:$0x3FB6] =	sst s8  }
0x11: {  	[smem:$0x3FB7] =	sst s9;
	s0 =	simm.s32 @!p0 $0x0  }
0x12: {  	s1 =	sld [smem:$0x3F9D];
	s0 =	simm.s32 @p0 $0x1  }
0x13: {  	[smem:$0x3FB8] =	sst s0;
	s0 =	simm.s32 @!p1 $0x0  }
0x14: {  	s2 =	sld [smem:$0x3F9C];
	s0 =	simm.s32 @p1 $0x1  }
0x15: {  	[smem:$0x3FB9] =	sst s0;
	s0 =	simm.s32 @!p2 $0x0  }
0x16: {  	s3 =	sld [smem:$0x3FDB];
	s0 =	simm.s32 @p2 $0x1  }
0x17: {  	s4 =	simm.s32 $0x1BF5;
	[smem:$0x3FBB] =	sst s0  }
0x18: {  	s0 =	sld [smem:$0x3F9E];
	_ =	swait.ge [sflag:s4], $0x0  }
0x19: {  	s7 =	sld [smem:$0x3F9F]  }
0x1a: {  	s8 =	sadd.s32 $0xFFFFE003, lr  }
0x1b: {  	s9 =	sadd.s32 $0xFFFFFEF7, lr;
	s5 =	simm.s32 $0xFFFFFFFF;
	p2 =	slt.u32 s8, $0xFFFFF086  }
0x1c: {  	p1 =	slt.u32 s9, $0xF7A;
	s5 =	simm.s32 @!p2 $0x0  }
0x1d: {  	s5 =	simm.s32 @p1 $0x1;
	p0 =	seq.s32 s7, s2  }
0x1e: {  	s7 =	smul.u32 @!p0 $0xF7A, s2;
	p2 =	seq.s32 @!p0 s5, $0x0  }
0x1f: {  	s9 =	smul.u32 $0xF7A, s1;
	s8 =	simm.s32 @!p0 $0x1BF5;
	p2 =	por !p2, p0  }
0x20: {  	[sflag:s8] =	ssyncset.s32 @!p0 $0xFFFFF086;
	s6 =	sadd.s32 @!p0 s3, s7;
	s7 =	simm.s32 @!p0 $0x108  }
0x21: {  	s3 =	sadd.s32 s3, s9;
	s6 =	sadd.s32 @!p0 $0x88, s6;
	s7 =	simm.s32 @p2 $0x1082  }
0x22: {  	[simem:s7], [sflag:s8] =	dma.local @!p0 [hbm:s6], $0xF7A  }
0x23: {  	s9 =	sor.u32 $0xD0000000, s2;
	s6 =	simm.s32 $0x108;
	_ =	swait.ge @!p0 [sflag:s8], $0x0  }
0x24: {  	s3 =	sadd.s32 $0x88, s3;
	s6 =	simm.s32 @!p1 $0x1082;
	[sflag:s4] =	ssyncset.s32 $0xFFFFF086  }
0x25: {  	[simem:s6], [sflag:s4] =	dma.local [hbm:s3], $0xF7A  }
0x26: {  	[smem:$0x3F9F] =	sst s1;
	(tag) =	ssettag s2;
	_ =	strace s9  }
0x27: {  	s1 =	sld [smem:$0x3FAF]  }
0x28: {  	s2 =	sld [smem:$0x3FB0]  }
0x29: {  	s4 =	sld [smem:$0x3FB2]  }
0x2a: {  	p0 =	seq.s32 s5, $0x0;
	s5 =	sld [smem:$0x3FB3]  }
0x2b: {  	s6 =	sld [smem:$0x3FB4]  }
0x2c: {  	s7 =	sld [smem:$0x3FB5]  }
0x2d: {  	s3 =	simm.s32 $0x108;
	s8 =	sld [smem:$0x3FB6]  }
0x2e: {  	s3 =	simm.s32 @!p0 $0x1082;
	s9 =	sld [smem:$0x3FB7]  }
0x2f: {  	lr =	sadd.s32 s0, s3;
	s0 =	sld [smem:$0x3FAE]  }
0x30: {  	s3 =	sld [smem:$0x3FB1]  }
0x31: {  	[smem:$0x3FBA] =	sst s10  }
0x32: {  	s10 =	sld [smem:$0x3FB8];
	_ =	sdelay $0x3  }
0x33: {  	p0 =	seq.s32 s10, $0x1;
	s10 =	sld [smem:$0x3FBA];
	_ =	sdelay $0x3  }
0x34: {  	[smem:$0x3FBA] =	sst s10  }
0x35: {  	s10 =	sld [smem:$0x3FB9];
	_ =	sdelay $0x3  }
0x36: {  	p1 =	seq.s32 s10, $0x1;
	s10 =	sld [smem:$0x3FBA];
	_ =	sdelay $0x3  }
0x37: {  	[smem:$0x3FBA] =	sst s10  }
0x38: {  	s10 =	sld [smem:$0x3FBB]  }
0x39: {  	_ = 	snop;
	(pc) =	sbr.ind lr, $3  }
0x3a: {  	_ = 	snop  }
0x3b: {  	_ = 	snop  }
0x3c: {  	p2 =	seq.s32 s10, $0x1;
	s10 =	sld [smem:$0x3FBA]  }
0x3d: {  	_ =	shalt  }
0x3e: {  	_ =	shalt  }
0x3f: {  	_ =	shalt  }
0x40: {  	_ =	shalt  }
0x41: {  	_ =	shalt  }
0x42: {  	_ =	shalt  }
0x43: {  	_ =	shalt  }
0x44: {  	_ =	shalt  }
0x45: {  	_ =	shalt  }
0x46: {  	_ =	shalt  }
0x47: {  	_ =	shalt  }
0x48: {  	_ =	shalt  }
0x49: {  	_ =	shalt  }
0x4a: {  	_ =	shalt  }
0x4b: {  	_ =	shalt  }
0x4c: {  	_ =	shalt  }
0x4d: {  	_ =	shalt  }
0x4e: {  	_ =	shalt  }
0x4f: {  	_ =	shalt  }
0x50: {  	_ =	shalt  }
0x51: {  	_ =	shalt  }
0x52: {  	_ =	shalt  }
0x53: {  	_ =	shalt  }
0x54: {  	_ =	shalt  }
0x55: {  	_ =	shalt  }
0x56: {  	_ =	shalt  }
0x57: {  	_ =	shalt  }
0x58: {  	_ =	shalt  }
0x59: {  	_ =	shalt  }
0x5a: {  	_ =	shalt  }
0x5b: {  	_ =	shalt  }
0x5c: {  	_ =	shalt  }
0x5d: {  	_ =	shalt  }
0x5e: {  	_ =	shalt  }
0x5f: {  	_ =	shalt  }
0x60: {  	_ =	shalt  }
0x61: {  	_ =	shalt  }
0x62: {  	_ =	shalt  }
0x63: {  	_ =	shalt  }
0x64: {  	_ =	shalt  }
0x65: {  	_ =	shalt  }
0x66: {  	_ =	shalt  }
0x67: {  	_ =	shalt  }
0x68: {  	_ =	shalt  }
0x69: {  	_ =	shalt  }
0x6a: {  	_ =	shalt  }
0x6b: {  	_ =	shalt  }
0x6c: {  	_ =	shalt  }
0x6d: {  	_ =	shalt  }
0x6e: {  	_ =	shalt  }
0x6f: {  	_ =	shalt  }
0x70: {  	_ =	shalt  }
0x71: {  	_ =	shalt  }
0x72: {  	_ =	shalt  }
0x73: {  	_ =	shalt  }
0x74: {  	_ =	shalt  }
0x75: {  	_ =	shalt  }
0x76: {  	_ =	shalt  }
0x77: {  	_ =	shalt  }
0x78: {  	_ =	shalt  }
0x79: {  	_ =	shalt  }
0x7a: {  	_ =	shalt  }
0x7b: {  	_ =	shalt  }
0x7c: {  	_ =	shalt  }
0x7d: {  	_ =	shalt  }
0x7e: {  	_ =	shalt  }
0x7f: {  	_ =	shalt  }
0x80: {  	_ =	shalt  }
0x81: {  	_ =	shalt  }
0x82: {  	_ =	shalt  }
0x83: {  	_ =	shalt  }
0x84: {  	_ =	shalt  }
0x85: {  	_ =	shalt  }
0x86: {  	_ =	shalt  }
0x87: {  	_ =	shalt  }
.Lfunc_end0:
.L_simem_size_0:
called_computation_lowered:
.L_overlay_start_0:
0x88: {  	s2 =	sld [smem:$0x3FD9]  }
0x89: {  	s3 =	sld [smem:$0x3FFE];
	_ =	sdelay $0x1  }
0x8a: {  	s1 =	srdreg.scid  }
0x8b: {  	s0 =	sand.u32 $0x1, s1  }
0x8c: {  	s17 =	sshll.u32 s0, $0xA;
	s2 =	sadd.s32 s3, s2  }
0x8d: {  	s2 =	sadd.s32 s2, s17  }
0x8e: {  	[smem:$0x3FC6] =	sst s2  }
0x8f: {  	_ = 	snop  }
0x90: {  	s2 =	sld [smem:$0x3FC8]  }
0x91: {  	s18 =	sld [smem:$0x3FD0];
	(tm) =	ssettm $0x1  }
0x92: {  	s4 =	sld [smem:$0x3FFB];
	_ =	sdelay $0x3  }
0x93: {  	_ =	strace s4  }
0x94: {  	s4 =	sld [smem:$0x3FFC];
	_ =	sdelay $0x3  }
0x95: {  	_ =	strace s4  }
0x96: {  	s4 =	sld [smem:$0x3FFD];
	_ =	sdelay $0x3  }
0x97: {  	_ =	strace s4  }
0x98: {  	_ =	strace $0x8FFFFFFF  }
0x99: {  	s19 =	sld [smem:$0x3FDB];
	_ =	sdelay $0x1  }
0x9a: {  	s5 =	simm.s32 $_scs_section_size  }
0x9b: {  	s6 =	simm.s32 $_size__tile_overlayer_lowered;
	s7 =	simm.s32 $_tile_overlayer_lowered  }
0x9c: {  	s22 =	simm.s32 $0x1BFF;
	s21 =	sshll.u32 s7, $0x1;
	s4 =	sadd.s32 s5, s19  }
0x9d: {  	s8 =	simm.s32 $0x0;
	s20 =	sshll.u32 s6, $0x1;
	s6 =	sadd.s32 s21, s4  }
0x9e: {  	[timem:s8], [sflag:s22] =	dma.local [hbm:s6], s20  }
0x9f: {  	_ =	swait.ge [sflag:s22], s20  }
0xa0: {  	s5 =	ssub.s32 $0x0, s20;
	[sflag:s22] =	ssyncset.done $0x0  }
0xa1: {  	[sflag:s22] =	ssyncadd.s32 s5;
	_ =	sdelay $0x1  }
0xa2: {  	s23 =	simm.s32 $0x1B8B  }
0xa3: {  	_ =	swait.ge [sflag:s23], $0x1  }
0xa4: {  	[sflag:s23] =	ssyncset.done $0x0  }
0xa5: {  	s25 =	simm.s32 $0x1B8E;
	s24 =	sld [smem:$0x3FFE];
	[sflag:s23] =	ssyncadd.s32 $0xFFFFFFFF  }
0xa6: {  	s26 =	simm.s32 $execute0_lowered;
	[smem:$0x3FD2] =	sst s25  }
0xa7: {  	s6 =	sshll.u32 s26, $0x1;
	_ =	strace $0x80000046;
	[dreg:$0x1] =	wrdreg $0xFFFFFFFF  }
0xa8: {  	s28 =	simm.s32 $_size_execute0_lowered;
	s4 =	sadd.s32 s4, s6;
	[dreg:$0x0] =	wrdreg $0x0  }
0xa9: {  	s6 =	sshll.u32 s28, $0x1;
	[dreg:$0x2] =	wrdreg s4  }
0xaa: {  	[dreg:$0x3] =	wrdreg s6  }
0xab: {  	[dreg:$0x4] =	wrdreg $0xC0  }
0xac: {  	_ =	task [dreg:s8], $0x5FFFF  }
0xad: {  	[dreg:$0x1] =	wrdreg $0xFFFFFFFF  }
0xae: {  	[dreg:$0x0] =	wrdreg $0x60  }
0xaf: {  	[dreg:$0x2] =	wrdreg s24  }
0xb0: {  	[dreg:$0x3] =	wrdreg s2  }
0xb1: {  	[dreg:$0x4] =	wrdreg s18  }
0xb2: {  	[dreg:$0x5] =	wrdreg $0x9  }
0xb3: {  	_ =	task.clear_ibuf [dreg:s8], $0x6FFFF;
	_ =	strace $0x90000046  }
0xb4: {  	s29 =	simm.s32 $0x9;
	_ =	strace $0x80000048  }
0xb5: {  	_ =	swait.ge [sflag:s29], $0x1  }
0xb6: {  	[sflag:s29] =	ssyncadd.s32 $0xFFFFFFFF  }
0xb7: {  	_ =	strace $0x90000048  }
0xb8: {  	_ =	sfence  }
0xb9: {  	s30 =	sld [smem:$0x0];
	_ =	sdelay $0x2  }
0xba: {  	s31 =	sshll.u32 s1, $0xD;
	s1 =	sshrl.u32 s1, $0x2  }
0xbb: {  	s3 =	sand.u32 $0x4000, s31;
	s1 =	sadd.s32 s1, s30  }
0xbc: {  	s0 =	sor.u32 s3, s0;
	s1 =	sshll.u32 s1, $0x11  }
0xbd: {  	s0 =	sor.u32 s1, s0  }
0xbe: {  	s0 =	sadd.s32 $0x8F2B, s0  }
0xbf: {  	[sflag:s0] =	ssyncadd.remote.s32 $0x1  }
0xc0: {  	_ =	sfence.sel $0xFFFF  }
0xc1: {  	[dreg:$0x0] =	wrdreg $0xFFFFFFFF;
	(pc) =	sbr.abs _section_cstart, $3  }
0xc2: {  	[dreg:$0x1] =	wrdreg $0xFFFFFFFF  }
0xc3: {  	_ =	task.clear_ibuf [dreg:s8], $0x2FFFF;
	_ =	strace $0x9FFFFFFF  }
0xc4: {  	(tm) =	ssettm $0x7FFFFFFF  }
0xc5: {  	_ =	shalt  }
tec
execute0_lowered:
.L_overlay_start_1:
0x0: {  	(tag) =	ssettag $0x1  }
0x1: {  	s4 =	rddreg [dreg:$0x0]  }
0x2: {  	s1 =	rddreg [dreg:$0x1]  }
0x3: {  	s5 =	rddreg [dreg:$0x2]  }
0x4: {  	s0 =	rddreg [dreg:$0x3];
	s6 =	srdreg.scid  }
0x5: {  	s3 =	simm.s32 $0x0;
	s2 =	stileid.u32;
	s10 =	simm.s32 $0x0  }
0x6: {  	s6 =	sand.u32 $0x1, s6;
	[smem:$0x7FF] =	sst s3;
	s7 =	sshll.u32 s2, $0x7  }
0x7: {  	s9 =	sshll.u32 s2, $0x11;
	s8 =	sshll.u32 s6, $0x6;
	_ =	strace $0x80000047  }
0x8: {  	s29 =	ssub.s32 $0x2, s6;
	s31 =	sadd.s32 s9, s5;
	s6 =	sshll.u32 s6, $0x10  }
0x9: {  	s9 =	simm.s32 $0x2;
	s7 =	sor.u32 s8, s7;
	s30 =	sshrl.u32 s29, $0x1  }
0xa: {  	s6 =	sadd.s32 s6, s31;
	s8 =	simm.s32 $0x1;
	s4 =	sadd.s32 s7, s4  }
0xb: {  	s7 =	ssub.s32 s29, s30;
	[dreg:$0x4] =	wrdreg s6;
	s6 =	simm.s32 $0x3  }
0xc: {  	s4 =	sadd.s32 $0x400, s4;
	s5 =	smax.u32 s7, $0x1;
	s7 =	simm.s32 $0x200  }
.LBB2_1:
0xd: {  	[tilespmem:s3], [sflag:$0x3] =	stream.linear.gather [hbm4b:s4+s3], $0x200, $0x38;
	[tilespmem:$0xA00] =	vst v63  }
0xe: {  	_ =	swait.ge [sflag:s6], $0x200  }
0xf: {  	[sflag:s6] =	ssyncset.done $0x0  }
0x10: {  	[sflag:s6] =	ssyncadd.s32 $0xFFFFFE00  }
0x11: {  	[tilespmem:s7], [sflag:$0x3] =	stream.linear.gather [hbm4b:s1+s3], $0x800, $0x38;
	[tilespmem:$0xA00] =	vst v63  }
0x12: {  	_ =	swait.ge [sflag:s6], $0x800  }
0x13: {  	[sflag:s6] =	ssyncset.done $0x0  }
0x14: {  	s11 =	simm.s32 $0x20;
	s12 =	simm.s32 $0x0;
	[sflag:s6] =	ssyncadd.s32 $0xFFFFF800  }
.LBB2_2:
0x15: {  	p0 =	seq.s32 s12, $0x0  }
0x16: {  	s13 =	simm.s32 @!p0 $0x1  }
0x17: {  	_ =	swait.ge @!p0 [sflag:s13], $0x8000  }
0x18: {  	[sflag:s13] =	ssyncset.done @!p0 $0x0  }
0x19: {  	[sflag:s13] =	ssyncadd.s32 @!p0 $0xFFFF8000  }
0x1a: {  	v0 =	vld [tilespmem:s11+$0xFFFFFFE0];
	_ =	sdelay $0x4  }
0x1b: {  	(v2sf) =	vpush v0, $0x0;
	_ =	sdelay $0xe  }
0x1c: {  	s18 =	spop (v2sf)  }
0x1d: {  	(v2sf) =	vpush v0, $0x1;
	s15 =	sshll.u32 s18, $0xA;
	s13 =	sshll.u32 s18, $0x7  }
0x1e: {  	s15 =	sand.u32 $0xFFFFF800, s15;
	s13 =	sand.u32 $0x80, s13  }
0x1f: {  	s14 =	rddreg [dreg:$0x4];
	s15 =	sor.u32 s13, s15  }
0x20: {  	s13 =	sadd.s32 s12, s14;
	s19 =	sor.u32 $0x200, s15  }
0x21: {  	[hbm4b:s13+s3] =	stream.linear.scatter [tilespmem:s19], [sflag:$0x1], $0x80, $0x38;
	[tilespmem:$0xA00] =	vst v63  }
0x22: {  	s20 =	sor.u32 $0x300, s15;
	s16 =	sadd.s32 $0x40, s13  }
0x23: {  	[hbm4b:s16+s3] =	stream.linear.scatter [tilespmem:s20], [sflag:$0x1], $0x80, $0x38;
	[tilespmem:$0xA00] =	vst v63  }
0x24: {  	s21 =	sor.u32 $0x400, s15;
	s22 =	sadd.s32 $0x80, s13  }
0x25: {  	[hbm4b:s22+s3] =	stream.linear.scatter [tilespmem:s21], [sflag:$0x1], $0x80, $0x38;
	[tilespmem:$0xA00] =	vst v63  }
0x26: {  	s23 =	sor.u32 $0x500, s15;
	s24 =	sadd.s32 $0xC0, s13  }
0x27: {  	[hbm4b:s24+s3] =	stream.linear.scatter [tilespmem:s23], [sflag:$0x1], $0x80, $0x38;
	[tilespmem:$0xA00] =	vst v63  }
0x28: {  	s25 =	sor.u32 $0x600, s15;
	s26 =	sadd.s32 $0x100, s13  }
0x29: {  	[hbm4b:s26+s3] =	stream.linear.scatter [tilespmem:s25], [sflag:$0x1], $0x80, $0x38;
	[tilespmem:$0xA00] =	vst v63  }
0x2a: {  	s28 =	sor.u32 $0x700, s15;
	s29 =	sadd.s32 $0x140, s13  }
0x2b: {  	[hbm4b:s29+s3] =	stream.linear.scatter [tilespmem:s28], [sflag:$0x1], $0x80, $0x38;
	[tilespmem:$0xA00] =	vst v63  }
0x2c: {  	s30 =	sadd.s32 $0x800, s15;
	s19 =	spop (v2sf)  }
0x2d: {  	s31 =	sadd.s32 $0x180, s13;
	s20 =	sshll.u32 s19, $0xA;
	s14 =	sshll.u32 s19, $0x7  }
0x2e: {  	[hbm4b:s31+s3] =	stream.linear.scatter [tilespmem:s30], [sflag:$0x1], $0x80, $0x38;
	[tilespmem:$0xA00] =	vst v63  }
0x2f: {  	s17 =	sadd.s32 $0x900, s15;
	s15 =	sand.u32 $0xFFFFF800, s20;
	s14 =	sand.u32 $0x80, s14  }
0x30: {  	s18 =	sadd.s32 $0x1C0, s13;
	s14 =	sor.u32 s14, s15  }
0x31: {  	(v2sf) =	vpush v0, $0x2;
	[hbm4b:s18+s3] =	stream.linear.scatter [tilespmem:s17], [sflag:$0x1], $0x80, $0x38;
	[tilespmem:$0xA00] =	vst v63  }
0x32: {  	s21 =	sadd.s32 $0x10, s13;
	s22 =	sor.u32 $0x200, s14  }
0x33: {  	[hbm4b:s21+s3] =	stream.linear.scatter [tilespmem:s22], [sflag:$0x1], $0x80, $0x38;
	[tilespmem:$0xA00] =	vst v63  }
0x34: {  	s24 =	sadd.s32 $0x50, s13;
	s23 =	sor.u32 $0x300, s14  }
0x35: {  	[hbm4b:s24+s3] =	stream.linear.scatter [tilespmem:s23], [sflag:$0x1], $0x80, $0x38;
	[tilespmem:$0xA00] =	vst v63  }
0x36: {  	s26 =	sadd.s32 $0x90, s13;
	s25 =	sor.u32 $0x400, s14  }
0x37: {  	[hbm4b:s26+s3] =	stream.linear.scatter [tilespmem:s25], [sflag:$0x1], $0x80, $0x38;
	[tilespmem:$0xA00] =	vst v63  }
0x38: {  	s29 =	sadd.s32 $0xD0, s13;
	s28 =	sor.u32 $0x500, s14  }
0x39: {  	[hbm4b:s29+s3] =	stream.linear.scatter [tilespmem:s28], [sflag:$0x1], $0x80, $0x38;
	[tilespmem:$0xA00] =	vst v63  }
0x3a: {  	s31 =	sadd.s32 $0x110, s13;
	s30 =	sor.u32 $0x600, s14  }
0x3b: {  	[hbm4b:s31+s3] =	stream.linear.scatter [tilespmem:s30], [sflag:$0x1], $0x80, $0x38;
	[tilespmem:$0xA00] =	vst v63  }
0x3c: {  	s16 =	sor.u32 $0x700, s14;
	s17 =	sadd.s32 $0x150, s13  }
0x3d: {  	[hbm4b:s17+s3] =	stream.linear.scatter [tilespmem:s16], [sflag:$0x1], $0x80, $0x38;
	[tilespmem:$0xA00] =	vst v63  }
0x3e: {  	s19 =	sadd.s32 $0x190, s13;
	s18 =	sadd.s32 $0x800, s14  }
0x3f: {  	[hbm4b:s19+s3] =	stream.linear.scatter [tilespmem:s18], [sflag:$0x1], $0x80, $0x38;
	[tilespmem:$0xA00] =	vst v63  }
0x40: {  	s20 =	sadd.s32 $0x1D0, s13;
	s14 =	sadd.s32 $0x900, s14;
	s21 =	spop (v2sf)  }
0x41: {  	[hbm4b:s20+s3] =	stream.linear.scatter [tilespmem:s14], [sflag:$0x1], $0x80, $0x38;
	[tilespmem:$0xA00] =	vst v63  }
0x42: {  	s22 =	sshll.u32 s21, $0xA;
	s14 =	sshll.u32 s21, $0x7  }
0x43: {  	s15 =	sand.u32 $0xFFFFF800, s22;
	s14 =	sand.u32 $0x80, s14  }
0x44: {  	(v2sf) =	vpush v0, $0x3;
	s14 =	sor.u32 s14, s15  }
0x45: {  	s23 =	sadd.s32 $0x20, s13;
	s24 =	sor.u32 $0x200, s14  }
0x46: {  	[hbm4b:s23+s3] =	stream.linear.scatter [tilespmem:s24], [sflag:$0x1], $0x80, $0x38;
	[tilespmem:$0xA00] =	vst v63  }
0x47: {  	s26 =	sadd.s32 $0x60, s13;
	s25 =	sor.u32 $0x300, s14  }
0x48: {  	[hbm4b:s26+s3] =	stream.linear.scatter [tilespmem:s25], [sflag:$0x1], $0x80, $0x38;
	[tilespmem:$0xA00] =	vst v63  }
0x49: {  	s29 =	sadd.s32 $0xA0, s13;
	s28 =	sor.u32 $0x400, s14  }
0x4a: {  	[hbm4b:s29+s3] =	stream.linear.scatter [tilespmem:s28], [sflag:$0x1], $0x80, $0x38;
	[tilespmem:$0xA00] =	vst v63  }
0x4b: {  	s31 =	sadd.s32 $0xE0, s13;
	s30 =	sor.u32 $0x500, s14  }
0x4c: {  	[hbm4b:s31+s3] =	stream.linear.scatter [tilespmem:s30], [sflag:$0x1], $0x80, $0x38;
	[tilespmem:$0xA00] =	vst v63  }
0x4d: {  	s17 =	sadd.s32 $0x120, s13;
	s16 =	sor.u32 $0x600, s14  }
0x4e: {  	[hbm4b:s17+s3] =	stream.linear.scatter [tilespmem:s16], [sflag:$0x1], $0x80, $0x38;
	[tilespmem:$0xA00] =	vst v63  }
0x4f: {  	s19 =	sadd.s32 $0x160, s13;
	s18 =	sor.u32 $0x700, s14  }
0x50: {  	[hbm4b:s19+s3] =	stream.linear.scatter [tilespmem:s18], [sflag:$0x1], $0x80, $0x38;
	[tilespmem:$0xA00] =	vst v63  }
0x51: {  	s21 =	sadd.s32 $0x1A0, s13;
	s20 =	sadd.s32 $0x800, s14  }
0x52: {  	[hbm4b:s21+s3] =	stream.linear.scatter [tilespmem:s20], [sflag:$0x1], $0x80, $0x38;
	[tilespmem:$0xA00] =	vst v63  }
0x53: {  	s22 =	sadd.s32 $0x1E0, s13;
	s14 =	sadd.s32 $0x900, s14;
	s23 =	spop (v2sf)  }
0x54: {  	[hbm4b:s22+s3] =	stream.linear.scatter [tilespmem:s14], [sflag:$0x1], $0x80, $0x38;
	[tilespmem:$0xA00] =	vst v63  }
0x55: {  	s24 =	sshll.u32 s23, $0xA;
	s14 =	sshll.u32 s23, $0x7  }
0x56: {  	s15 =	sand.u32 $0xFFFFF800, s24;
	s14 =	sand.u32 $0x80, s14  }
0x57: {  	(v2sf) =	vpush v0, $0x4;
	s14 =	sor.u32 s14, s15  }
0x58: {  	s25 =	sadd.s32 $0x30, s13;
	s26 =	sor.u32 $0x200, s14  }
0x59: {  	[hbm4b:s25+s3] =	stream.linear.scatter [tilespmem:s26], [sflag:$0x1], $0x80, $0x38;
	[tilespmem:$0xA00] =	vst v63  }
0x5a: {  	s29 =	sadd.s32 $0x70, s13;
	s28 =	sor.u32 $0x300, s14  }
0x5b: {  	[hbm4b:s29+s3] =	stream.linear.scatter [tilespmem:s28], [sflag:$0x1], $0x80, $0x38;
	[tilespmem:$0xA00] =	vst v63  }
0x5c: {  	s31 =	sadd.s32 $0xB0, s13;
	s30 =	sor.u32 $0x400, s14  }
0x5d: {  	[hbm4b:s31+s3] =	stream.linear.scatter [tilespmem:s30], [sflag:$0x1], $0x80, $0x38;
	[tilespmem:$0xA00] =	vst v63  }
0x5e: {  	s17 =	sadd.s32 $0xF0, s13;
	s16 =	sor.u32 $0x500, s14  }
0x5f: {  	[hbm4b:s17+s3] =	stream.linear.scatter [tilespmem:s16], [sflag:$0x1], $0x80, $0x38;
	[tilespmem:$0xA00] =	vst v63  }
0x60: {  	s19 =	sadd.s32 $0x130, s13;
	s18 =	sor.u32 $0x600, s14  }
0x61: {  	[hbm4b:s19+s3] =	stream.linear.scatter [tilespmem:s18], [sflag:$0x1], $0x80, $0x38;
	[tilespmem:$0xA00] =	vst v63  }
0x62: {  	s21 =	sadd.s32 $0x170, s13;
	s20 =	sor.u32 $0x700, s14  }
0x63: {  	[hbm4b:s21+s3] =	stream.linear.scatter [tilespmem:s20], [sflag:$0x1], $0x80, $0x38;
	[tilespmem:$0xA00] =	vst v63  }
0x64: {  	s23 =	sadd.s32 $0x1B0, s13;
	s22 =	sadd.s32 $0x800, s14  }
0x65: {  	[hbm4b:s23+s3] =	stream.linear.scatter [tilespmem:s22], [sflag:$0x1], $0x80, $0x38;
	[tilespmem:$0xA00] =	vst v63  }
0x66: {  	s24 =	sadd.s32 $0x1F0, s13;
	s14 =	sadd.s32 $0x900, s14;
	s25 =	spop (v2sf)  }
0x67: {  	[hbm4b:s24+s3] =	stream.linear.scatter [tilespmem:s14], [sflag:$0x1], $0x80, $0x38;
	[tilespmem:$0xA00] =	vst v63  }
0x68: {  	s26 =	sshll.u32 s25, $0xA;
	s14 =	sshll.u32 s25, $0x7  }
0x69: {  	s15 =	sand.u32 $0xFFFFF800, s26;
	s14 =	sand.u32 $0x80, s14  }
0x6a: {  	(v2sf) =	vpush v0, $0x5;
	s14 =	sor.u32 s14, s15  }
0x6b: {  	s28 =	sadd.s32 $0x200, s13;
	s29 =	sor.u32 $0x200, s14  }
0x6c: {  	[hbm4b:s28+s3] =	stream.linear.scatter [tilespmem:s29], [sflag:$0x1], $0x80, $0x38;
	[tilespmem:$0xA00] =	vst v63  }
0x6d: {  	s31 =	sadd.s32 $0x240, s13;
	s30 =	sor.u32 $0x300, s14  }
0x6e: {  	[hbm4b:s31+s3] =	stream.linear.scatter [tilespmem:s30], [sflag:$0x1], $0x80, $0x38;
	[tilespmem:$0xA00] =	vst v63  }
0x6f: {  	s17 =	sadd.s32 $0x280, s13;
	s16 =	sor.u32 $0x400, s14  }
0x70: {  	[hbm4b:s17+s3] =	stream.linear.scatter [tilespmem:s16], [sflag:$0x1], $0x80, $0x38;
	[tilespmem:$0xA00] =	vst v63  }
0x71: {  	s19 =	sadd.s32 $0x2C0, s13;
	s18 =	sor.u32 $0x500, s14  }
0x72: {  	[hbm4b:s19+s3] =	stream.linear.scatter [tilespmem:s18], [sflag:$0x1], $0x80, $0x38;
	[tilespmem:$0xA00] =	vst v63  }
0x73: {  	s21 =	sadd.s32 $0x300, s13;
	s20 =	sor.u32 $0x600, s14  }
0x74: {  	[hbm4b:s21+s3] =	stream.linear.scatter [tilespmem:s20], [sflag:$0x1], $0x80, $0x38;
	[tilespmem:$0xA00] =	vst v63  }
0x75: {  	s23 =	sadd.s32 $0x340, s13;
	s22 =	sor.u32 $0x700, s14  }
0x76: {  	[hbm4b:s23+s3] =	stream.linear.scatter [tilespmem:s22], [sflag:$0x1], $0x80, $0x38;
	[tilespmem:$0xA00] =	vst v63  }
0x77: {  	s25 =	sadd.s32 $0x380, s13;
	s24 =	sadd.s32 $0x800, s14  }
0x78: {  	[hbm4b:s25+s3] =	stream.linear.scatter [tilespmem:s24], [sflag:$0x1], $0x80, $0x38;
	[tilespmem:$0xA00] =	vst v63  }
0x79: {  	s26 =	sadd.s32 $0x3C0, s13;
	s14 =	sadd.s32 $0x900, s14;
	s28 =	spop (v2sf)  }
0x7a: {  	[hbm4b:s26+s3] =	stream.linear.scatter [tilespmem:s14], [sflag:$0x1], $0x80, $0x38;
	[tilespmem:$0xA00] =	vst v63  }
0x7b: {  	s29 =	sshll.u32 s28, $0xA;
	s14 =	sshll.u32 s28, $0x7  }
0x7c: {  	s15 =	sand.u32 $0xFFFFF800, s29;
	s14 =	sand.u32 $0x80, s14  }
0x7d: {  	(v2sf) =	vpush v0, $0x6;
	s14 =	sor.u32 s14, s15  }
0x7e: {  	s30 =	sadd.s32 $0x210, s13;
	s31 =	sor.u32 $0x200, s14  }
0x7f: {  	[hbm4b:s30+s3] =	stream.linear.scatter [tilespmem:s31], [sflag:$0x1], $0x80, $0x38;
	[tilespmem:$0xA00] =	vst v63  }
0x80: {  	s17 =	sadd.s32 $0x250, s13;
	s16 =	sor.u32 $0x300, s14  }
0x81: {  	[hbm4b:s17+s3] =	stream.linear.scatter [tilespmem:s16], [sflag:$0x1], $0x80, $0x38;
	[tilespmem:$0xA00] =	vst v63  }
0x82: {  	s19 =	sadd.s32 $0x290, s13;
	s18 =	sor.u32 $0x400, s14  }
0x83: {  	[hbm4b:s19+s3] =	stream.linear.scatter [tilespmem:s18], [sflag:$0x1], $0x80, $0x38;
	[tilespmem:$0xA00] =	vst v63  }
0x84: {  	s21 =	sadd.s32 $0x2D0, s13;
	s20 =	sor.u32 $0x500, s14  }
0x85: {  	[hbm4b:s21+s3] =	stream.linear.scatter [tilespmem:s20], [sflag:$0x1], $0x80, $0x38;
	[tilespmem:$0xA00] =	vst v63  }
0x86: {  	s23 =	sadd.s32 $0x310, s13;
	s22 =	sor.u32 $0x600, s14  }
0x87: {  	[hbm4b:s23+s3] =	stream.linear.scatter [tilespmem:s22], [sflag:$0x1], $0x80, $0x38;
	[tilespmem:$0xA00] =	vst v63  }
0x88: {  	s25 =	sadd.s32 $0x350, s13;
	s24 =	sor.u32 $0x700, s14  }
0x89: {  	[hbm4b:s25+s3] =	stream.linear.scatter [tilespmem:s24], [sflag:$0x1], $0x80, $0x38;
	[tilespmem:$0xA00] =	vst v63  }
0x8a: {  	s28 =	sadd.s32 $0x390, s13;
	s26 =	sadd.s32 $0x800, s14  }
0x8b: {  	[hbm4b:s28+s3] =	stream.linear.scatter [tilespmem:s26], [sflag:$0x1], $0x80, $0x38;
	[tilespmem:$0xA00] =	vst v63  }
0x8c: {  	s29 =	sadd.s32 $0x3D0, s13;
	s14 =	sadd.s32 $0x900, s14;
	s30 =	spop (v2sf)  }
0x8d: {  	[hbm4b:s29+s3] =	stream.linear.scatter [tilespmem:s14], [sflag:$0x1], $0x80, $0x38;
	[tilespmem:$0xA00] =	vst v63  }
0x8e: {  	s31 =	sshll.u32 s30, $0xA;
	s14 =	sshll.u32 s30, $0x7  }
0x8f: {  	s15 =	sand.u32 $0xFFFFF800, s31;
	s14 =	sand.u32 $0x80, s14  }
0x90: {  	(v2sf) =	vpush v0, $0x7;
	s14 =	sor.u32 s14, s15  }
0x91: {  	s16 =	sadd.s32 $0x220, s13;
	s17 =	sor.u32 $0x200, s14  }
0x92: {  	[hbm4b:s16+s3] =	stream.linear.scatter [tilespmem:s17], [sflag:$0x1], $0x80, $0x38;
	[tilespmem:$0xA00] =	vst v63  }
0x93: {  	s19 =	sadd.s32 $0x260, s13;
	s18 =	sor.u32 $0x300, s14  }
0x94: {  	[hbm4b:s19+s3] =	stream.linear.scatter [tilespmem:s18], [sflag:$0x1], $0x80, $0x38;
	[tilespmem:$0xA00] =	vst v63  }
0x95: {  	s21 =	sadd.s32 $0x2A0, s13;
	s20 =	sor.u32 $0x400, s14  }
0x96: {  	[hbm4b:s21+s3] =	stream.linear.scatter [tilespmem:s20], [sflag:$0x1], $0x80, $0x38;
	[tilespmem:$0xA00] =	vst v63  }
0x97: {  	s23 =	sadd.s32 $0x2E0, s13;
	s22 =	sor.u32 $0x500, s14  }
0x98: {  	[hbm4b:s23+s3] =	stream.linear.scatter [tilespmem:s22], [sflag:$0x1], $0x80, $0x38;
	[tilespmem:$0xA00] =	vst v63  }
0x99: {  	s25 =	sadd.s32 $0x320, s13;
	s24 =	sor.u32 $0x600, s14  }
0x9a: {  	[hbm4b:s25+s3] =	stream.linear.scatter [tilespmem:s24], [sflag:$0x1], $0x80, $0x38;
	[tilespmem:$0xA00] =	vst v63  }
0x9b: {  	s28 =	sadd.s32 $0x360, s13;
	s26 =	sor.u32 $0x700, s14  }
0x9c: {  	[hbm4b:s28+s3] =	stream.linear.scatter [tilespmem:s26], [sflag:$0x1], $0x80, $0x38;
	[tilespmem:$0xA00] =	vst v63  }
0x9d: {  	s30 =	sadd.s32 $0x3A0, s13;
	s29 =	sadd.s32 $0x800, s14  }
0x9e: {  	[hbm4b:s30+s3] =	stream.linear.scatter [tilespmem:s29], [sflag:$0x1], $0x80, $0x38;
	[tilespmem:$0xA00] =	vst v63  }
0x9f: {  	s31 =	sadd.s32 $0x3E0, s13;
	s15 =	spop (v2sf);
	s14 =	sadd.s32 $0x900, s14  }
0xa0: {  	[hbm4b:s31+s3] =	stream.linear.scatter [tilespmem:s14], [sflag:$0x1], $0x80, $0x38;
	[tilespmem:$0xA00] =	vst v63  }
0xa1: {  	s16 =	sshll.u32 s15, $0xA;
	s14 =	sshll.u32 s15, $0x7  }
0xa2: {  	s15 =	sand.u32 $0xFFFFF800, s16;
	s14 =	sand.u32 $0x80, s14  }
0xa3: {  	(v2sf) =	vpush v0, $0x8;
	s14 =	sor.u32 s14, s15  }
0xa4: {  	s17 =	sadd.s32 $0x230, s13;
	s18 =	sor.u32 $0x200, s14  }
0xa5: {  	[hbm4b:s17+s3] =	stream.linear.scatter [tilespmem:s18], [sflag:$0x1], $0x80, $0x38;
	[tilespmem:$0xA00] =	vst v63  }
0xa6: {  	s20 =	sadd.s32 $0x270, s13;
	s19 =	sor.u32 $0x300, s14  }
0xa7: {  	[hbm4b:s20+s3] =	stream.linear.scatter [tilespmem:s19], [sflag:$0x1], $0x80, $0x38;
	[tilespmem:$0xA00] =	vst v63  }
0xa8: {  	s22 =	sadd.s32 $0x2B0, s13;
	s21 =	sor.u32 $0x400, s14  }
0xa9: {  	[hbm4b:s22+s3] =	stream.linear.scatter [tilespmem:s21], [sflag:$0x1], $0x80, $0x38;
	[tilespmem:$0xA00] =	vst v63  }
0xaa: {  	s24 =	sadd.s32 $0x2F0, s13;
	s23 =	sor.u32 $0x500, s14  }
0xab: {  	[hbm4b:s24+s3] =	stream.linear.scatter [tilespmem:s23], [sflag:$0x1], $0x80, $0x38;
	[tilespmem:$0xA00] =	vst v63  }
0xac: {  	s26 =	sadd.s32 $0x330, s13;
	s25 =	sor.u32 $0x600, s14  }
0xad: {  	[hbm4b:s26+s3] =	stream.linear.scatter [tilespmem:s25], [sflag:$0x1], $0x80, $0x38;
	[tilespmem:$0xA00] =	vst v63  }
0xae: {  	s29 =	sadd.s32 $0x370, s13;
	s28 =	sor.u32 $0x700, s14  }
0xaf: {  	[hbm4b:s29+s3] =	stream.linear.scatter [tilespmem:s28], [sflag:$0x1], $0x80, $0x38;
	[tilespmem:$0xA00] =	vst v63  }
0xb0: {  	s31 =	sadd.s32 $0x3B0, s13;
	s30 =	sadd.s32 $0x800, s14  }
0xb1: {  	[hbm4b:s31+s3] =	stream.linear.scatter [tilespmem:s30], [sflag:$0x1], $0x80, $0x38;
	[tilespmem:$0xA00] =	vst v63  }
0xb2: {  	s16 =	sadd.s32 $0x3F0, s13;
	s14 =	sadd.s32 $0x900, s14;
	s17 =	spop (v2sf)  }
0xb3: {  	[hbm4b:s16+s3] =	stream.linear.scatter [tilespmem:s14], [sflag:$0x1], $0x80, $0x38;
	[tilespmem:$0xA00] =	vst v63  }
0xb4: {  	s18 =	sshll.u32 s17, $0xA;
	s14 =	sshll.u32 s17, $0x7  }
0xb5: {  	s15 =	sand.u32 $0xFFFFF800, s18;
	s14 =	sand.u32 $0x80, s14  }
0xb6: {  	(v2sf) =	vpush v0, $0x9;
	s14 =	sor.u32 s14, s15  }
0xb7: {  	s19 =	sadd.s32 $0x400, s13;
	s20 =	sor.u32 $0x200, s14  }
0xb8: {  	[hbm4b:s19+s3] =	stream.linear.scatter [tilespmem:s20], [sflag:$0x1], $0x80, $0x38;
	[tilespmem:$0xA00] =	vst v63  }
0xb9: {  	s22 =	sadd.s32 $0x440, s13;
	s21 =	sor.u32 $0x300, s14  }
0xba: {  	[hbm4b:s22+s3] =	stream.linear.scatter [tilespmem:s21], [sflag:$0x1], $0x80, $0x38;
	[tilespmem:$0xA00] =	vst v63  }
0xbb: {  	s24 =	sadd.s32 $0x480, s13;
	s23 =	sor.u32 $0x400, s14  }
0xbc: {  	[hbm4b:s24+s3] =	stream.linear.scatter [tilespmem:s23], [sflag:$0x1], $0x80, $0x38;
	[tilespmem:$0xA00] =	vst v63  }
0xbd: {  	s26 =	sadd.s32 $0x4C0, s13;
	s25 =	sor.u32 $0x500, s14  }
0xbe: {  	[hbm4b:s26+s3] =	stream.linear.scatter [tilespmem:s25], [sflag:$0x1], $0x80, $0x38;
	[tilespmem:$0xA00] =	vst v63  }
0xbf: {  	s29 =	sadd.s32 $0x500, s13;
	s28 =	sor.u32 $0x600, s14  }
0xc0: {  	[hbm4b:s29+s3] =	stream.linear.scatter [tilespmem:s28], [sflag:$0x1], $0x80, $0x38;
	[tilespmem:$0xA00] =	vst v63  }
0xc1: {  	s31 =	sadd.s32 $0x540, s13;
	s30 =	sor.u32 $0x700, s14  }
0xc2: {  	[hbm4b:s31+s3] =	stream.linear.scatter [tilespmem:s30], [sflag:$0x1], $0x80, $0x38;
	[tilespmem:$0xA00] =	vst v63  }
0xc3: {  	s17 =	sadd.s32 $0x580, s13;
	s16 =	sadd.s32 $0x800, s14  }
0xc4: {  	[hbm4b:s17+s3] =	stream.linear.scatter [tilespmem:s16], [sflag:$0x1], $0x80, $0x38;
	[tilespmem:$0xA00] =	vst v63  }
0xc5: {  	s18 =	sadd.s32 $0x5C0, s13;
	s14 =	sadd.s32 $0x900, s14;
	s19 =	spop (v2sf)  }
0xc6: {  	[hbm4b:s18+s3] =	stream.linear.scatter [tilespmem:s14], [sflag:$0x1], $0x80, $0x38;
	[tilespmem:$0xA00] =	vst v63  }
0xc7: {  	s20 =	sshll.u32 s19, $0xA;
	s14 =	sshll.u32 s19, $0x7  }
0xc8: {  	s15 =	sand.u32 $0xFFFFF800, s20;
	s14 =	sand.u32 $0x80, s14  }
0xc9: {  	(v2sf) =	vpush v0, $0xA;
	s14 =	sor.u32 s14, s15  }
0xca: {  	s21 =	sadd.s32 $0x410, s13;
	s22 =	sor.u32 $0x200, s14  }
0xcb: {  	[hbm4b:s21+s3] =	stream.linear.scatter [tilespmem:s22], [sflag:$0x1], $0x80, $0x38;
	[tilespmem:$0xA00] =	vst v63  }
0xcc: {  	s24 =	sadd.s32 $0x450, s13;
	s23 =	sor.u32 $0x300, s14  }
0xcd: {  	[hbm4b:s24+s3] =	stream.linear.scatter [tilespmem:s23], [sflag:$0x1], $0x80, $0x38;
	[tilespmem:$0xA00] =	vst v63  }
0xce: {  	s26 =	sadd.s32 $0x490, s13;
	s25 =	sor.u32 $0x400, s14  }
0xcf: {  	[hbm4b:s26+s3] =	stream.linear.scatter [tilespmem:s25], [sflag:$0x1], $0x80, $0x38;
	[tilespmem:$0xA00] =	vst v63  }
0xd0: {  	s29 =	sadd.s32 $0x4D0, s13;
	s28 =	sor.u32 $0x500, s14  }
0xd1: {  	[hbm4b:s29+s3] =	stream.linear.scatter [tilespmem:s28], [sflag:$0x1], $0x80, $0x38;
	[tilespmem:$0xA00] =	vst v63  }
0xd2: {  	s31 =	sadd.s32 $0x510, s13;
	s30 =	sor.u32 $0x600, s14  }
0xd3: {  	[hbm4b:s31+s3] =	stream.linear.scatter [tilespmem:s30], [sflag:$0x1], $0x80, $0x38;
	[tilespmem:$0xA00] =	vst v63  }
0xd4: {  	s17 =	sadd.s32 $0x550, s13;
	s16 =	sor.u32 $0x700, s14  }
0xd5: {  	[hbm4b:s17+s3] =	stream.linear.scatter [tilespmem:s16], [sflag:$0x1], $0x80, $0x38;
	[tilespmem:$0xA00] =	vst v63  }
0xd6: {  	s19 =	sadd.s32 $0x590, s13;
	s18 =	sadd.s32 $0x800, s14  }
0xd7: {  	[hbm4b:s19+s3] =	stream.linear.scatter [tilespmem:s18], [sflag:$0x1], $0x80, $0x38;
	[tilespmem:$0xA00] =	vst v63  }
0xd8: {  	s20 =	sadd.s32 $0x5D0, s13;
	s14 =	sadd.s32 $0x900, s14;
	s21 =	spop (v2sf)  }
0xd9: {  	[hbm4b:s20+s3] =	stream.linear.scatter [tilespmem:s14], [sflag:$0x1], $0x80, $0x38;
	[tilespmem:$0xA00] =	vst v63  }
0xda: {  	s22 =	sshll.u32 s21, $0xA;
	s14 =	sshll.u32 s21, $0x7  }
0xdb: {  	s15 =	sand.u32 $0xFFFFF800, s22;
	s14 =	sand.u32 $0x80, s14  }
0xdc: {  	(v2sf) =	vpush v0, $0xB;
	s14 =	sor.u32 s14, s15  }
0xdd: {  	s23 =	sadd.s32 $0x420, s13;
	s24 =	sor.u32 $0x200, s14  }
0xde: {  	[hbm4b:s23+s3] =	stream.linear.scatter [tilespmem:s24], [sflag:$0x1], $0x80, $0x38;
	[tilespmem:$0xA00] =	vst v63  }
0xdf: {  	s26 =	sadd.s32 $0x460, s13;
	s25 =	sor.u32 $0x300, s14  }
0xe0: {  	[hbm4b:s26+s3] =	stream.linear.scatter [tilespmem:s25], [sflag:$0x1], $0x80, $0x38;
	[tilespmem:$0xA00] =	vst v63  }
0xe1: {  	s29 =	sadd.s32 $0x4A0, s13;
	s28 =	sor.u32 $0x400, s14  }
0xe2: {  	[hbm4b:s29+s3] =	stream.linear.scatter [tilespmem:s28], [sflag:$0x1], $0x80, $0x38;
	[tilespmem:$0xA00] =	vst v63  }
0xe3: {  	s31 =	sadd.s32 $0x4E0, s13;
	s30 =	sor.u32 $0x500, s14  }
0xe4: {  	[hbm4b:s31+s3] =	stream.linear.scatter [tilespmem:s30], [sflag:$0x1], $0x80, $0x38;
	[tilespmem:$0xA00] =	vst v63  }
0xe5: {  	s17 =	sadd.s32 $0x520, s13;
	s16 =	sor.u32 $0x600, s14  }
0xe6: {  	[hbm4b:s17+s3] =	stream.linear.scatter [tilespmem:s16], [sflag:$0x1], $0x80, $0x38;
	[tilespmem:$0xA00] =	vst v63  }
0xe7: {  	s19 =	sadd.s32 $0x560, s13;
	s18 =	sor.u32 $0x700, s14  }
0xe8: {  	[hbm4b:s19+s3] =	stream.linear.scatter [tilespmem:s18], [sflag:$0x1], $0x80, $0x38;
	[tilespmem:$0xA00] =	vst v63  }
0xe9: {  	s21 =	sadd.s32 $0x5A0, s13;
	s20 =	sadd.s32 $0x800, s14  }
0xea: {  	[hbm4b:s21+s3] =	stream.linear.scatter [tilespmem:s20], [sflag:$0x1], $0x80, $0x38;
	[tilespmem:$0xA00] =	vst v63  }
0xeb: {  	s22 =	sadd.s32 $0x5E0, s13;
	s14 =	sadd.s32 $0x900, s14;
	s23 =	spop (v2sf)  }
0xec: {  	[hbm4b:s22+s3] =	stream.linear.scatter [tilespmem:s14], [sflag:$0x1], $0x80, $0x38;
	[tilespmem:$0xA00] =	vst v63  }
0xed: {  	s24 =	sshll.u32 s23, $0xA;
	s14 =	sshll.u32 s23, $0x7  }
0xee: {  	s15 =	sand.u32 $0xFFFFF800, s24;
	s14 =	sand.u32 $0x80, s14  }
0xef: {  	(v2sf) =	vpush v0, $0xC;
	s14 =	sor.u32 s14, s15  }
0xf0: {  	s25 =	sadd.s32 $0x430, s13;
	s26 =	sor.u32 $0x200, s14  }
0xf1: {  	[hbm4b:s25+s3] =	stream.linear.scatter [tilespmem:s26], [sflag:$0x1], $0x80, $0x38;
	[tilespmem:$0xA00] =	vst v63  }
0xf2: {  	s29 =	sadd.s32 $0x470, s13;
	s28 =	sor.u32 $0x300, s14  }
0xf3: {  	[hbm4b:s29+s3] =	stream.linear.scatter [tilespmem:s28], [sflag:$0x1], $0x80, $0x38;
	[tilespmem:$0xA00] =	vst v63  }
0xf4: {  	s31 =	sadd.s32 $0x4B0, s13;
	s30 =	sor.u32 $0x400, s14  }
0xf5: {  	[hbm4b:s31+s3] =	stream.linear.scatter [tilespmem:s30], [sflag:$0x1], $0x80, $0x38;
	[tilespmem:$0xA00] =	vst v63  }
0xf6: {  	s17 =	sadd.s32 $0x4F0, s13;
	s16 =	sor.u32 $0x500, s14  }
0xf7: {  	[hbm4b:s17+s3] =	stream.linear.scatter [tilespmem:s16], [sflag:$0x1], $0x80, $0x38;
	[tilespmem:$0xA00] =	vst v63  }
0xf8: {  	s19 =	sadd.s32 $0x530, s13;
	s18 =	sor.u32 $0x600, s14  }
0xf9: {  	[hbm4b:s19+s3] =	stream.linear.scatter [tilespmem:s18], [sflag:$0x1], $0x80, $0x38;
	[tilespmem:$0xA00] =	vst v63  }
0xfa: {  	s21 =	sadd.s32 $0x570, s13;
	s20 =	sor.u32 $0x700, s14  }
0xfb: {  	[hbm4b:s21+s3] =	stream.linear.scatter [tilespmem:s20], [sflag:$0x1], $0x80, $0x38;
	[tilespmem:$0xA00] =	vst v63  }
0xfc: {  	s23 =	sadd.s32 $0x5B0, s13;
	s22 =	sadd.s32 $0x800, s14  }
0xfd: {  	[hbm4b:s23+s3] =	stream.linear.scatter [tilespmem:s22], [sflag:$0x1], $0x80, $0x38;
	[tilespmem:$0xA00] =	vst v63  }
0xfe: {  	s24 =	sadd.s32 $0x5F0, s13;
	s14 =	sadd.s32 $0x900, s14;
	s25 =	spop (v2sf)  }
0xff: {  	[hbm4b:s24+s3] =	stream.linear.scatter [tilespmem:s14], [sflag:$0x1], $0x80, $0x38;
	[tilespmem:$0xA00] =	vst v63  }
0x100: {  	s26 =	sshll.u32 s25, $0xA;
	s14 =	sshll.u32 s25, $0x7  }
0x101: {  	s15 =	sand.u32 $0xFFFFF800, s26;
	s14 =	sand.u32 $0x80, s14  }
0x102: {  	(v2sf) =	vpush v0, $0xD;
	s14 =	sor.u32 s14, s15  }
0x103: {  	s28 =	sadd.s32 $0x600, s13;
	s29 =	sor.u32 $0x200, s14  }
0x104: {  	[hbm4b:s28+s3] =	stream.linear.scatter [tilespmem:s29], [sflag:$0x1], $0x80, $0x38;
	[tilespmem:$0xA00] =	vst v63  }
0x105: {  	s31 =	sadd.s32 $0x640, s13;
	s30 =	sor.u32 $0x300, s14  }
0x106: {  	[hbm4b:s31+s3] =	stream.linear.scatter [tilespmem:s30], [sflag:$0x1], $0x80, $0x38;
	[tilespmem:$0xA00] =	vst v63  }
0x107: {  	s17 =	sadd.s32 $0x680, s13;
	s16 =	sor.u32 $0x400, s14  }
0x108: {  	[hbm4b:s17+s3] =	stream.linear.scatter [tilespmem:s16], [sflag:$0x1], $0x80, $0x38;
	[tilespmem:$0xA00] =	vst v63  }
0x109: {  	s19 =	sadd.s32 $0x6C0, s13;
	s18 =	sor.u32 $0x500, s14  }
0x10a: {  	[hbm4b:s19+s3] =	stream.linear.scatter [tilespmem:s18], [sflag:$0x1], $0x80, $0x38;
	[tilespmem:$0xA00] =	vst v63  }
0x10b: {  	s21 =	sadd.s32 $0x700, s13;
	s20 =	sor.u32 $0x600, s14  }
0x10c: {  	[hbm4b:s21+s3] =	stream.linear.scatter [tilespmem:s20], [sflag:$0x1], $0x80, $0x38;
	[tilespmem:$0xA00] =	vst v63  }
0x10d: {  	s23 =	sadd.s32 $0x740, s13;
	s22 =	sor.u32 $0x700, s14  }
0x10e: {  	[hbm4b:s23+s3] =	stream.linear.scatter [tilespmem:s22], [sflag:$0x1], $0x80, $0x38;
	[tilespmem:$0xA00] =	vst v63  }
0x10f: {  	s25 =	sadd.s32 $0x780, s13;
	s24 =	sadd.s32 $0x800, s14  }
0x110: {  	[hbm4b:s25+s3] =	stream.linear.scatter [tilespmem:s24], [sflag:$0x1], $0x80, $0x38;
	[tilespmem:$0xA00] =	vst v63  }
0x111: {  	s26 =	sadd.s32 $0x7C0, s13;
	s14 =	sadd.s32 $0x900, s14;
	s28 =	spop (v2sf)  }
0x112: {  	[hbm4b:s26+s3] =	stream.linear.scatter [tilespmem:s14], [sflag:$0x1], $0x80, $0x38;
	[tilespmem:$0xA00] =	vst v63  }
0x113: {  	s29 =	sshll.u32 s28, $0xA;
	s14 =	sshll.u32 s28, $0x7  }
0x114: {  	s15 =	sand.u32 $0xFFFFF800, s29;
	s14 =	sand.u32 $0x80, s14  }
0x115: {  	(v2sf) =	vpush v0, $0xE;
	s14 =	sor.u32 s14, s15  }
0x116: {  	s30 =	sadd.s32 $0x610, s13;
	s31 =	sor.u32 $0x200, s14  }
0x117: {  	[hbm4b:s30+s3] =	stream.linear.scatter [tilespmem:s31], [sflag:$0x1], $0x80, $0x38;
	[tilespmem:$0xA00] =	vst v63  }
0x118: {  	s17 =	sadd.s32 $0x650, s13;
	s16 =	sor.u32 $0x300, s14  }
0x119: {  	[hbm4b:s17+s3] =	stream.linear.scatter [tilespmem:s16], [sflag:$0x1], $0x80, $0x38;
	[tilespmem:$0xA00] =	vst v63  }
0x11a: {  	s19 =	sadd.s32 $0x690, s13;
	s18 =	sor.u32 $0x400, s14  }
0x11b: {  	[hbm4b:s19+s3] =	stream.linear.scatter [tilespmem:s18], [sflag:$0x1], $0x80, $0x38;
	[tilespmem:$0xA00] =	vst v63  }
0x11c: {  	s21 =	sadd.s32 $0x6D0, s13;
	s20 =	sor.u32 $0x500, s14  }
0x11d: {  	[hbm4b:s21+s3] =	stream.linear.scatter [tilespmem:s20], [sflag:$0x1], $0x80, $0x38;
	[tilespmem:$0xA00] =	vst v63  }
0x11e: {  	s23 =	sadd.s32 $0x710, s13;
	s22 =	sor.u32 $0x600, s14  }
0x11f: {  	[hbm4b:s23+s3] =	stream.linear.scatter [tilespmem:s22], [sflag:$0x1], $0x80, $0x38;
	[tilespmem:$0xA00] =	vst v63  }
0x120: {  	s25 =	sadd.s32 $0x750, s13;
	s24 =	sor.u32 $0x700, s14  }
0x121: {  	[hbm4b:s25+s3] =	stream.linear.scatter [tilespmem:s24], [sflag:$0x1], $0x80, $0x38;
	[tilespmem:$0xA00] =	vst v63  }
0x122: {  	s28 =	sadd.s32 $0x790, s13;
	s26 =	sadd.s32 $0x800, s14  }
0x123: {  	[hbm4b:s28+s3] =	stream.linear.scatter [tilespmem:s26], [sflag:$0x1], $0x80, $0x38;
	[tilespmem:$0xA00] =	vst v63  }
0x124: {  	s29 =	sadd.s32 $0x7D0, s13;
	s14 =	sadd.s32 $0x900, s14;
	s30 =	spop (v2sf)  }
0x125: {  	[hbm4b:s29+s3] =	stream.linear.scatter [tilespmem:s14], [sflag:$0x1], $0x80, $0x38;
	[tilespmem:$0xA00] =	vst v63  }
0x126: {  	s31 =	sshll.u32 s30, $0xA;
	s14 =	sshll.u32 s30, $0x7  }
0x127: {  	s15 =	sand.u32 $0xFFFFF800, s31;
	s14 =	sand.u32 $0x80, s14  }
0x128: {  	s14 =	sor.u32 s14, s15  }
0x129: {  	s16 =	sadd.s32 $0x620, s13;
	s17 =	sor.u32 $0x200, s14  }
0x12a: {  	[hbm4b:s16+s3] =	stream.linear.scatter [tilespmem:s17], [sflag:$0x1], $0x80, $0x38;
	[tilespmem:$0xA00] =	vst v63  }
0x12b: {  	s19 =	sadd.s32 $0x660, s13;
	s18 =	sor.u32 $0x300, s14  }
0x12c: {  	[hbm4b:s19+s3] =	stream.linear.scatter [tilespmem:s18], [sflag:$0x1], $0x80, $0x38;
	[tilespmem:$0xA00] =	vst v63  }
0x12d: {  	s21 =	sadd.s32 $0x6A0, s13;
	s20 =	sor.u32 $0x400, s14  }
0x12e: {  	[hbm4b:s21+s3] =	stream.linear.scatter [tilespmem:s20], [sflag:$0x1], $0x80, $0x38;
	[tilespmem:$0xA00] =	vst v63  }
0x12f: {  	s23 =	sadd.s32 $0x6E0, s13;
	s22 =	sor.u32 $0x500, s14  }
0x130: {  	[hbm4b:s23+s3] =	stream.linear.scatter [tilespmem:s22], [sflag:$0x1], $0x80, $0x38;
	[tilespmem:$0xA00] =	vst v63  }
0x131: {  	(v2sf) =	vpush v0, $0xF;
	_ =	sdelay $0x6  }
0x132: {  	s25 =	sadd.s32 $0x720, s13;
	s24 =	sor.u32 $0x600, s14  }
0x133: {  	[hbm4b:s25+s3] =	stream.linear.scatter [tilespmem:s24], [sflag:$0x1], $0x80, $0x38;
	[tilespmem:$0xA00] =	vst v63  }
0x134: {  	s28 =	sadd.s32 $0x760, s13;
	s26 =	sor.u32 $0x700, s14  }
0x135: {  	[hbm4b:s28+s3] =	stream.linear.scatter [tilespmem:s26], [sflag:$0x1], $0x80, $0x38;
	[tilespmem:$0xA00] =	vst v63  }
0x136: {  	s30 =	sadd.s32 $0x7A0, s13;
	s29 =	sadd.s32 $0x800, s14  }
0x137: {  	[hbm4b:s30+s3] =	stream.linear.scatter [tilespmem:s29], [sflag:$0x1], $0x80, $0x38;
	[tilespmem:$0xA00] =	vst v63  }
0x138: {  	s31 =	sadd.s32 $0x7E0, s13;
	s14 =	sadd.s32 $0x900, s14  }
0x139: {  	[hbm4b:s31+s3] =	stream.linear.scatter [tilespmem:s14], [sflag:$0x1], $0x80, $0x38;
	[tilespmem:$0xA00] =	vst v63  }
0x13a: {  	s15 =	spop (v2sf)  }
0x13b: {  	s16 =	sshll.u32 s15, $0xA;
	s14 =	sshll.u32 s15, $0x7  }
0x13c: {  	s15 =	sand.u32 $0xFFFFF800, s16;
	s14 =	sand.u32 $0x80, s14  }
0x13d: {  	s14 =	sor.u32 s14, s15  }
0x13e: {  	s17 =	sadd.s32 $0x630, s13;
	s18 =	sor.u32 $0x200, s14  }
0x13f: {  	[hbm4b:s17+s3] =	stream.linear.scatter [tilespmem:s18], [sflag:$0x1], $0x80, $0x38;
	[tilespmem:$0xA00] =	vst v63  }
0x140: {  	s20 =	sadd.s32 $0x670, s13;
	s19 =	sor.u32 $0x300, s14  }
0x141: {  	[hbm4b:s20+s3] =	stream.linear.scatter [tilespmem:s19], [sflag:$0x1], $0x80, $0x38;
	[tilespmem:$0xA00] =	vst v63  }
0x142: {  	s22 =	sadd.s32 $0x6B0, s13;
	s21 =	sor.u32 $0x400, s14  }
0x143: {  	[hbm4b:s22+s3] =	stream.linear.scatter [tilespmem:s21], [sflag:$0x1], $0x80, $0x38;
	[tilespmem:$0xA00] =	vst v63  }
0x144: {  	s24 =	sadd.s32 $0x6F0, s13;
	s23 =	sor.u32 $0x500, s14  }
0x145: {  	[hbm4b:s24+s3] =	stream.linear.scatter [tilespmem:s23], [sflag:$0x1], $0x80, $0x38;
	[tilespmem:$0xA00] =	vst v63  }
0x146: {  	s26 =	sadd.s32 $0x730, s13;
	s25 =	sor.u32 $0x600, s14  }
0x147: {  	[hbm4b:s26+s3] =	stream.linear.scatter [tilespmem:s25], [sflag:$0x1], $0x80, $0x38;
	[tilespmem:$0xA00] =	vst v63  }
0x148: {  	s29 =	sadd.s32 $0x770, s13;
	s28 =	sor.u32 $0x700, s14  }
0x149: {  	[hbm4b:s29+s3] =	stream.linear.scatter [tilespmem:s28], [sflag:$0x1], $0x80, $0x38;
	[tilespmem:$0xA00] =	vst v63  }
0x14a: {  	s31 =	sadd.s32 $0x7B0, s13;
	s30 =	sadd.s32 $0x800, s14  }
0x14b: {  	[hbm4b:s31+s3] =	stream.linear.scatter [tilespmem:s30], [sflag:$0x1], $0x80, $0x38;
	[tilespmem:$0xA00] =	vst v63  }
0x14c: {  	s16 =	sadd.s32 $0x7F0, s13;
	s14 =	sadd.s32 $0x900, s14  }
0x14d: {  	[hbm4b:s16+s3] =	stream.linear.scatter [tilespmem:s14], [sflag:$0x1], $0x80, $0x38;
	[tilespmem:$0xA00] =	vst v63  }
0x14e: {  	v61 =	vld [tilespmem:s11+$0xFFFFFFF0];
	_ =	sdelay $0x4  }
0x14f: {  	(v2sf) =	vpush v61, $0x0;
	_ =	sdelay $0xe  }
0x150: {  	s17 =	spop (v2sf)  }
0x151: {  	s18 =	sshll.u32 s17, $0xA;
	s14 =	sshll.u32 s17, $0x7  }
0x152: {  	s15 =	sand.u32 $0xFFFFF800, s18;
	s14 =	sand.u32 $0x80, s14  }
0x153: {  	(v2sf) =	vpush v61, $0x1;
	s14 =	sor.u32 s14, s15  }
0x154: {  	s19 =	sadd.s32 $0x800, s13;
	s20 =	sor.u32 $0x200, s14  }
0x155: {  	[hbm4b:s19+s3] =	stream.linear.scatter [tilespmem:s20], [sflag:$0x1], $0x80, $0x38;
	[tilespmem:$0xA00] =	vst v63  }
0x156: {  	s22 =	sadd.s32 $0x840, s13;
	s21 =	sor.u32 $0x300, s14  }
0x157: {  	[hbm4b:s22+s3] =	stream.linear.scatter [tilespmem:s21], [sflag:$0x1], $0x80, $0x38;
	[tilespmem:$0xA00] =	vst v63  }
0x158: {  	s24 =	sadd.s32 $0x880, s13;
	s23 =	sor.u32 $0x400, s14  }
0x159: {  	[hbm4b:s24+s3] =	stream.linear.scatter [tilespmem:s23], [sflag:$0x1], $0x80, $0x38;
	[tilespmem:$0xA00] =	vst v63  }
0x15a: {  	s26 =	sadd.s32 $0x8C0, s13;
	s25 =	sor.u32 $0x500, s14  }
0x15b: {  	[hbm4b:s26+s3] =	stream.linear.scatter [tilespmem:s25], [sflag:$0x1], $0x80, $0x38;
	[tilespmem:$0xA00] =	vst v63  }
0x15c: {  	s29 =	sadd.s32 $0x900, s13;
	s28 =	sor.u32 $0x600, s14  }
0x15d: {  	[hbm4b:s29+s3] =	stream.linear.scatter [tilespmem:s28], [sflag:$0x1], $0x80, $0x38;
	[tilespmem:$0xA00] =	vst v63  }
0x15e: {  	s31 =	sadd.s32 $0x940, s13;
	s30 =	sor.u32 $0x700, s14  }
0x15f: {  	[hbm4b:s31+s3] =	stream.linear.scatter [tilespmem:s30], [sflag:$0x1], $0x80, $0x38;
	[tilespmem:$0xA00] =	vst v63  }
0x160: {  	s17 =	sadd.s32 $0x980, s13;
	s16 =	sadd.s32 $0x800, s14  }
0x161: {  	[hbm4b:s17+s3] =	stream.linear.scatter [tilespmem:s16], [sflag:$0x1], $0x80, $0x38;
	[tilespmem:$0xA00] =	vst v63  }
0x162: {  	s18 =	sadd.s32 $0x9C0, s13;
	s14 =	sadd.s32 $0x900, s14;
	s19 =	spop (v2sf)  }
0x163: {  	[hbm4b:s18+s3] =	stream.linear.scatter [tilespmem:s14], [sflag:$0x1], $0x80, $0x38;
	[tilespmem:$0xA00] =	vst v63  }
0x164: {  	s20 =	sshll.u32 s19, $0xA;
	s14 =	sshll.u32 s19, $0x7  }
0x165: {  	s15 =	sand.u32 $0xFFFFF800, s20;
	s14 =	sand.u32 $0x80, s14  }
0x166: {  	(v2sf) =	vpush v61, $0x2;
	s14 =	sor.u32 s14, s15  }
0x167: {  	s21 =	sadd.s32 $0x810, s13;
	s22 =	sor.u32 $0x200, s14  }
0x168: {  	[hbm4b:s21+s3] =	stream.linear.scatter [tilespmem:s22], [sflag:$0x1], $0x80, $0x38;
	[tilespmem:$0xA00] =	vst v63  }
0x169: {  	s24 =	sadd.s32 $0x850, s13;
	s23 =	sor.u32 $0x300, s14  }
0x16a: {  	[hbm4b:s24+s3] =	stream.linear.scatter [tilespmem:s23], [sflag:$0x1], $0x80, $0x38;
	[tilespmem:$0xA00] =	vst v63  }
0x16b: {  	s26 =	sadd.s32 $0x890, s13;
	s25 =	sor.u32 $0x400, s14  }
0x16c: {  	[hbm4b:s26+s3] =	stream.linear.scatter [tilespmem:s25], [sflag:$0x1], $0x80, $0x38;
	[tilespmem:$0xA00] =	vst v63  }
0x16d: {  	s29 =	sadd.s32 $0x8D0, s13;
	s28 =	sor.u32 $0x500, s14  }
0x16e: {  	[hbm4b:s29+s3] =	stream.linear.scatter [tilespmem:s28], [sflag:$0x1], $0x80, $0x38;
	[tilespmem:$0xA00] =	vst v63  }
0x16f: {  	s31 =	sadd.s32 $0x910, s13;
	s30 =	sor.u32 $0x600, s14  }
0x170: {  	[hbm4b:s31+s3] =	stream.linear.scatter [tilespmem:s30], [sflag:$0x1], $0x80, $0x38;
	[tilespmem:$0xA00] =	vst v63  }
0x171: {  	s17 =	sadd.s32 $0x950, s13;
	s16 =	sor.u32 $0x700, s14  }
0x172: {  	[hbm4b:s17+s3] =	stream.linear.scatter [tilespmem:s16], [sflag:$0x1], $0x80, $0x38;
	[tilespmem:$0xA00] =	vst v63  }
0x173: {  	s19 =	sadd.s32 $0x990, s13;
	s18 =	sadd.s32 $0x800, s14  }
0x174: {  	[hbm4b:s19+s3] =	stream.linear.scatter [tilespmem:s18], [sflag:$0x1], $0x80, $0x38;
	[tilespmem:$0xA00] =	vst v63  }
0x175: {  	s20 =	sadd.s32 $0x9D0, s13;
	s14 =	sadd.s32 $0x900, s14;
	s21 =	spop (v2sf)  }
0x176: {  	[hbm4b:s20+s3] =	stream.linear.scatter [tilespmem:s14], [sflag:$0x1], $0x80, $0x38;
	[tilespmem:$0xA00] =	vst v63  }
0x177: {  	s22 =	sshll.u32 s21, $0xA;
	s14 =	sshll.u32 s21, $0x7  }
0x178: {  	s15 =	sand.u32 $0xFFFFF800, s22;
	s14 =	sand.u32 $0x80, s14  }
0x179: {  	(v2sf) =	vpush v61, $0x3;
	s14 =	sor.u32 s14, s15  }
0x17a: {  	s23 =	sadd.s32 $0x820, s13;
	s24 =	sor.u32 $0x200, s14  }
0x17b: {  	[hbm4b:s23+s3] =	stream.linear.scatter [tilespmem:s24], [sflag:$0x1], $0x80, $0x38;
	[tilespmem:$0xA00] =	vst v63  }
0x17c: {  	s26 =	sadd.s32 $0x860, s13;
	s25 =	sor.u32 $0x300, s14  }
0x17d: {  	[hbm4b:s26+s3] =	stream.linear.scatter [tilespmem:s25], [sflag:$0x1], $0x80, $0x38;
	[tilespmem:$0xA00] =	vst v63  }
0x17e: {  	s29 =	sadd.s32 $0x8A0, s13;
	s28 =	sor.u32 $0x400, s14  }
0x17f: {  	[hbm4b:s29+s3] =	stream.linear.scatter [tilespmem:s28], [sflag:$0x1], $0x80, $0x38;
	[tilespmem:$0xA00] =	vst v63  }
0x180: {  	s31 =	sadd.s32 $0x8E0, s13;
	s30 =	sor.u32 $0x500, s14  }
0x181: {  	[hbm4b:s31+s3] =	stream.linear.scatter [tilespmem:s30], [sflag:$0x1], $0x80, $0x38;
	[tilespmem:$0xA00] =	vst v63  }
0x182: {  	s17 =	sadd.s32 $0x920, s13;
	s16 =	sor.u32 $0x600, s14  }
0x183: {  	[hbm4b:s17+s3] =	stream.linear.scatter [tilespmem:s16], [sflag:$0x1], $0x80, $0x38;
	[tilespmem:$0xA00] =	vst v63  }
0x184: {  	s19 =	sadd.s32 $0x960, s13;
	s18 =	sor.u32 $0x700, s14  }
0x185: {  	[hbm4b:s19+s3] =	stream.linear.scatter [tilespmem:s18], [sflag:$0x1], $0x80, $0x38;
	[tilespmem:$0xA00] =	vst v63  }
0x186: {  	s21 =	sadd.s32 $0x9A0, s13;
	s20 =	sadd.s32 $0x800, s14  }
0x187: {  	[hbm4b:s21+s3] =	stream.linear.scatter [tilespmem:s20], [sflag:$0x1], $0x80, $0x38;
	[tilespmem:$0xA00] =	vst v63  }
0x188: {  	s22 =	sadd.s32 $0x9E0, s13;
	s14 =	sadd.s32 $0x900, s14;
	s23 =	spop (v2sf)  }
0x189: {  	[hbm4b:s22+s3] =	stream.linear.scatter [tilespmem:s14], [sflag:$0x1], $0x80, $0x38;
	[tilespmem:$0xA00] =	vst v63  }
0x18a: {  	s24 =	sshll.u32 s23, $0xA;
	s14 =	sshll.u32 s23, $0x7  }
0x18b: {  	s15 =	sand.u32 $0xFFFFF800, s24;
	s14 =	sand.u32 $0x80, s14  }
0x18c: {  	(v2sf) =	vpush v61, $0x4;
	s14 =	sor.u32 s14, s15  }
0x18d: {  	s25 =	sadd.s32 $0x830, s13;
	s26 =	sor.u32 $0x200, s14  }
0x18e: {  	[hbm4b:s25+s3] =	stream.linear.scatter [tilespmem:s26], [sflag:$0x1], $0x80, $0x38;
	[tilespmem:$0xA00] =	vst v63  }
0x18f: {  	s29 =	sadd.s32 $0x870, s13;
	s28 =	sor.u32 $0x300, s14  }
0x190: {  	[hbm4b:s29+s3] =	stream.linear.scatter [tilespmem:s28], [sflag:$0x1], $0x80, $0x38;
	[tilespmem:$0xA00] =	vst v63  }
0x191: {  	s31 =	sadd.s32 $0x8B0, s13;
	s30 =	sor.u32 $0x400, s14  }
0x192: {  	[hbm4b:s31+s3] =	stream.linear.scatter [tilespmem:s30], [sflag:$0x1], $0x80, $0x38;
	[tilespmem:$0xA00] =	vst v63  }
0x193: {  	s17 =	sadd.s32 $0x8F0, s13;
	s16 =	sor.u32 $0x500, s14  }
0x194: {  	[hbm4b:s17+s3] =	stream.linear.scatter [tilespmem:s16], [sflag:$0x1], $0x80, $0x38;
	[tilespmem:$0xA00] =	vst v63  }
0x195: {  	s19 =	sadd.s32 $0x930, s13;
	s18 =	sor.u32 $0x600, s14  }
0x196: {  	[hbm4b:s19+s3] =	stream.linear.scatter [tilespmem:s18], [sflag:$0x1], $0x80, $0x38;
	[tilespmem:$0xA00] =	vst v63  }
0x197: {  	s21 =	sadd.s32 $0x970, s13;
	s20 =	sor.u32 $0x700, s14  }
0x198: {  	[hbm4b:s21+s3] =	stream.linear.scatter [tilespmem:s20], [sflag:$0x1], $0x80, $0x38;
	[tilespmem:$0xA00] =	vst v63  }
0x199: {  	s23 =	sadd.s32 $0x9B0, s13;
	s22 =	sadd.s32 $0x800, s14  }
0x19a: {  	[hbm4b:s23+s3] =	stream.linear.scatter [tilespmem:s22], [sflag:$0x1], $0x80, $0x38;
	[tilespmem:$0xA00] =	vst v63  }
0x19b: {  	s24 =	sadd.s32 $0x9F0, s13;
	s14 =	sadd.s32 $0x900, s14;
	s25 =	spop (v2sf)  }
0x19c: {  	[hbm4b:s24+s3] =	stream.linear.scatter [tilespmem:s14], [sflag:$0x1], $0x80, $0x38;
	[tilespmem:$0xA00] =	vst v63  }
0x19d: {  	s26 =	sshll.u32 s25, $0xA;
	s14 =	sshll.u32 s25, $0x7  }
0x19e: {  	s15 =	sand.u32 $0xFFFFF800, s26;
	s14 =	sand.u32 $0x80, s14  }
0x19f: {  	(v2sf) =	vpush v61, $0x5;
	s14 =	sor.u32 s14, s15  }
0x1a0: {  	s28 =	sadd.s32 $0xA00, s13;
	s29 =	sor.u32 $0x200, s14  }
0x1a1: {  	[hbm4b:s28+s3] =	stream.linear.scatter [tilespmem:s29], [sflag:$0x1], $0x80, $0x38;
	[tilespmem:$0xA00] =	vst v63  }
0x1a2: {  	s31 =	sadd.s32 $0xA40, s13;
	s30 =	sor.u32 $0x300, s14  }
0x1a3: {  	[hbm4b:s31+s3] =	stream.linear.scatter [tilespmem:s30], [sflag:$0x1], $0x80, $0x38;
	[tilespmem:$0xA00] =	vst v63  }
0x1a4: {  	s17 =	sadd.s32 $0xA80, s13;
	s16 =	sor.u32 $0x400, s14  }
0x1a5: {  	[hbm4b:s17+s3] =	stream.linear.scatter [tilespmem:s16], [sflag:$0x1], $0x80, $0x38;
	[tilespmem:$0xA00] =	vst v63  }
0x1a6: {  	s19 =	sadd.s32 $0xAC0, s13;
	s18 =	sor.u32 $0x500, s14  }
0x1a7: {  	[hbm4b:s19+s3] =	stream.linear.scatter [tilespmem:s18], [sflag:$0x1], $0x80, $0x38;
	[tilespmem:$0xA00] =	vst v63  }
0x1a8: {  	s21 =	sadd.s32 $0xB00, s13;
	s20 =	sor.u32 $0x600, s14  }
0x1a9: {  	[hbm4b:s21+s3] =	stream.linear.scatter [tilespmem:s20], [sflag:$0x1], $0x80, $0x38;
	[tilespmem:$0xA00] =	vst v63  }
0x1aa: {  	s23 =	sadd.s32 $0xB40, s13;
	s22 =	sor.u32 $0x700, s14  }
0x1ab: {  	[hbm4b:s23+s3] =	stream.linear.scatter [tilespmem:s22], [sflag:$0x1], $0x80, $0x38;
	[tilespmem:$0xA00] =	vst v63  }
0x1ac: {  	s25 =	sadd.s32 $0xB80, s13;
	s24 =	sadd.s32 $0x800, s14  }
0x1ad: {  	[hbm4b:s25+s3] =	stream.linear.scatter [tilespmem:s24], [sflag:$0x1], $0x80, $0x38;
	[tilespmem:$0xA00] =	vst v63  }
0x1ae: {  	s26 =	sadd.s32 $0xBC0, s13;
	s14 =	sadd.s32 $0x900, s14;
	s28 =	spop (v2sf)  }
0x1af: {  	[hbm4b:s26+s3] =	stream.linear.scatter [tilespmem:s14], [sflag:$0x1], $0x80, $0x38;
	[tilespmem:$0xA00] =	vst v63  }
0x1b0: {  	s29 =	sshll.u32 s28, $0xA;
	s14 =	sshll.u32 s28, $0x7  }
0x1b1: {  	s15 =	sand.u32 $0xFFFFF800, s29;
	s14 =	sand.u32 $0x80, s14  }
0x1b2: {  	(v2sf) =	vpush v61, $0x6;
	s14 =	sor.u32 s14, s15  }
0x1b3: {  	s30 =	sadd.s32 $0xA10, s13;
	s31 =	sor.u32 $0x200, s14  }
0x1b4: {  	[hbm4b:s30+s3] =	stream.linear.scatter [tilespmem:s31], [sflag:$0x1], $0x80, $0x38;
	[tilespmem:$0xA00] =	vst v63  }
0x1b5: {  	s17 =	sadd.s32 $0xA50, s13;
	s16 =	sor.u32 $0x300, s14  }
0x1b6: {  	[hbm4b:s17+s3] =	stream.linear.scatter [tilespmem:s16], [sflag:$0x1], $0x80, $0x38;
	[tilespmem:$0xA00] =	vst v63  }
0x1b7: {  	s19 =	sadd.s32 $0xA90, s13;
	s18 =	sor.u32 $0x400, s14  }
0x1b8: {  	[hbm4b:s19+s3] =	stream.linear.scatter [tilespmem:s18], [sflag:$0x1], $0x80, $0x38;
	[tilespmem:$0xA00] =	vst v63  }
0x1b9: {  	s21 =	sadd.s32 $0xAD0, s13;
	s20 =	sor.u32 $0x500, s14  }
0x1ba: {  	[hbm4b:s21+s3] =	stream.linear.scatter [tilespmem:s20], [sflag:$0x1], $0x80, $0x38;
	[tilespmem:$0xA00] =	vst v63  }
0x1bb: {  	s23 =	sadd.s32 $0xB10, s13;
	s22 =	sor.u32 $0x600, s14  }
0x1bc: {  	[hbm4b:s23+s3] =	stream.linear.scatter [tilespmem:s22], [sflag:$0x1], $0x80, $0x38;
	[tilespmem:$0xA00] =	vst v63  }
0x1bd: {  	s25 =	sadd.s32 $0xB50, s13;
	s24 =	sor.u32 $0x700, s14  }
0x1be: {  	[hbm4b:s25+s3] =	stream.linear.scatter [tilespmem:s24], [sflag:$0x1], $0x80, $0x38;
	[tilespmem:$0xA00] =	vst v63  }
0x1bf: {  	s28 =	sadd.s32 $0xB90, s13;
	s26 =	sadd.s32 $0x800, s14  }
0x1c0: {  	[hbm4b:s28+s3] =	stream.linear.scatter [tilespmem:s26], [sflag:$0x1], $0x80, $0x38;
	[tilespmem:$0xA00] =	vst v63  }
0x1c1: {  	s29 =	sadd.s32 $0xBD0, s13;
	s14 =	sadd.s32 $0x900, s14;
	s30 =	spop (v2sf)  }
0x1c2: {  	[hbm4b:s29+s3] =	stream.linear.scatter [tilespmem:s14], [sflag:$0x1], $0x80, $0x38;
	[tilespmem:$0xA00] =	vst v63  }
0x1c3: {  	s31 =	sshll.u32 s30, $0xA;
	s14 =	sshll.u32 s30, $0x7  }
0x1c4: {  	s15 =	sand.u32 $0xFFFFF800, s31;
	s14 =	sand.u32 $0x80, s14  }
0x1c5: {  	(v2sf) =	vpush v61, $0x7;
	s14 =	sor.u32 s14, s15  }
0x1c6: {  	s16 =	sadd.s32 $0xA20, s13;
	s17 =	sor.u32 $0x200, s14  }
0x1c7: {  	[hbm4b:s16+s3] =	stream.linear.scatter [tilespmem:s17], [sflag:$0x1], $0x80, $0x38;
	[tilespmem:$0xA00] =	vst v63  }
0x1c8: {  	s19 =	sadd.s32 $0xA60, s13;
	s18 =	sor.u32 $0x300, s14  }
0x1c9: {  	[hbm4b:s19+s3] =	stream.linear.scatter [tilespmem:s18], [sflag:$0x1], $0x80, $0x38;
	[tilespmem:$0xA00] =	vst v63  }
0x1ca: {  	s21 =	sadd.s32 $0xAA0, s13;
	s20 =	sor.u32 $0x400, s14  }
0x1cb: {  	[hbm4b:s21+s3] =	stream.linear.scatter [tilespmem:s20], [sflag:$0x1], $0x80, $0x38;
	[tilespmem:$0xA00] =	vst v63  }
0x1cc: {  	s23 =	sadd.s32 $0xAE0, s13;
	s22 =	sor.u32 $0x500, s14  }
0x1cd: {  	[hbm4b:s23+s3] =	stream.linear.scatter [tilespmem:s22], [sflag:$0x1], $0x80, $0x38;
	[tilespmem:$0xA00] =	vst v63  }
0x1ce: {  	s25 =	sadd.s32 $0xB20, s13;
	s24 =	sor.u32 $0x600, s14  }
0x1cf: {  	[hbm4b:s25+s3] =	stream.linear.scatter [tilespmem:s24], [sflag:$0x1], $0x80, $0x38;
	[tilespmem:$0xA00] =	vst v63  }
0x1d0: {  	s28 =	sadd.s32 $0xB60, s13;
	s26 =	sor.u32 $0x700, s14  }
0x1d1: {  	[hbm4b:s28+s3] =	stream.linear.scatter [tilespmem:s26], [sflag:$0x1], $0x80, $0x38;
	[tilespmem:$0xA00] =	vst v63  }
0x1d2: {  	s30 =	sadd.s32 $0xBA0, s13;
	s29 =	sadd.s32 $0x800, s14  }
0x1d3: {  	[hbm4b:s30+s3] =	stream.linear.scatter [tilespmem:s29], [sflag:$0x1], $0x80, $0x38;
	[tilespmem:$0xA00] =	vst v63  }
0x1d4: {  	s31 =	sadd.s32 $0xBE0, s13;
	s15 =	spop (v2sf);
	s14 =	sadd.s32 $0x900, s14  }
0x1d5: {  	[hbm4b:s31+s3] =	stream.linear.scatter [tilespmem:s14], [sflag:$0x1], $0x80, $0x38;
	[tilespmem:$0xA00] =	vst v63  }
0x1d6: {  	s16 =	sshll.u32 s15, $0xA;
	s14 =	sshll.u32 s15, $0x7  }
0x1d7: {  	s15 =	sand.u32 $0xFFFFF800, s16;
	s14 =	sand.u32 $0x80, s14  }
0x1d8: {  	(v2sf) =	vpush v61, $0x8;
	s14 =	sor.u32 s14, s15  }
0x1d9: {  	s17 =	sadd.s32 $0xA30, s13;
	s18 =	sor.u32 $0x200, s14  }
0x1da: {  	[hbm4b:s17+s3] =	stream.linear.scatter [tilespmem:s18], [sflag:$0x1], $0x80, $0x38;
	[tilespmem:$0xA00] =	vst v63  }
0x1db: {  	s20 =	sadd.s32 $0xA70, s13;
	s19 =	sor.u32 $0x300, s14  }
0x1dc: {  	[hbm4b:s20+s3] =	stream.linear.scatter [tilespmem:s19], [sflag:$0x1], $0x80, $0x38;
	[tilespmem:$0xA00] =	vst v63  }
0x1dd: {  	s22 =	sadd.s32 $0xAB0, s13;
	s21 =	sor.u32 $0x400, s14  }
0x1de: {  	[hbm4b:s22+s3] =	stream.linear.scatter [tilespmem:s21], [sflag:$0x1], $0x80, $0x38;
	[tilespmem:$0xA00] =	vst v63  }
0x1df: {  	s24 =	sadd.s32 $0xAF0, s13;
	s23 =	sor.u32 $0x500, s14  }
0x1e0: {  	[hbm4b:s24+s3] =	stream.linear.scatter [tilespmem:s23], [sflag:$0x1], $0x80, $0x38;
	[tilespmem:$0xA00] =	vst v63  }
0x1e1: {  	s26 =	sadd.s32 $0xB30, s13;
	s25 =	sor.u32 $0x600, s14  }
0x1e2: {  	[hbm4b:s26+s3] =	stream.linear.scatter [tilespmem:s25], [sflag:$0x1], $0x80, $0x38;
	[tilespmem:$0xA00] =	vst v63  }
0x1e3: {  	s29 =	sadd.s32 $0xB70, s13;
	s28 =	sor.u32 $0x700, s14  }
0x1e4: {  	[hbm4b:s29+s3] =	stream.linear.scatter [tilespmem:s28], [sflag:$0x1], $0x80, $0x38;
	[tilespmem:$0xA00] =	vst v63  }
0x1e5: {  	s31 =	sadd.s32 $0xBB0, s13;
	s30 =	sadd.s32 $0x800, s14  }
0x1e6: {  	[hbm4b:s31+s3] =	stream.linear.scatter [tilespmem:s30], [sflag:$0x1], $0x80, $0x38;
	[tilespmem:$0xA00] =	vst v63  }
0x1e7: {  	s16 =	sadd.s32 $0xBF0, s13;
	s14 =	sadd.s32 $0x900, s14;
	s17 =	spop (v2sf)  }
0x1e8: {  	[hbm4b:s16+s3] =	stream.linear.scatter [tilespmem:s14], [sflag:$0x1], $0x80, $0x38;
	[tilespmem:$0xA00] =	vst v63  }
0x1e9: {  	s18 =	sshll.u32 s17, $0xA;
	s14 =	sshll.u32 s17, $0x7  }
0x1ea: {  	s15 =	sand.u32 $0xFFFFF800, s18;
	s14 =	sand.u32 $0x80, s14  }
0x1eb: {  	(v2sf) =	vpush v61, $0x9;
	s14 =	sor.u32 s14, s15  }
0x1ec: {  	s19 =	sadd.s32 $0xC00, s13;
	s20 =	sor.u32 $0x200, s14  }
0x1ed: {  	[hbm4b:s19+s3] =	stream.linear.scatter [tilespmem:s20], [sflag:$0x1], $0x80, $0x38;
	[tilespmem:$0xA00] =	vst v63  }
0x1ee: {  	s22 =	sadd.s32 $0xC40, s13;
	s21 =	sor.u32 $0x300, s14  }
0x1ef: {  	[hbm4b:s22+s3] =	stream.linear.scatter [tilespmem:s21], [sflag:$0x1], $0x80, $0x38;
	[tilespmem:$0xA00] =	vst v63  }
0x1f0: {  	s24 =	sadd.s32 $0xC80, s13;
	s23 =	sor.u32 $0x400, s14  }
0x1f1: {  	[hbm4b:s24+s3] =	stream.linear.scatter [tilespmem:s23], [sflag:$0x1], $0x80, $0x38;
	[tilespmem:$0xA00] =	vst v63  }
0x1f2: {  	s26 =	sadd.s32 $0xCC0, s13;
	s25 =	sor.u32 $0x500, s14  }
0x1f3: {  	[hbm4b:s26+s3] =	stream.linear.scatter [tilespmem:s25], [sflag:$0x1], $0x80, $0x38;
	[tilespmem:$0xA00] =	vst v63  }
0x1f4: {  	s29 =	sadd.s32 $0xD00, s13;
	s28 =	sor.u32 $0x600, s14  }
0x1f5: {  	[hbm4b:s29+s3] =	stream.linear.scatter [tilespmem:s28], [sflag:$0x1], $0x80, $0x38;
	[tilespmem:$0xA00] =	vst v63  }
0x1f6: {  	s31 =	sadd.s32 $0xD40, s13;
	s30 =	sor.u32 $0x700, s14  }
0x1f7: {  	[hbm4b:s31+s3] =	stream.linear.scatter [tilespmem:s30], [sflag:$0x1], $0x80, $0x38;
	[tilespmem:$0xA00] =	vst v63  }
0x1f8: {  	s17 =	sadd.s32 $0xD80, s13;
	s16 =	sadd.s32 $0x800, s14  }
0x1f9: {  	[hbm4b:s17+s3] =	stream.linear.scatter [tilespmem:s16], [sflag:$0x1], $0x80, $0x38;
	[tilespmem:$0xA00] =	vst v63  }
0x1fa: {  	s18 =	sadd.s32 $0xDC0, s13;
	s14 =	sadd.s32 $0x900, s14;
	s19 =	spop (v2sf)  }
0x1fb: {  	[hbm4b:s18+s3] =	stream.linear.scatter [tilespmem:s14], [sflag:$0x1], $0x80, $0x38;
	[tilespmem:$0xA00] =	vst v63  }
0x1fc: {  	s20 =	sshll.u32 s19, $0xA;
	s14 =	sshll.u32 s19, $0x7  }
0x1fd: {  	s15 =	sand.u32 $0xFFFFF800, s20;
	s14 =	sand.u32 $0x80, s14  }
0x1fe: {  	(v2sf) =	vpush v61, $0xA;
	s14 =	sor.u32 s14, s15  }
0x1ff: {  	s21 =	sadd.s32 $0xC10, s13;
	s22 =	sor.u32 $0x200, s14  }
0x200: {  	[hbm4b:s21+s3] =	stream.linear.scatter [tilespmem:s22], [sflag:$0x1], $0x80, $0x38;
	[tilespmem:$0xA00] =	vst v63  }
0x201: {  	s24 =	sadd.s32 $0xC50, s13;
	s23 =	sor.u32 $0x300, s14  }
0x202: {  	[hbm4b:s24+s3] =	stream.linear.scatter [tilespmem:s23], [sflag:$0x1], $0x80, $0x38;
	[tilespmem:$0xA00] =	vst v63  }
0x203: {  	s26 =	sadd.s32 $0xC90, s13;
	s25 =	sor.u32 $0x400, s14  }
0x204: {  	[hbm4b:s26+s3] =	stream.linear.scatter [tilespmem:s25], [sflag:$0x1], $0x80, $0x38;
	[tilespmem:$0xA00] =	vst v63  }
0x205: {  	s29 =	sadd.s32 $0xCD0, s13;
	s28 =	sor.u32 $0x500, s14  }
0x206: {  	[hbm4b:s29+s3] =	stream.linear.scatter [tilespmem:s28], [sflag:$0x1], $0x80, $0x38;
	[tilespmem:$0xA00] =	vst v63  }
0x207: {  	s31 =	sadd.s32 $0xD10, s13;
	s30 =	sor.u32 $0x600, s14  }
0x208: {  	[hbm4b:s31+s3] =	stream.linear.scatter [tilespmem:s30], [sflag:$0x1], $0x80, $0x38;
	[tilespmem:$0xA00] =	vst v63  }
0x209: {  	s17 =	sadd.s32 $0xD50, s13;
	s16 =	sor.u32 $0x700, s14  }
0x20a: {  	[hbm4b:s17+s3] =	stream.linear.scatter [tilespmem:s16], [sflag:$0x1], $0x80, $0x38;
	[tilespmem:$0xA00] =	vst v63  }
0x20b: {  	s19 =	sadd.s32 $0xD90, s13;
	s18 =	sadd.s32 $0x800, s14  }
0x20c: {  	[hbm4b:s19+s3] =	stream.linear.scatter [tilespmem:s18], [sflag:$0x1], $0x80, $0x38;
	[tilespmem:$0xA00] =	vst v63  }
0x20d: {  	s20 =	sadd.s32 $0xDD0, s13;
	s14 =	sadd.s32 $0x900, s14;
	s21 =	spop (v2sf)  }
0x20e: {  	[hbm4b:s20+s3] =	stream.linear.scatter [tilespmem:s14], [sflag:$0x1], $0x80, $0x38;
	[tilespmem:$0xA00] =	vst v63  }
0x20f: {  	s22 =	sshll.u32 s21, $0xA;
	s14 =	sshll.u32 s21, $0x7  }
0x210: {  	s15 =	sand.u32 $0xFFFFF800, s22;
	s14 =	sand.u32 $0x80, s14  }
0x211: {  	(v2sf) =	vpush v61, $0xB;
	s14 =	sor.u32 s14, s15  }
0x212: {  	s23 =	sadd.s32 $0xC20, s13;
	s24 =	sor.u32 $0x200, s14  }
0x213: {  	[hbm4b:s23+s3] =	stream.linear.scatter [tilespmem:s24], [sflag:$0x1], $0x80, $0x38;
	[tilespmem:$0xA00] =	vst v63  }
0x214: {  	s26 =	sadd.s32 $0xC60, s13;
	s25 =	sor.u32 $0x300, s14  }
0x215: {  	[hbm4b:s26+s3] =	stream.linear.scatter [tilespmem:s25], [sflag:$0x1], $0x80, $0x38;
	[tilespmem:$0xA00] =	vst v63  }
0x216: {  	s29 =	sadd.s32 $0xCA0, s13;
	s28 =	sor.u32 $0x400, s14  }
0x217: {  	[hbm4b:s29+s3] =	stream.linear.scatter [tilespmem:s28], [sflag:$0x1], $0x80, $0x38;
	[tilespmem:$0xA00] =	vst v63  }
0x218: {  	s31 =	sadd.s32 $0xCE0, s13;
	s30 =	sor.u32 $0x500, s14  }
0x219: {  	[hbm4b:s31+s3] =	stream.linear.scatter [tilespmem:s30], [sflag:$0x1], $0x80, $0x38;
	[tilespmem:$0xA00] =	vst v63  }
0x21a: {  	s17 =	sadd.s32 $0xD20, s13;
	s16 =	sor.u32 $0x600, s14  }
0x21b: {  	[hbm4b:s17+s3] =	stream.linear.scatter [tilespmem:s16], [sflag:$0x1], $0x80, $0x38;
	[tilespmem:$0xA00] =	vst v63  }
0x21c: {  	s19 =	sadd.s32 $0xD60, s13;
	s18 =	sor.u32 $0x700, s14  }
0x21d: {  	[hbm4b:s19+s3] =	stream.linear.scatter [tilespmem:s18], [sflag:$0x1], $0x80, $0x38;
	[tilespmem:$0xA00] =	vst v63  }
0x21e: {  	s21 =	sadd.s32 $0xDA0, s13;
	s20 =	sadd.s32 $0x800, s14  }
0x21f: {  	[hbm4b:s21+s3] =	stream.linear.scatter [tilespmem:s20], [sflag:$0x1], $0x80, $0x38;
	[tilespmem:$0xA00] =	vst v63  }
0x220: {  	s22 =	sadd.s32 $0xDE0, s13;
	s14 =	sadd.s32 $0x900, s14;
	s23 =	spop (v2sf)  }
0x221: {  	[hbm4b:s22+s3] =	stream.linear.scatter [tilespmem:s14], [sflag:$0x1], $0x80, $0x38;
	[tilespmem:$0xA00] =	vst v63  }
0x222: {  	s24 =	sshll.u32 s23, $0xA;
	s14 =	sshll.u32 s23, $0x7  }
0x223: {  	s15 =	sand.u32 $0xFFFFF800, s24;
	s14 =	sand.u32 $0x80, s14  }
0x224: {  	(v2sf) =	vpush v61, $0xC;
	s14 =	sor.u32 s14, s15  }
0x225: {  	s25 =	sadd.s32 $0xC30, s13;
	s26 =	sor.u32 $0x200, s14  }
0x226: {  	[hbm4b:s25+s3] =	stream.linear.scatter [tilespmem:s26], [sflag:$0x1], $0x80, $0x38;
	[tilespmem:$0xA00] =	vst v63  }
0x227: {  	s29 =	sadd.s32 $0xC70, s13;
	s28 =	sor.u32 $0x300, s14  }
0x228: {  	[hbm4b:s29+s3] =	stream.linear.scatter [tilespmem:s28], [sflag:$0x1], $0x80, $0x38;
	[tilespmem:$0xA00] =	vst v63  }
0x229: {  	s31 =	sadd.s32 $0xCB0, s13;
	s30 =	sor.u32 $0x400, s14  }
0x22a: {  	[hbm4b:s31+s3] =	stream.linear.scatter [tilespmem:s30], [sflag:$0x1], $0x80, $0x38;
	[tilespmem:$0xA00] =	vst v63  }
0x22b: {  	s17 =	sadd.s32 $0xCF0, s13;
	s16 =	sor.u32 $0x500, s14  }
0x22c: {  	[hbm4b:s17+s3] =	stream.linear.scatter [tilespmem:s16], [sflag:$0x1], $0x80, $0x38;
	[tilespmem:$0xA00] =	vst v63  }
0x22d: {  	s19 =	sadd.s32 $0xD30, s13;
	s18 =	sor.u32 $0x600, s14  }
0x22e: {  	[hbm4b:s19+s3] =	stream.linear.scatter [tilespmem:s18], [sflag:$0x1], $0x80, $0x38;
	[tilespmem:$0xA00] =	vst v63  }
0x22f: {  	s21 =	sadd.s32 $0xD70, s13;
	s20 =	sor.u32 $0x700, s14  }
0x230: {  	[hbm4b:s21+s3] =	stream.linear.scatter [tilespmem:s20], [sflag:$0x1], $0x80, $0x38;
	[tilespmem:$0xA00] =	vst v63  }
0x231: {  	s23 =	sadd.s32 $0xDB0, s13;
	s22 =	sadd.s32 $0x800, s14  }
0x232: {  	[hbm4b:s23+s3] =	stream.linear.scatter [tilespmem:s22], [sflag:$0x1], $0x80, $0x38;
	[tilespmem:$0xA00] =	vst v63  }
0x233: {  	s24 =	sadd.s32 $0xDF0, s13;
	s14 =	sadd.s32 $0x900, s14;
	s25 =	spop (v2sf)  }
0x234: {  	[hbm4b:s24+s3] =	stream.linear.scatter [tilespmem:s14], [sflag:$0x1], $0x80, $0x38;
	[tilespmem:$0xA00] =	vst v63  }
0x235: {  	s26 =	sshll.u32 s25, $0xA;
	s14 =	sshll.u32 s25, $0x7  }
0x236: {  	s15 =	sand.u32 $0xFFFFF800, s26;
	s14 =	sand.u32 $0x80, s14  }
0x237: {  	(v2sf) =	vpush v61, $0xD;
	s14 =	sor.u32 s14, s15  }
0x238: {  	s28 =	sadd.s32 $0xE00, s13;
	s29 =	sor.u32 $0x200, s14  }
0x239: {  	[hbm4b:s28+s3] =	stream.linear.scatter [tilespmem:s29], [sflag:$0x1], $0x80, $0x38;
	[tilespmem:$0xA00] =	vst v63  }
0x23a: {  	s31 =	sadd.s32 $0xE40, s13;
	s30 =	sor.u32 $0x300, s14  }
0x23b: {  	[hbm4b:s31+s3] =	stream.linear.scatter [tilespmem:s30], [sflag:$0x1], $0x80, $0x38;
	[tilespmem:$0xA00] =	vst v63  }
0x23c: {  	s17 =	sadd.s32 $0xE80, s13;
	s16 =	sor.u32 $0x400, s14  }
0x23d: {  	[hbm4b:s17+s3] =	stream.linear.scatter [tilespmem:s16], [sflag:$0x1], $0x80, $0x38;
	[tilespmem:$0xA00] =	vst v63  }
0x23e: {  	s19 =	sadd.s32 $0xEC0, s13;
	s18 =	sor.u32 $0x500, s14  }
0x23f: {  	[hbm4b:s19+s3] =	stream.linear.scatter [tilespmem:s18], [sflag:$0x1], $0x80, $0x38;
	[tilespmem:$0xA00] =	vst v63  }
0x240: {  	s21 =	sadd.s32 $0xF00, s13;
	s20 =	sor.u32 $0x600, s14  }
0x241: {  	[hbm4b:s21+s3] =	stream.linear.scatter [tilespmem:s20], [sflag:$0x1], $0x80, $0x38;
	[tilespmem:$0xA00] =	vst v63  }
0x242: {  	s23 =	sadd.s32 $0xF40, s13;
	s22 =	sor.u32 $0x700, s14  }
0x243: {  	[hbm4b:s23+s3] =	stream.linear.scatter [tilespmem:s22], [sflag:$0x1], $0x80, $0x38;
	[tilespmem:$0xA00] =	vst v63  }
0x244: {  	s25 =	sadd.s32 $0xF80, s13;
	s24 =	sadd.s32 $0x800, s14  }
0x245: {  	[hbm4b:s25+s3] =	stream.linear.scatter [tilespmem:s24], [sflag:$0x1], $0x80, $0x38;
	[tilespmem:$0xA00] =	vst v63  }
0x246: {  	s26 =	sadd.s32 $0xFC0, s13;
	s14 =	sadd.s32 $0x900, s14;
	s28 =	spop (v2sf)  }
0x247: {  	[hbm4b:s26+s3] =	stream.linear.scatter [tilespmem:s14], [sflag:$0x1], $0x80, $0x38;
	[tilespmem:$0xA00] =	vst v63  }
0x248: {  	s29 =	sshll.u32 s28, $0xA;
	s14 =	sshll.u32 s28, $0x7  }
0x249: {  	s15 =	sand.u32 $0xFFFFF800, s29;
	s14 =	sand.u32 $0x80, s14  }
0x24a: {  	(v2sf) =	vpush v61, $0xE;
	s14 =	sor.u32 s14, s15  }
0x24b: {  	s30 =	sadd.s32 $0xE10, s13;
	s31 =	sor.u32 $0x200, s14  }
0x24c: {  	[hbm4b:s30+s3] =	stream.linear.scatter [tilespmem:s31], [sflag:$0x1], $0x80, $0x38;
	[tilespmem:$0xA00] =	vst v63  }
0x24d: {  	s17 =	sadd.s32 $0xE50, s13;
	s16 =	sor.u32 $0x300, s14  }
0x24e: {  	[hbm4b:s17+s3] =	stream.linear.scatter [tilespmem:s16], [sflag:$0x1], $0x80, $0x38;
	[tilespmem:$0xA00] =	vst v63  }
0x24f: {  	s19 =	sadd.s32 $0xE90, s13;
	s18 =	sor.u32 $0x400, s14  }
0x250: {  	[hbm4b:s19+s3] =	stream.linear.scatter [tilespmem:s18], [sflag:$0x1], $0x80, $0x38;
	[tilespmem:$0xA00] =	vst v63  }
0x251: {  	s21 =	sadd.s32 $0xED0, s13;
	s20 =	sor.u32 $0x500, s14  }
0x252: {  	[hbm4b:s21+s3] =	stream.linear.scatter [tilespmem:s20], [sflag:$0x1], $0x80, $0x38;
	[tilespmem:$0xA00] =	vst v63  }
0x253: {  	s23 =	sadd.s32 $0xF10, s13;
	s22 =	sor.u32 $0x600, s14  }
0x254: {  	[hbm4b:s23+s3] =	stream.linear.scatter [tilespmem:s22], [sflag:$0x1], $0x80, $0x38;
	[tilespmem:$0xA00] =	vst v63  }
0x255: {  	s25 =	sadd.s32 $0xF50, s13;
	s24 =	sor.u32 $0x700, s14  }
0x256: {  	[hbm4b:s25+s3] =	stream.linear.scatter [tilespmem:s24], [sflag:$0x1], $0x80, $0x38;
	[tilespmem:$0xA00] =	vst v63  }
0x257: {  	s28 =	sadd.s32 $0xF90, s13;
	s26 =	sadd.s32 $0x800, s14  }
0x258: {  	[hbm4b:s28+s3] =	stream.linear.scatter [tilespmem:s26], [sflag:$0x1], $0x80, $0x38;
	[tilespmem:$0xA00] =	vst v63  }
0x259: {  	s29 =	sadd.s32 $0xFD0, s13;
	s14 =	sadd.s32 $0x900, s14;
	s30 =	spop (v2sf)  }
0x25a: {  	[hbm4b:s29+s3] =	stream.linear.scatter [tilespmem:s14], [sflag:$0x1], $0x80, $0x38;
	[tilespmem:$0xA00] =	vst v63  }
0x25b: {  	s31 =	sshll.u32 s30, $0xA;
	s14 =	sshll.u32 s30, $0x7  }
0x25c: {  	s15 =	sand.u32 $0xFFFFF800, s31;
	s14 =	sand.u32 $0x80, s14  }
0x25d: {  	(v2sf) =	vpush v61, $0xF;
	s14 =	sor.u32 s14, s15  }
0x25e: {  	s16 =	sadd.s32 $0xE20, s13;
	s17 =	sor.u32 $0x200, s14  }
0x25f: {  	[hbm4b:s16+s3] =	stream.linear.scatter [tilespmem:s17], [sflag:$0x1], $0x80, $0x38;
	[tilespmem:$0xA00] =	vst v63  }
0x260: {  	s19 =	sadd.s32 $0xE60, s13;
	s18 =	sor.u32 $0x300, s14  }
0x261: {  	[hbm4b:s19+s3] =	stream.linear.scatter [tilespmem:s18], [sflag:$0x1], $0x80, $0x38;
	[tilespmem:$0xA00] =	vst v63  }
0x262: {  	s21 =	sadd.s32 $0xEA0, s13;
	s20 =	sor.u32 $0x400, s14  }
0x263: {  	[hbm4b:s21+s3] =	stream.linear.scatter [tilespmem:s20], [sflag:$0x1], $0x80, $0x38;
	[tilespmem:$0xA00] =	vst v63  }
0x264: {  	s23 =	sadd.s32 $0xEE0, s13;
	s22 =	sor.u32 $0x500, s14  }
0x265: {  	[hbm4b:s23+s3] =	stream.linear.scatter [tilespmem:s22], [sflag:$0x1], $0x80, $0x38;
	[tilespmem:$0xA00] =	vst v63  }
0x266: {  	s25 =	sadd.s32 $0xF20, s13;
	s24 =	sor.u32 $0x600, s14  }
0x267: {  	[hbm4b:s25+s3] =	stream.linear.scatter [tilespmem:s24], [sflag:$0x1], $0x80, $0x38;
	[tilespmem:$0xA00] =	vst v63  }
0x268: {  	s28 =	sadd.s32 $0xF60, s13;
	s26 =	sor.u32 $0x700, s14  }
0x269: {  	[hbm4b:s28+s3] =	stream.linear.scatter [tilespmem:s26], [sflag:$0x1], $0x80, $0x38;
	[tilespmem:$0xA00] =	vst v63  }
0x26a: {  	s30 =	sadd.s32 $0xFA0, s13;
	s29 =	sadd.s32 $0x800, s14  }
0x26b: {  	[hbm4b:s30+s3] =	stream.linear.scatter [tilespmem:s29], [sflag:$0x1], $0x80, $0x38;
	[tilespmem:$0xA00] =	vst v63  }
0x26c: {  	s31 =	sadd.s32 $0xFE0, s13;
	s15 =	spop (v2sf);
	s14 =	sadd.s32 $0x900, s14  }
0x26d: {  	[hbm4b:s31+s3] =	stream.linear.scatter [tilespmem:s14], [sflag:$0x1], $0x80, $0x38;
	[tilespmem:$0xA00] =	vst v63  }
0x26e: {  	s16 =	sshll.u32 s15, $0xA;
	s14 =	sshll.u32 s15, $0x7  }
0x26f: {  	s15 =	sand.u32 $0xFFFFF800, s16;
	s14 =	sand.u32 $0x80, s14  }
0x270: {  	s14 =	sor.u32 s14, s15  }
0x271: {  	s17 =	sadd.s32 $0xE30, s13;
	s18 =	sor.u32 $0x200, s14  }
0x272: {  	[hbm4b:s17+s3] =	stream.linear.scatter [tilespmem:s18], [sflag:$0x1], $0x80, $0x38;
	[tilespmem:$0xA00] =	vst v63  }
0x273: {  	s20 =	sadd.s32 $0xE70, s13;
	s19 =	sor.u32 $0x300, s14  }
0x274: {  	[hbm4b:s20+s3] =	stream.linear.scatter [tilespmem:s19], [sflag:$0x1], $0x80, $0x38;
	[tilespmem:$0xA00] =	vst v63  }
0x275: {  	s22 =	sadd.s32 $0xEB0, s13;
	s21 =	sor.u32 $0x400, s14  }
0x276: {  	[hbm4b:s22+s3] =	stream.linear.scatter [tilespmem:s21], [sflag:$0x1], $0x80, $0x38;
	[tilespmem:$0xA00] =	vst v63  }
0x277: {  	s24 =	sadd.s32 $0xEF0, s13;
	s23 =	sor.u32 $0x500, s14  }
0x278: {  	[hbm4b:s24+s3] =	stream.linear.scatter [tilespmem:s23], [sflag:$0x1], $0x80, $0x38;
	[tilespmem:$0xA00] =	vst v63  }
0x279: {  	s26 =	sadd.s32 $0xF30, s13;
	s25 =	sor.u32 $0x600, s14  }
0x27a: {  	[hbm4b:s26+s3] =	stream.linear.scatter [tilespmem:s25], [sflag:$0x1], $0x80, $0x38;
	[tilespmem:$0xA00] =	vst v63  }
0x27b: {  	s29 =	sadd.s32 $0xF70, s13;
	s28 =	sor.u32 $0x700, s14  }
0x27c: {  	[hbm4b:s29+s3] =	stream.linear.scatter [tilespmem:s28], [sflag:$0x1], $0x80, $0x38;
	[tilespmem:$0xA00] =	vst v63  }
0x27d: {  	s31 =	sadd.s32 $0xFB0, s13;
	s30 =	sadd.s32 $0x800, s14  }
0x27e: {  	[hbm4b:s31+s3] =	stream.linear.scatter [tilespmem:s30], [sflag:$0x1], $0x80, $0x38;
	[tilespmem:$0xA00] =	vst v63  }
0x27f: {  	s16 =	sadd.s32 $0xFF0, s13;
	s14 =	sadd.s32 $0x900, s14  }
0x280: {  	[hbm4b:s16+s3] =	stream.linear.scatter [tilespmem:s14], [sflag:$0x1], $0x80, $0x38;
	[tilespmem:$0xA00] =	vst v63  }
0x281: {  	s14 =	simm.s32 @!p0 $0x2  }
0x282: {  	_ =	swait.ge @!p0 [sflag:s14], $0x8000  }
0x283: {  	[sflag:s14] =	ssyncset.done @!p0 $0x0  }
0x284: {  	[sflag:s14] =	ssyncadd.s32 @!p0 $0xFFFF8000  }
0x285: {  	v62 =	vld [tilespmem:s11+$0x0];
	_ =	sdelay $0x4  }
0x286: {  	(v2sf) =	vpush v62, $0x0;
	_ =	sdelay $0xe  }
0x287: {  	s17 =	spop (v2sf)  }
0x288: {  	s18 =	sshll.u32 s17, $0xA;
	s14 =	sshll.u32 s17, $0x7  }
0x289: {  	s15 =	sand.u32 $0xFFFFF800, s18;
	s14 =	sand.u32 $0x80, s14  }
0x28a: {  	(v2sf) =	vpush v62, $0x1;
	s14 =	sor.u32 s14, s15  }
0x28b: {  	s19 =	sadd.s32 $0x1000, s13;
	s20 =	sor.u32 $0x200, s14  }
0x28c: {  	[hbm4b:s19+s3] =	stream.linear.scatter [tilespmem:s20], [sflag:$0x2], $0x80, $0x38;
	[tilespmem:$0xA00] =	vst v63  }
0x28d: {  	s22 =	sadd.s32 $0x1040, s13;
	s21 =	sor.u32 $0x300, s14  }
0x28e: {  	[hbm4b:s22+s3] =	stream.linear.scatter [tilespmem:s21], [sflag:$0x2], $0x80, $0x38;
	[tilespmem:$0xA00] =	vst v63  }
0x28f: {  	s24 =	sadd.s32 $0x1080, s13;
	s23 =	sor.u32 $0x400, s14  }
0x290: {  	[hbm4b:s24+s3] =	stream.linear.scatter [tilespmem:s23], [sflag:$0x2], $0x80, $0x38;
	[tilespmem:$0xA00] =	vst v63  }
0x291: {  	s26 =	sadd.s32 $0x10C0, s13;
	s25 =	sor.u32 $0x500, s14  }
0x292: {  	[hbm4b:s26+s3] =	stream.linear.scatter [tilespmem:s25], [sflag:$0x2], $0x80, $0x38;
	[tilespmem:$0xA00] =	vst v63  }
0x293: {  	s29 =	sadd.s32 $0x1100, s13;
	s28 =	sor.u32 $0x600, s14  }
0x294: {  	[hbm4b:s29+s3] =	stream.linear.scatter [tilespmem:s28], [sflag:$0x2], $0x80, $0x38;
	[tilespmem:$0xA00] =	vst v63  }
0x295: {  	s31 =	sadd.s32 $0x1140, s13;
	s30 =	sor.u32 $0x700, s14  }
0x296: {  	[hbm4b:s31+s3] =	stream.linear.scatter [tilespmem:s30], [sflag:$0x2], $0x80, $0x38;
	[tilespmem:$0xA00] =	vst v63  }
0x297: {  	s17 =	sadd.s32 $0x1180, s13;
	s16 =	sadd.s32 $0x800, s14  }
0x298: {  	[hbm4b:s17+s3] =	stream.linear.scatter [tilespmem:s16], [sflag:$0x2], $0x80, $0x38;
	[tilespmem:$0xA00] =	vst v63  }
0x299: {  	s18 =	sadd.s32 $0x11C0, s13;
	s14 =	sadd.s32 $0x900, s14;
	s19 =	spop (v2sf)  }
0x29a: {  	[hbm4b:s18+s3] =	stream.linear.scatter [tilespmem:s14], [sflag:$0x2], $0x80, $0x38;
	[tilespmem:$0xA00] =	vst v63  }
0x29b: {  	s20 =	sshll.u32 s19, $0xA;
	s14 =	sshll.u32 s19, $0x7  }
0x29c: {  	s15 =	sand.u32 $0xFFFFF800, s20;
	s14 =	sand.u32 $0x80, s14  }
0x29d: {  	(v2sf) =	vpush v62, $0x2;
	s14 =	sor.u32 s14, s15  }
0x29e: {  	s21 =	sadd.s32 $0x1010, s13;
	s22 =	sor.u32 $0x200, s14  }
0x29f: {  	[hbm4b:s21+s3] =	stream.linear.scatter [tilespmem:s22], [sflag:$0x2], $0x80, $0x38;
	[tilespmem:$0xA00] =	vst v63  }
0x2a0: {  	s24 =	sadd.s32 $0x1050, s13;
	s23 =	sor.u32 $0x300, s14  }
0x2a1: {  	[hbm4b:s24+s3] =	stream.linear.scatter [tilespmem:s23], [sflag:$0x2], $0x80, $0x38;
	[tilespmem:$0xA00] =	vst v63  }
0x2a2: {  	s26 =	sadd.s32 $0x1090, s13;
	s25 =	sor.u32 $0x400, s14  }
0x2a3: {  	[hbm4b:s26+s3] =	stream.linear.scatter [tilespmem:s25], [sflag:$0x2], $0x80, $0x38;
	[tilespmem:$0xA00] =	vst v63  }
0x2a4: {  	s29 =	sadd.s32 $0x10D0, s13;
	s28 =	sor.u32 $0x500, s14  }
0x2a5: {  	[hbm4b:s29+s3] =	stream.linear.scatter [tilespmem:s28], [sflag:$0x2], $0x80, $0x38;
	[tilespmem:$0xA00] =	vst v63  }
0x2a6: {  	s31 =	sadd.s32 $0x1110, s13;
	s30 =	sor.u32 $0x600, s14  }
0x2a7: {  	[hbm4b:s31+s3] =	stream.linear.scatter [tilespmem:s30], [sflag:$0x2], $0x80, $0x38;
	[tilespmem:$0xA00] =	vst v63  }
0x2a8: {  	s17 =	sadd.s32 $0x1150, s13;
	s16 =	sor.u32 $0x700, s14  }
0x2a9: {  	[hbm4b:s17+s3] =	stream.linear.scatter [tilespmem:s16], [sflag:$0x2], $0x80, $0x38;
	[tilespmem:$0xA00] =	vst v63  }
0x2aa: {  	s19 =	sadd.s32 $0x1190, s13;
	s18 =	sadd.s32 $0x800, s14  }
0x2ab: {  	[hbm4b:s19+s3] =	stream.linear.scatter [tilespmem:s18], [sflag:$0x2], $0x80, $0x38;
	[tilespmem:$0xA00] =	vst v63  }
0x2ac: {  	s20 =	sadd.s32 $0x11D0, s13;
	s14 =	sadd.s32 $0x900, s14;
	s21 =	spop (v2sf)  }
0x2ad: {  	[hbm4b:s20+s3] =	stream.linear.scatter [tilespmem:s14], [sflag:$0x2], $0x80, $0x38;
	[tilespmem:$0xA00] =	vst v63  }
0x2ae: {  	s22 =	sshll.u32 s21, $0xA;
	s14 =	sshll.u32 s21, $0x7  }
0x2af: {  	s15 =	sand.u32 $0xFFFFF800, s22;
	s14 =	sand.u32 $0x80, s14  }
0x2b0: {  	(v2sf) =	vpush v62, $0x3;
	s14 =	sor.u32 s14, s15  }
0x2b1: {  	s23 =	sadd.s32 $0x1020, s13;
	s24 =	sor.u32 $0x200, s14  }
0x2b2: {  	[hbm4b:s23+s3] =	stream.linear.scatter [tilespmem:s24], [sflag:$0x2], $0x80, $0x38;
	[tilespmem:$0xA00] =	vst v63  }
0x2b3: {  	s26 =	sadd.s32 $0x1060, s13;
	s25 =	sor.u32 $0x300, s14  }
0x2b4: {  	[hbm4b:s26+s3] =	stream.linear.scatter [tilespmem:s25], [sflag:$0x2], $0x80, $0x38;
	[tilespmem:$0xA00] =	vst v63  }
0x2b5: {  	s29 =	sadd.s32 $0x10A0, s13;
	s28 =	sor.u32 $0x400, s14  }
0x2b6: {  	[hbm4b:s29+s3] =	stream.linear.scatter [tilespmem:s28], [sflag:$0x2], $0x80, $0x38;
	[tilespmem:$0xA00] =	vst v63  }
0x2b7: {  	s31 =	sadd.s32 $0x10E0, s13;
	s30 =	sor.u32 $0x500, s14  }
0x2b8: {  	[hbm4b:s31+s3] =	stream.linear.scatter [tilespmem:s30], [sflag:$0x2], $0x80, $0x38;
	[tilespmem:$0xA00] =	vst v63  }
0x2b9: {  	s17 =	sadd.s32 $0x1120, s13;
	s16 =	sor.u32 $0x600, s14  }
0x2ba: {  	[hbm4b:s17+s3] =	stream.linear.scatter [tilespmem:s16], [sflag:$0x2], $0x80, $0x38;
	[tilespmem:$0xA00] =	vst v63  }
0x2bb: {  	s19 =	sadd.s32 $0x1160, s13;
	s18 =	sor.u32 $0x700, s14  }
0x2bc: {  	[hbm4b:s19+s3] =	stream.linear.scatter [tilespmem:s18], [sflag:$0x2], $0x80, $0x38;
	[tilespmem:$0xA00] =	vst v63  }
0x2bd: {  	s21 =	sadd.s32 $0x11A0, s13;
	s20 =	sadd.s32 $0x800, s14  }
0x2be: {  	[hbm4b:s21+s3] =	stream.linear.scatter [tilespmem:s20], [sflag:$0x2], $0x80, $0x38;
	[tilespmem:$0xA00] =	vst v63  }
0x2bf: {  	s22 =	sadd.s32 $0x11E0, s13;
	s14 =	sadd.s32 $0x900, s14;
	s23 =	spop (v2sf)  }
0x2c0: {  	[hbm4b:s22+s3] =	stream.linear.scatter [tilespmem:s14], [sflag:$0x2], $0x80, $0x38;
	[tilespmem:$0xA00] =	vst v63  }
0x2c1: {  	s24 =	sshll.u32 s23, $0xA;
	s14 =	sshll.u32 s23, $0x7  }
0x2c2: {  	s15 =	sand.u32 $0xFFFFF800, s24;
	s14 =	sand.u32 $0x80, s14  }
0x2c3: {  	(v2sf) =	vpush v62, $0x4;
	s14 =	sor.u32 s14, s15  }
0x2c4: {  	s25 =	sadd.s32 $0x1030, s13;
	s26 =	sor.u32 $0x200, s14  }
0x2c5: {  	[hbm4b:s25+s3] =	stream.linear.scatter [tilespmem:s26], [sflag:$0x2], $0x80, $0x38;
	[tilespmem:$0xA00] =	vst v63  }
0x2c6: {  	s29 =	sadd.s32 $0x1070, s13;
	s28 =	sor.u32 $0x300, s14  }
0x2c7: {  	[hbm4b:s29+s3] =	stream.linear.scatter [tilespmem:s28], [sflag:$0x2], $0x80, $0x38;
	[tilespmem:$0xA00] =	vst v63  }
0x2c8: {  	s31 =	sadd.s32 $0x10B0, s13;
	s30 =	sor.u32 $0x400, s14  }
0x2c9: {  	[hbm4b:s31+s3] =	stream.linear.scatter [tilespmem:s30], [sflag:$0x2], $0x80, $0x38;
	[tilespmem:$0xA00] =	vst v63  }
0x2ca: {  	s17 =	sadd.s32 $0x10F0, s13;
	s16 =	sor.u32 $0x500, s14  }
0x2cb: {  	[hbm4b:s17+s3] =	stream.linear.scatter [tilespmem:s16], [sflag:$0x2], $0x80, $0x38;
	[tilespmem:$0xA00] =	vst v63  }
0x2cc: {  	s19 =	sadd.s32 $0x1130, s13;
	s18 =	sor.u32 $0x600, s14  }
0x2cd: {  	[hbm4b:s19+s3] =	stream.linear.scatter [tilespmem:s18], [sflag:$0x2], $0x80, $0x38;
	[tilespmem:$0xA00] =	vst v63  }
0x2ce: {  	s21 =	sadd.s32 $0x1170, s13;
	s20 =	sor.u32 $0x700, s14  }
0x2cf: {  	[hbm4b:s21+s3] =	stream.linear.scatter [tilespmem:s20], [sflag:$0x2], $0x80, $0x38;
	[tilespmem:$0xA00] =	vst v63  }
0x2d0: {  	s23 =	sadd.s32 $0x11B0, s13;
	s22 =	sadd.s32 $0x800, s14  }
0x2d1: {  	[hbm4b:s23+s3] =	stream.linear.scatter [tilespmem:s22], [sflag:$0x2], $0x80, $0x38;
	[tilespmem:$0xA00] =	vst v63  }
0x2d2: {  	s24 =	sadd.s32 $0x11F0, s13;
	s14 =	sadd.s32 $0x900, s14;
	s25 =	spop (v2sf)  }
0x2d3: {  	[hbm4b:s24+s3] =	stream.linear.scatter [tilespmem:s14], [sflag:$0x2], $0x80, $0x38;
	[tilespmem:$0xA00] =	vst v63  }
0x2d4: {  	s26 =	sshll.u32 s25, $0xA;
	s14 =	sshll.u32 s25, $0x7  }
0x2d5: {  	s15 =	sand.u32 $0xFFFFF800, s26;
	s14 =	sand.u32 $0x80, s14  }
0x2d6: {  	(v2sf) =	vpush v62, $0x5;
	s14 =	sor.u32 s14, s15  }
0x2d7: {  	s28 =	sadd.s32 $0x1200, s13;
	s29 =	sor.u32 $0x200, s14  }
0x2d8: {  	[hbm4b:s28+s3] =	stream.linear.scatter [tilespmem:s29], [sflag:$0x2], $0x80, $0x38;
	[tilespmem:$0xA00] =	vst v63  }
0x2d9: {  	s31 =	sadd.s32 $0x1240, s13;
	s30 =	sor.u32 $0x300, s14  }
0x2da: {  	[hbm4b:s31+s3] =	stream.linear.scatter [tilespmem:s30], [sflag:$0x2], $0x80, $0x38;
	[tilespmem:$0xA00] =	vst v63  }
0x2db: {  	s17 =	sadd.s32 $0x1280, s13;
	s16 =	sor.u32 $0x400, s14  }
0x2dc: {  	[hbm4b:s17+s3] =	stream.linear.scatter [tilespmem:s16], [sflag:$0x2], $0x80, $0x38;
	[tilespmem:$0xA00] =	vst v63  }
0x2dd: {  	s19 =	sadd.s32 $0x12C0, s13;
	s18 =	sor.u32 $0x500, s14  }
0x2de: {  	[hbm4b:s19+s3] =	stream.linear.scatter [tilespmem:s18], [sflag:$0x2], $0x80, $0x38;
	[tilespmem:$0xA00] =	vst v63  }
0x2df: {  	s21 =	sadd.s32 $0x1300, s13;
	s20 =	sor.u32 $0x600, s14  }
0x2e0: {  	[hbm4b:s21+s3] =	stream.linear.scatter [tilespmem:s20], [sflag:$0x2], $0x80, $0x38;
	[tilespmem:$0xA00] =	vst v63  }
0x2e1: {  	s23 =	sadd.s32 $0x1340, s13;
	s22 =	sor.u32 $0x700, s14  }
0x2e2: {  	[hbm4b:s23+s3] =	stream.linear.scatter [tilespmem:s22], [sflag:$0x2], $0x80, $0x38;
	[tilespmem:$0xA00] =	vst v63  }
0x2e3: {  	s25 =	sadd.s32 $0x1380, s13;
	s24 =	sadd.s32 $0x800, s14  }
0x2e4: {  	[hbm4b:s25+s3] =	stream.linear.scatter [tilespmem:s24], [sflag:$0x2], $0x80, $0x38;
	[tilespmem:$0xA00] =	vst v63  }
0x2e5: {  	s26 =	sadd.s32 $0x13C0, s13;
	s14 =	sadd.s32 $0x900, s14;
	s28 =	spop (v2sf)  }
0x2e6: {  	[hbm4b:s26+s3] =	stream.linear.scatter [tilespmem:s14], [sflag:$0x2], $0x80, $0x38;
	[tilespmem:$0xA00] =	vst v63  }
0x2e7: {  	s29 =	sshll.u32 s28, $0xA;
	s14 =	sshll.u32 s28, $0x7  }
0x2e8: {  	s15 =	sand.u32 $0xFFFFF800, s29;
	s14 =	sand.u32 $0x80, s14  }
0x2e9: {  	(v2sf) =	vpush v62, $0x6;
	s14 =	sor.u32 s14, s15  }
0x2ea: {  	s30 =	sadd.s32 $0x1210, s13;
	s31 =	sor.u32 $0x200, s14  }
0x2eb: {  	[hbm4b:s30+s3] =	stream.linear.scatter [tilespmem:s31], [sflag:$0x2], $0x80, $0x38;
	[tilespmem:$0xA00] =	vst v63  }
0x2ec: {  	s17 =	sadd.s32 $0x1250, s13;
	s16 =	sor.u32 $0x300, s14  }
0x2ed: {  	[hbm4b:s17+s3] =	stream.linear.scatter [tilespmem:s16], [sflag:$0x2], $0x80, $0x38;
	[tilespmem:$0xA00] =	vst v63  }
0x2ee: {  	s19 =	sadd.s32 $0x1290, s13;
	s18 =	sor.u32 $0x400, s14  }
0x2ef: {  	[hbm4b:s19+s3] =	stream.linear.scatter [tilespmem:s18], [sflag:$0x2], $0x80, $0x38;
	[tilespmem:$0xA00] =	vst v63  }
0x2f0: {  	s21 =	sadd.s32 $0x12D0, s13;
	s20 =	sor.u32 $0x500, s14  }
0x2f1: {  	[hbm4b:s21+s3] =	stream.linear.scatter [tilespmem:s20], [sflag:$0x2], $0x80, $0x38;
	[tilespmem:$0xA00] =	vst v63  }
0x2f2: {  	s23 =	sadd.s32 $0x1310, s13;
	s22 =	sor.u32 $0x600, s14  }
0x2f3: {  	[hbm4b:s23+s3] =	stream.linear.scatter [tilespmem:s22], [sflag:$0x2], $0x80, $0x38;
	[tilespmem:$0xA00] =	vst v63  }
0x2f4: {  	s25 =	sadd.s32 $0x1350, s13;
	s24 =	sor.u32 $0x700, s14  }
0x2f5: {  	[hbm4b:s25+s3] =	stream.linear.scatter [tilespmem:s24], [sflag:$0x2], $0x80, $0x38;
	[tilespmem:$0xA00] =	vst v63  }
0x2f6: {  	s28 =	sadd.s32 $0x1390, s13;
	s26 =	sadd.s32 $0x800, s14  }
0x2f7: {  	[hbm4b:s28+s3] =	stream.linear.scatter [tilespmem:s26], [sflag:$0x2], $0x80, $0x38;
	[tilespmem:$0xA00] =	vst v63  }
0x2f8: {  	s29 =	sadd.s32 $0x13D0, s13;
	s14 =	sadd.s32 $0x900, s14;
	s30 =	spop (v2sf)  }
0x2f9: {  	[hbm4b:s29+s3] =	stream.linear.scatter [tilespmem:s14], [sflag:$0x2], $0x80, $0x38;
	[tilespmem:$0xA00] =	vst v63  }
0x2fa: {  	s31 =	sshll.u32 s30, $0xA;
	s14 =	sshll.u32 s30, $0x7  }
0x2fb: {  	s15 =	sand.u32 $0xFFFFF800, s31;
	s14 =	sand.u32 $0x80, s14  }
0x2fc: {  	(v2sf) =	vpush v62, $0x7;
	s14 =	sor.u32 s14, s15  }
0x2fd: {  	s16 =	sadd.s32 $0x1220, s13;
	s17 =	sor.u32 $0x200, s14  }
0x2fe: {  	[hbm4b:s16+s3] =	stream.linear.scatter [tilespmem:s17], [sflag:$0x2], $0x80, $0x38;
	[tilespmem:$0xA00] =	vst v63  }
0x2ff: {  	s19 =	sadd.s32 $0x1260, s13;
	s18 =	sor.u32 $0x300, s14  }
0x300: {  	[hbm4b:s19+s3] =	stream.linear.scatter [tilespmem:s18], [sflag:$0x2], $0x80, $0x38;
	[tilespmem:$0xA00] =	vst v63  }
0x301: {  	s21 =	sadd.s32 $0x12A0, s13;
	s20 =	sor.u32 $0x400, s14  }
0x302: {  	[hbm4b:s21+s3] =	stream.linear.scatter [tilespmem:s20], [sflag:$0x2], $0x80, $0x38;
	[tilespmem:$0xA00] =	vst v63  }
0x303: {  	s23 =	sadd.s32 $0x12E0, s13;
	s22 =	sor.u32 $0x500, s14  }
0x304: {  	[hbm4b:s23+s3] =	stream.linear.scatter [tilespmem:s22], [sflag:$0x2], $0x80, $0x38;
	[tilespmem:$0xA00] =	vst v63  }
0x305: {  	s25 =	sadd.s32 $0x1320, s13;
	s24 =	sor.u32 $0x600, s14  }
0x306: {  	[hbm4b:s25+s3] =	stream.linear.scatter [tilespmem:s24], [sflag:$0x2], $0x80, $0x38;
	[tilespmem:$0xA00] =	vst v63  }
0x307: {  	s28 =	sadd.s32 $0x1360, s13;
	s26 =	sor.u32 $0x700, s14  }
0x308: {  	[hbm4b:s28+s3] =	stream.linear.scatter [tilespmem:s26], [sflag:$0x2], $0x80, $0x38;
	[tilespmem:$0xA00] =	vst v63  }
0x309: {  	s30 =	sadd.s32 $0x13A0, s13;
	s29 =	sadd.s32 $0x800, s14  }
0x30a: {  	[hbm4b:s30+s3] =	stream.linear.scatter [tilespmem:s29], [sflag:$0x2], $0x80, $0x38;
	[tilespmem:$0xA00] =	vst v63  }
0x30b: {  	s31 =	sadd.s32 $0x13E0, s13;
	s15 =	spop (v2sf);
	s14 =	sadd.s32 $0x900, s14  }
0x30c: {  	[hbm4b:s31+s3] =	stream.linear.scatter [tilespmem:s14], [sflag:$0x2], $0x80, $0x38;
	[tilespmem:$0xA00] =	vst v63  }
0x30d: {  	s16 =	sshll.u32 s15, $0xA;
	s14 =	sshll.u32 s15, $0x7  }
0x30e: {  	s15 =	sand.u32 $0xFFFFF800, s16;
	s14 =	sand.u32 $0x80, s14  }
0x30f: {  	(v2sf) =	vpush v62, $0x8;
	s14 =	sor.u32 s14, s15  }
0x310: {  	s17 =	sadd.s32 $0x1230, s13;
	s18 =	sor.u32 $0x200, s14  }
0x311: {  	[hbm4b:s17+s3] =	stream.linear.scatter [tilespmem:s18], [sflag:$0x2], $0x80, $0x38;
	[tilespmem:$0xA00] =	vst v63  }
0x312: {  	s20 =	sadd.s32 $0x1270, s13;
	s19 =	sor.u32 $0x300, s14  }
0x313: {  	[hbm4b:s20+s3] =	stream.linear.scatter [tilespmem:s19], [sflag:$0x2], $0x80, $0x38;
	[tilespmem:$0xA00] =	vst v63  }
0x314: {  	s22 =	sadd.s32 $0x12B0, s13;
	s21 =	sor.u32 $0x400, s14  }
0x315: {  	[hbm4b:s22+s3] =	stream.linear.scatter [tilespmem:s21], [sflag:$0x2], $0x80, $0x38;
	[tilespmem:$0xA00] =	vst v63  }
0x316: {  	s24 =	sadd.s32 $0x12F0, s13;
	s23 =	sor.u32 $0x500, s14  }
0x317: {  	[hbm4b:s24+s3] =	stream.linear.scatter [tilespmem:s23], [sflag:$0x2], $0x80, $0x38;
	[tilespmem:$0xA00] =	vst v63  }
0x318: {  	s26 =	sadd.s32 $0x1330, s13;
	s25 =	sor.u32 $0x600, s14  }
0x319: {  	[hbm4b:s26+s3] =	stream.linear.scatter [tilespmem:s25], [sflag:$0x2], $0x80, $0x38;
	[tilespmem:$0xA00] =	vst v63  }
0x31a: {  	s29 =	sadd.s32 $0x1370, s13;
	s28 =	sor.u32 $0x700, s14  }
0x31b: {  	[hbm4b:s29+s3] =	stream.linear.scatter [tilespmem:s28], [sflag:$0x2], $0x80, $0x38;
	[tilespmem:$0xA00] =	vst v63  }
0x31c: {  	s31 =	sadd.s32 $0x13B0, s13;
	s30 =	sadd.s32 $0x800, s14  }
0x31d: {  	[hbm4b:s31+s3] =	stream.linear.scatter [tilespmem:s30], [sflag:$0x2], $0x80, $0x38;
	[tilespmem:$0xA00] =	vst v63  }
0x31e: {  	s16 =	sadd.s32 $0x13F0, s13;
	s14 =	sadd.s32 $0x900, s14;
	s17 =	spop (v2sf)  }
0x31f: {  	[hbm4b:s16+s3] =	stream.linear.scatter [tilespmem:s14], [sflag:$0x2], $0x80, $0x38;
	[tilespmem:$0xA00] =	vst v63  }
0x320: {  	s18 =	sshll.u32 s17, $0xA;
	s14 =	sshll.u32 s17, $0x7  }
0x321: {  	s15 =	sand.u32 $0xFFFFF800, s18;
	s14 =	sand.u32 $0x80, s14  }
0x322: {  	(v2sf) =	vpush v62, $0x9;
	s14 =	sor.u32 s14, s15  }
0x323: {  	s19 =	sadd.s32 $0x1400, s13;
	s20 =	sor.u32 $0x200, s14  }
0x324: {  	[hbm4b:s19+s3] =	stream.linear.scatter [tilespmem:s20], [sflag:$0x2], $0x80, $0x38;
	[tilespmem:$0xA00] =	vst v63  }
0x325: {  	s22 =	sadd.s32 $0x1440, s13;
	s21 =	sor.u32 $0x300, s14  }
0x326: {  	[hbm4b:s22+s3] =	stream.linear.scatter [tilespmem:s21], [sflag:$0x2], $0x80, $0x38;
	[tilespmem:$0xA00] =	vst v63  }
0x327: {  	s24 =	sadd.s32 $0x1480, s13;
	s23 =	sor.u32 $0x400, s14  }
0x328: {  	[hbm4b:s24+s3] =	stream.linear.scatter [tilespmem:s23], [sflag:$0x2], $0x80, $0x38;
	[tilespmem:$0xA00] =	vst v63  }
0x329: {  	s26 =	sadd.s32 $0x14C0, s13;
	s25 =	sor.u32 $0x500, s14  }
0x32a: {  	[hbm4b:s26+s3] =	stream.linear.scatter [tilespmem:s25], [sflag:$0x2], $0x80, $0x38;
	[tilespmem:$0xA00] =	vst v63  }
0x32b: {  	s29 =	sadd.s32 $0x1500, s13;
	s28 =	sor.u32 $0x600, s14  }
0x32c: {  	[hbm4b:s29+s3] =	stream.linear.scatter [tilespmem:s28], [sflag:$0x2], $0x80, $0x38;
	[tilespmem:$0xA00] =	vst v63  }
0x32d: {  	s31 =	sadd.s32 $0x1540, s13;
	s30 =	sor.u32 $0x700, s14  }
0x32e: {  	[hbm4b:s31+s3] =	stream.linear.scatter [tilespmem:s30], [sflag:$0x2], $0x80, $0x38;
	[tilespmem:$0xA00] =	vst v63  }
0x32f: {  	s17 =	sadd.s32 $0x1580, s13;
	s16 =	sadd.s32 $0x800, s14  }
0x330: {  	[hbm4b:s17+s3] =	stream.linear.scatter [tilespmem:s16], [sflag:$0x2], $0x80, $0x38;
	[tilespmem:$0xA00] =	vst v63  }
0x331: {  	s18 =	sadd.s32 $0x15C0, s13;
	s14 =	sadd.s32 $0x900, s14;
	s19 =	spop (v2sf)  }
0x332: {  	[hbm4b:s18+s3] =	stream.linear.scatter [tilespmem:s14], [sflag:$0x2], $0x80, $0x38;
	[tilespmem:$0xA00] =	vst v63  }
0x333: {  	s20 =	sshll.u32 s19, $0xA;
	s14 =	sshll.u32 s19, $0x7  }
0x334: {  	s15 =	sand.u32 $0xFFFFF800, s20;
	s14 =	sand.u32 $0x80, s14  }
0x335: {  	(v2sf) =	vpush v62, $0xA;
	s14 =	sor.u32 s14, s15  }
0x336: {  	s21 =	sadd.s32 $0x1410, s13;
	s22 =	sor.u32 $0x200, s14  }
0x337: {  	[hbm4b:s21+s3] =	stream.linear.scatter [tilespmem:s22], [sflag:$0x2], $0x80, $0x38;
	[tilespmem:$0xA00] =	vst v63  }
0x338: {  	s24 =	sadd.s32 $0x1450, s13;
	s23 =	sor.u32 $0x300, s14  }
0x339: {  	[hbm4b:s24+s3] =	stream.linear.scatter [tilespmem:s23], [sflag:$0x2], $0x80, $0x38;
	[tilespmem:$0xA00] =	vst v63  }
0x33a: {  	s26 =	sadd.s32 $0x1490, s13;
	s25 =	sor.u32 $0x400, s14  }
0x33b: {  	[hbm4b:s26+s3] =	stream.linear.scatter [tilespmem:s25], [sflag:$0x2], $0x80, $0x38;
	[tilespmem:$0xA00] =	vst v63  }
0x33c: {  	s29 =	sadd.s32 $0x14D0, s13;
	s28 =	sor.u32 $0x500, s14  }
0x33d: {  	[hbm4b:s29+s3] =	stream.linear.scatter [tilespmem:s28], [sflag:$0x2], $0x80, $0x38;
	[tilespmem:$0xA00] =	vst v63  }
0x33e: {  	s31 =	sadd.s32 $0x1510, s13;
	s30 =	sor.u32 $0x600, s14  }
0x33f: {  	[hbm4b:s31+s3] =	stream.linear.scatter [tilespmem:s30], [sflag:$0x2], $0x80, $0x38;
	[tilespmem:$0xA00] =	vst v63  }
0x340: {  	s17 =	sadd.s32 $0x1550, s13;
	s16 =	sor.u32 $0x700, s14  }
0x341: {  	[hbm4b:s17+s3] =	stream.linear.scatter [tilespmem:s16], [sflag:$0x2], $0x80, $0x38;
	[tilespmem:$0xA00] =	vst v63  }
0x342: {  	s19 =	sadd.s32 $0x1590, s13;
	s18 =	sadd.s32 $0x800, s14  }
0x343: {  	[hbm4b:s19+s3] =	stream.linear.scatter [tilespmem:s18], [sflag:$0x2], $0x80, $0x38;
	[tilespmem:$0xA00] =	vst v63  }
0x344: {  	s20 =	sadd.s32 $0x15D0, s13;
	s14 =	sadd.s32 $0x900, s14;
	s21 =	spop (v2sf)  }
0x345: {  	[hbm4b:s20+s3] =	stream.linear.scatter [tilespmem:s14], [sflag:$0x2], $0x80, $0x38;
	[tilespmem:$0xA00] =	vst v63  }
0x346: {  	s22 =	sshll.u32 s21, $0xA;
	s14 =	sshll.u32 s21, $0x7  }
0x347: {  	s15 =	sand.u32 $0xFFFFF800, s22;
	s14 =	sand.u32 $0x80, s14  }
0x348: {  	(v2sf) =	vpush v62, $0xB;
	s14 =	sor.u32 s14, s15  }
0x349: {  	s23 =	sadd.s32 $0x1420, s13;
	s24 =	sor.u32 $0x200, s14  }
0x34a: {  	[hbm4b:s23+s3] =	stream.linear.scatter [tilespmem:s24], [sflag:$0x2], $0x80, $0x38;
	[tilespmem:$0xA00] =	vst v63  }
0x34b: {  	s26 =	sadd.s32 $0x1460, s13;
	s25 =	sor.u32 $0x300, s14  }
0x34c: {  	[hbm4b:s26+s3] =	stream.linear.scatter [tilespmem:s25], [sflag:$0x2], $0x80, $0x38;
	[tilespmem:$0xA00] =	vst v63  }
0x34d: {  	s29 =	sadd.s32 $0x14A0, s13;
	s28 =	sor.u32 $0x400, s14  }
0x34e: {  	[hbm4b:s29+s3] =	stream.linear.scatter [tilespmem:s28], [sflag:$0x2], $0x80, $0x38;
	[tilespmem:$0xA00] =	vst v63  }
0x34f: {  	s31 =	sadd.s32 $0x14E0, s13;
	s30 =	sor.u32 $0x500, s14  }
0x350: {  	[hbm4b:s31+s3] =	stream.linear.scatter [tilespmem:s30], [sflag:$0x2], $0x80, $0x38;
	[tilespmem:$0xA00] =	vst v63  }
0x351: {  	s17 =	sadd.s32 $0x1520, s13;
	s16 =	sor.u32 $0x600, s14  }
0x352: {  	[hbm4b:s17+s3] =	stream.linear.scatter [tilespmem:s16], [sflag:$0x2], $0x80, $0x38;
	[tilespmem:$0xA00] =	vst v63  }
0x353: {  	s19 =	sadd.s32 $0x1560, s13;
	s18 =	sor.u32 $0x700, s14  }
0x354: {  	[hbm4b:s19+s3] =	stream.linear.scatter [tilespmem:s18], [sflag:$0x2], $0x80, $0x38;
	[tilespmem:$0xA00] =	vst v63  }
0x355: {  	s21 =	sadd.s32 $0x15A0, s13;
	s20 =	sadd.s32 $0x800, s14  }
0x356: {  	[hbm4b:s21+s3] =	stream.linear.scatter [tilespmem:s20], [sflag:$0x2], $0x80, $0x38;
	[tilespmem:$0xA00] =	vst v63  }
0x357: {  	s22 =	sadd.s32 $0x15E0, s13;
	s14 =	sadd.s32 $0x900, s14;
	s23 =	spop (v2sf)  }
0x358: {  	[hbm4b:s22+s3] =	stream.linear.scatter [tilespmem:s14], [sflag:$0x2], $0x80, $0x38;
	[tilespmem:$0xA00] =	vst v63  }
0x359: {  	s24 =	sshll.u32 s23, $0xA;
	s14 =	sshll.u32 s23, $0x7  }
0x35a: {  	s15 =	sand.u32 $0xFFFFF800, s24;
	s14 =	sand.u32 $0x80, s14  }
0x35b: {  	(v2sf) =	vpush v62, $0xC;
	s14 =	sor.u32 s14, s15  }
0x35c: {  	s25 =	sadd.s32 $0x1430, s13;
	s26 =	sor.u32 $0x200, s14  }
0x35d: {  	[hbm4b:s25+s3] =	stream.linear.scatter [tilespmem:s26], [sflag:$0x2], $0x80, $0x38;
	[tilespmem:$0xA00] =	vst v63  }
0x35e: {  	s29 =	sadd.s32 $0x1470, s13;
	s28 =	sor.u32 $0x300, s14  }
0x35f: {  	[hbm4b:s29+s3] =	stream.linear.scatter [tilespmem:s28], [sflag:$0x2], $0x80, $0x38;
	[tilespmem:$0xA00] =	vst v63  }
0x360: {  	s31 =	sadd.s32 $0x14B0, s13;
	s30 =	sor.u32 $0x400, s14  }
0x361: {  	[hbm4b:s31+s3] =	stream.linear.scatter [tilespmem:s30], [sflag:$0x2], $0x80, $0x38;
	[tilespmem:$0xA00] =	vst v63  }
0x362: {  	s17 =	sadd.s32 $0x14F0, s13;
	s16 =	sor.u32 $0x500, s14  }
0x363: {  	[hbm4b:s17+s3] =	stream.linear.scatter [tilespmem:s16], [sflag:$0x2], $0x80, $0x38;
	[tilespmem:$0xA00] =	vst v63  }
0x364: {  	s19 =	sadd.s32 $0x1530, s13;
	s18 =	sor.u32 $0x600, s14  }
0x365: {  	[hbm4b:s19+s3] =	stream.linear.scatter [tilespmem:s18], [sflag:$0x2], $0x80, $0x38;
	[tilespmem:$0xA00] =	vst v63  }
0x366: {  	s21 =	sadd.s32 $0x1570, s13;
	s20 =	sor.u32 $0x700, s14  }
0x367: {  	[hbm4b:s21+s3] =	stream.linear.scatter [tilespmem:s20], [sflag:$0x2], $0x80, $0x38;
	[tilespmem:$0xA00] =	vst v63  }
0x368: {  	s23 =	sadd.s32 $0x15B0, s13;
	s22 =	sadd.s32 $0x800, s14  }
0x369: {  	[hbm4b:s23+s3] =	stream.linear.scatter [tilespmem:s22], [sflag:$0x2], $0x80, $0x38;
	[tilespmem:$0xA00] =	vst v63  }
0x36a: {  	s24 =	sadd.s32 $0x15F0, s13;
	s14 =	sadd.s32 $0x900, s14;
	s25 =	spop (v2sf)  }
0x36b: {  	[hbm4b:s24+s3] =	stream.linear.scatter [tilespmem:s14], [sflag:$0x2], $0x80, $0x38;
	[tilespmem:$0xA00] =	vst v63  }
0x36c: {  	s26 =	sshll.u32 s25, $0xA;
	s14 =	sshll.u32 s25, $0x7  }
0x36d: {  	s15 =	sand.u32 $0xFFFFF800, s26;
	s14 =	sand.u32 $0x80, s14  }
0x36e: {  	(v2sf) =	vpush v62, $0xD;
	s14 =	sor.u32 s14, s15  }
0x36f: {  	s28 =	sadd.s32 $0x1600, s13;
	s29 =	sor.u32 $0x200, s14  }
0x370: {  	[hbm4b:s28+s3] =	stream.linear.scatter [tilespmem:s29], [sflag:$0x2], $0x80, $0x38;
	[tilespmem:$0xA00] =	vst v63  }
0x371: {  	s31 =	sadd.s32 $0x1640, s13;
	s30 =	sor.u32 $0x300, s14  }
0x372: {  	[hbm4b:s31+s3] =	stream.linear.scatter [tilespmem:s30], [sflag:$0x2], $0x80, $0x38;
	[tilespmem:$0xA00] =	vst v63  }
0x373: {  	s17 =	sadd.s32 $0x1680, s13;
	s16 =	sor.u32 $0x400, s14  }
0x374: {  	[hbm4b:s17+s3] =	stream.linear.scatter [tilespmem:s16], [sflag:$0x2], $0x80, $0x38;
	[tilespmem:$0xA00] =	vst v63  }
0x375: {  	s19 =	sadd.s32 $0x16C0, s13;
	s18 =	sor.u32 $0x500, s14  }
0x376: {  	[hbm4b:s19+s3] =	stream.linear.scatter [tilespmem:s18], [sflag:$0x2], $0x80, $0x38;
	[tilespmem:$0xA00] =	vst v63  }
0x377: {  	s21 =	sadd.s32 $0x1700, s13;
	s20 =	sor.u32 $0x600, s14  }
0x378: {  	[hbm4b:s21+s3] =	stream.linear.scatter [tilespmem:s20], [sflag:$0x2], $0x80, $0x38;
	[tilespmem:$0xA00] =	vst v63  }
0x379: {  	s23 =	sadd.s32 $0x1740, s13;
	s22 =	sor.u32 $0x700, s14  }
0x37a: {  	[hbm4b:s23+s3] =	stream.linear.scatter [tilespmem:s22], [sflag:$0x2], $0x80, $0x38;
	[tilespmem:$0xA00] =	vst v63  }
0x37b: {  	s25 =	sadd.s32 $0x1780, s13;
	s24 =	sadd.s32 $0x800, s14  }
0x37c: {  	[hbm4b:s25+s3] =	stream.linear.scatter [tilespmem:s24], [sflag:$0x2], $0x80, $0x38;
	[tilespmem:$0xA00] =	vst v63  }
0x37d: {  	s26 =	sadd.s32 $0x17C0, s13;
	s14 =	sadd.s32 $0x900, s14;
	s28 =	spop (v2sf)  }
0x37e: {  	[hbm4b:s26+s3] =	stream.linear.scatter [tilespmem:s14], [sflag:$0x2], $0x80, $0x38;
	[tilespmem:$0xA00] =	vst v63  }
0x37f: {  	s29 =	sshll.u32 s28, $0xA;
	s14 =	sshll.u32 s28, $0x7  }
0x380: {  	s15 =	sand.u32 $0xFFFFF800, s29;
	s14 =	sand.u32 $0x80, s14  }
0x381: {  	(v2sf) =	vpush v62, $0xE;
	s14 =	sor.u32 s14, s15  }
0x382: {  	s30 =	sadd.s32 $0x1610, s13;
	s31 =	sor.u32 $0x200, s14  }
0x383: {  	[hbm4b:s30+s3] =	stream.linear.scatter [tilespmem:s31], [sflag:$0x2], $0x80, $0x38;
	[tilespmem:$0xA00] =	vst v63  }
0x384: {  	s17 =	sadd.s32 $0x1650, s13;
	s16 =	sor.u32 $0x300, s14  }
0x385: {  	[hbm4b:s17+s3] =	stream.linear.scatter [tilespmem:s16], [sflag:$0x2], $0x80, $0x38;
	[tilespmem:$0xA00] =	vst v63  }
0x386: {  	s19 =	sadd.s32 $0x1690, s13;
	s18 =	sor.u32 $0x400, s14  }
0x387: {  	[hbm4b:s19+s3] =	stream.linear.scatter [tilespmem:s18], [sflag:$0x2], $0x80, $0x38;
	[tilespmem:$0xA00] =	vst v63  }
0x388: {  	s21 =	sadd.s32 $0x16D0, s13;
	s20 =	sor.u32 $0x500, s14  }
0x389: {  	[hbm4b:s21+s3] =	stream.linear.scatter [tilespmem:s20], [sflag:$0x2], $0x80, $0x38;
	[tilespmem:$0xA00] =	vst v63  }
0x38a: {  	s23 =	sadd.s32 $0x1710, s13;
	s22 =	sor.u32 $0x600, s14  }
0x38b: {  	[hbm4b:s23+s3] =	stream.linear.scatter [tilespmem:s22], [sflag:$0x2], $0x80, $0x38;
	[tilespmem:$0xA00] =	vst v63  }
0x38c: {  	s25 =	sadd.s32 $0x1750, s13;
	s24 =	sor.u32 $0x700, s14  }
0x38d: {  	[hbm4b:s25+s3] =	stream.linear.scatter [tilespmem:s24], [sflag:$0x2], $0x80, $0x38;
	[tilespmem:$0xA00] =	vst v63  }
0x38e: {  	s28 =	sadd.s32 $0x1790, s13;
	s26 =	sadd.s32 $0x800, s14  }
0x38f: {  	[hbm4b:s28+s3] =	stream.linear.scatter [tilespmem:s26], [sflag:$0x2], $0x80, $0x38;
	[tilespmem:$0xA00] =	vst v63  }
0x390: {  	s29 =	sadd.s32 $0x17D0, s13;
	s14 =	sadd.s32 $0x900, s14;
	s30 =	spop (v2sf)  }
0x391: {  	[hbm4b:s29+s3] =	stream.linear.scatter [tilespmem:s14], [sflag:$0x2], $0x80, $0x38;
	[tilespmem:$0xA00] =	vst v63  }
0x392: {  	s31 =	sshll.u32 s30, $0xA;
	s14 =	sshll.u32 s30, $0x7  }
0x393: {  	s15 =	sand.u32 $0xFFFFF800, s31;
	s14 =	sand.u32 $0x80, s14  }
0x394: {  	(v2sf) =	vpush v62, $0xF;
	s14 =	sor.u32 s14, s15  }
0x395: {  	s16 =	sadd.s32 $0x1620, s13;
	s17 =	sor.u32 $0x200, s14  }
0x396: {  	[hbm4b:s16+s3] =	stream.linear.scatter [tilespmem:s17], [sflag:$0x2], $0x80, $0x38;
	[tilespmem:$0xA00] =	vst v63  }
0x397: {  	s19 =	sadd.s32 $0x1660, s13;
	s18 =	sor.u32 $0x300, s14  }
0x398: {  	[hbm4b:s19+s3] =	stream.linear.scatter [tilespmem:s18], [sflag:$0x2], $0x80, $0x38;
	[tilespmem:$0xA00] =	vst v63  }
0x399: {  	s21 =	sadd.s32 $0x16A0, s13;
	s20 =	sor.u32 $0x400, s14  }
0x39a: {  	[hbm4b:s21+s3] =	stream.linear.scatter [tilespmem:s20], [sflag:$0x2], $0x80, $0x38;
	[tilespmem:$0xA00] =	vst v63  }
0x39b: {  	s23 =	sadd.s32 $0x16E0, s13;
	s22 =	sor.u32 $0x500, s14  }
0x39c: {  	[hbm4b:s23+s3] =	stream.linear.scatter [tilespmem:s22], [sflag:$0x2], $0x80, $0x38;
	[tilespmem:$0xA00] =	vst v63  }
0x39d: {  	s25 =	sadd.s32 $0x1720, s13;
	s24 =	sor.u32 $0x600, s14  }
0x39e: {  	[hbm4b:s25+s3] =	stream.linear.scatter [tilespmem:s24], [sflag:$0x2], $0x80, $0x38;
	[tilespmem:$0xA00] =	vst v63  }
0x39f: {  	s28 =	sadd.s32 $0x1760, s13;
	s26 =	sor.u32 $0x700, s14  }
0x3a0: {  	[hbm4b:s28+s3] =	stream.linear.scatter [tilespmem:s26], [sflag:$0x2], $0x80, $0x38;
	[tilespmem:$0xA00] =	vst v63  }
0x3a1: {  	s30 =	sadd.s32 $0x17A0, s13;
	s29 =	sadd.s32 $0x800, s14  }
0x3a2: {  	[hbm4b:s30+s3] =	stream.linear.scatter [tilespmem:s29], [sflag:$0x2], $0x80, $0x38;
	[tilespmem:$0xA00] =	vst v63  }
0x3a3: {  	s31 =	sadd.s32 $0x17E0, s13;
	s15 =	spop (v2sf);
	s14 =	sadd.s32 $0x900, s14  }
0x3a4: {  	[hbm4b:s31+s3] =	stream.linear.scatter [tilespmem:s14], [sflag:$0x2], $0x80, $0x38;
	[tilespmem:$0xA00] =	vst v63  }
0x3a5: {  	s16 =	sshll.u32 s15, $0xA;
	s14 =	sshll.u32 s15, $0x7  }
0x3a6: {  	s15 =	sand.u32 $0xFFFFF800, s16;
	s14 =	sand.u32 $0x80, s14  }
0x3a7: {  	s14 =	sor.u32 s14, s15  }
0x3a8: {  	s17 =	sadd.s32 $0x1630, s13;
	s18 =	sor.u32 $0x200, s14  }
0x3a9: {  	[hbm4b:s17+s3] =	stream.linear.scatter [tilespmem:s18], [sflag:$0x2], $0x80, $0x38;
	[tilespmem:$0xA00] =	vst v63  }
0x3aa: {  	s20 =	sadd.s32 $0x1670, s13;
	s19 =	sor.u32 $0x300, s14  }
0x3ab: {  	[hbm4b:s20+s3] =	stream.linear.scatter [tilespmem:s19], [sflag:$0x2], $0x80, $0x38;
	[tilespmem:$0xA00] =	vst v63  }
0x3ac: {  	s22 =	sadd.s32 $0x16B0, s13;
	s21 =	sor.u32 $0x400, s14  }
0x3ad: {  	[hbm4b:s22+s3] =	stream.linear.scatter [tilespmem:s21], [sflag:$0x2], $0x80, $0x38;
	[tilespmem:$0xA00] =	vst v63  }
0x3ae: {  	s24 =	sadd.s32 $0x16F0, s13;
	s23 =	sor.u32 $0x500, s14  }
0x3af: {  	[hbm4b:s24+s3] =	stream.linear.scatter [tilespmem:s23], [sflag:$0x2], $0x80, $0x38;
	[tilespmem:$0xA00] =	vst v63  }
0x3b0: {  	s26 =	sadd.s32 $0x1730, s13;
	s25 =	sor.u32 $0x600, s14  }
0x3b1: {  	[hbm4b:s26+s3] =	stream.linear.scatter [tilespmem:s25], [sflag:$0x2], $0x80, $0x38;
	[tilespmem:$0xA00] =	vst v63  }
0x3b2: {  	s29 =	sadd.s32 $0x1770, s13;
	s28 =	sor.u32 $0x700, s14  }
0x3b3: {  	[hbm4b:s29+s3] =	stream.linear.scatter [tilespmem:s28], [sflag:$0x2], $0x80, $0x38;
	[tilespmem:$0xA00] =	vst v63  }
0x3b4: {  	s31 =	sadd.s32 $0x17B0, s13;
	s30 =	sadd.s32 $0x800, s14  }
0x3b5: {  	[hbm4b:s31+s3] =	stream.linear.scatter [tilespmem:s30], [sflag:$0x2], $0x80, $0x38;
	[tilespmem:$0xA00] =	vst v63  }
0x3b6: {  	s16 =	sadd.s32 $0x17F0, s13;
	s14 =	sadd.s32 $0x900, s14  }
0x3b7: {  	[hbm4b:s16+s3] =	stream.linear.scatter [tilespmem:s14], [sflag:$0x2], $0x80, $0x38;
	[tilespmem:$0xA00] =	vst v63  }
0x3b8: {  	v63 =	vld [tilespmem:s11+$0x10];
	_ =	sdelay $0x4  }
0x3b9: {  	(v2sf) =	vpush v63, $0x0;
	_ =	sdelay $0xe  }
0x3ba: {  	s17 =	spop (v2sf)  }
0x3bb: {  	s18 =	sshll.u32 s17, $0xA;
	s14 =	sshll.u32 s17, $0x7  }
0x3bc: {  	s15 =	sand.u32 $0xFFFFF800, s18;
	s14 =	sand.u32 $0x80, s14  }
0x3bd: {  	(v2sf) =	vpush v63, $0x1;
	s14 =	sor.u32 s14, s15  }
0x3be: {  	s19 =	sadd.s32 $0x1800, s13;
	s20 =	sor.u32 $0x200, s14  }
0x3bf: {  	[hbm4b:s19+s3] =	stream.linear.scatter [tilespmem:s20], [sflag:$0x2], $0x80, $0x38;
	[tilespmem:$0xA00] =	vst v63  }
0x3c0: {  	s22 =	sadd.s32 $0x1840, s13;
	s21 =	sor.u32 $0x300, s14  }
0x3c1: {  	[hbm4b:s22+s3] =	stream.linear.scatter [tilespmem:s21], [sflag:$0x2], $0x80, $0x38;
	[tilespmem:$0xA00] =	vst v63  }
0x3c2: {  	s24 =	sadd.s32 $0x1880, s13;
	s23 =	sor.u32 $0x400, s14  }
0x3c3: {  	[hbm4b:s24+s3] =	stream.linear.scatter [tilespmem:s23], [sflag:$0x2], $0x80, $0x38;
	[tilespmem:$0xA00] =	vst v63  }
0x3c4: {  	s26 =	sadd.s32 $0x18C0, s13;
	s25 =	sor.u32 $0x500, s14  }
0x3c5: {  	[hbm4b:s26+s3] =	stream.linear.scatter [tilespmem:s25], [sflag:$0x2], $0x80, $0x38;
	[tilespmem:$0xA00] =	vst v63  }
0x3c6: {  	s29 =	sadd.s32 $0x1900, s13;
	s28 =	sor.u32 $0x600, s14  }
0x3c7: {  	[hbm4b:s29+s3] =	stream.linear.scatter [tilespmem:s28], [sflag:$0x2], $0x80, $0x38;
	[tilespmem:$0xA00] =	vst v63  }
0x3c8: {  	s31 =	sadd.s32 $0x1940, s13;
	s30 =	sor.u32 $0x700, s14  }
0x3c9: {  	[hbm4b:s31+s3] =	stream.linear.scatter [tilespmem:s30], [sflag:$0x2], $0x80, $0x38;
	[tilespmem:$0xA00] =	vst v63  }
0x3ca: {  	s17 =	sadd.s32 $0x1980, s13;
	s16 =	sadd.s32 $0x800, s14  }
0x3cb: {  	[hbm4b:s17+s3] =	stream.linear.scatter [tilespmem:s16], [sflag:$0x2], $0x80, $0x38;
	[tilespmem:$0xA00] =	vst v63  }
0x3cc: {  	s18 =	sadd.s32 $0x19C0, s13;
	s14 =	sadd.s32 $0x900, s14;
	s19 =	spop (v2sf)  }
0x3cd: {  	[hbm4b:s18+s3] =	stream.linear.scatter [tilespmem:s14], [sflag:$0x2], $0x80, $0x38;
	[tilespmem:$0xA00] =	vst v63  }
0x3ce: {  	s20 =	sshll.u32 s19, $0xA;
	s14 =	sshll.u32 s19, $0x7  }
0x3cf: {  	s15 =	sand.u32 $0xFFFFF800, s20;
	s14 =	sand.u32 $0x80, s14  }
0x3d0: {  	(v2sf) =	vpush v63, $0x2;
	s14 =	sor.u32 s14, s15  }
0x3d1: {  	s21 =	sadd.s32 $0x1810, s13;
	s22 =	sor.u32 $0x200, s14  }
0x3d2: {  	[hbm4b:s21+s3] =	stream.linear.scatter [tilespmem:s22], [sflag:$0x2], $0x80, $0x38;
	[tilespmem:$0xA00] =	vst v63  }
0x3d3: {  	s24 =	sadd.s32 $0x1850, s13;
	s23 =	sor.u32 $0x300, s14  }
0x3d4: {  	[hbm4b:s24+s3] =	stream.linear.scatter [tilespmem:s23], [sflag:$0x2], $0x80, $0x38;
	[tilespmem:$0xA00] =	vst v63  }
0x3d5: {  	s26 =	sadd.s32 $0x1890, s13;
	s25 =	sor.u32 $0x400, s14  }
0x3d6: {  	[hbm4b:s26+s3] =	stream.linear.scatter [tilespmem:s25], [sflag:$0x2], $0x80, $0x38;
	[tilespmem:$0xA00] =	vst v63  }
0x3d7: {  	s29 =	sadd.s32 $0x18D0, s13;
	s28 =	sor.u32 $0x500, s14  }
0x3d8: {  	[hbm4b:s29+s3] =	stream.linear.scatter [tilespmem:s28], [sflag:$0x2], $0x80, $0x38;
	[tilespmem:$0xA00] =	vst v63  }
0x3d9: {  	s31 =	sadd.s32 $0x1910, s13;
	s30 =	sor.u32 $0x600, s14  }
0x3da: {  	[hbm4b:s31+s3] =	stream.linear.scatter [tilespmem:s30], [sflag:$0x2], $0x80, $0x38;
	[tilespmem:$0xA00] =	vst v63  }
0x3db: {  	s17 =	sadd.s32 $0x1950, s13;
	s16 =	sor.u32 $0x700, s14  }
0x3dc: {  	[hbm4b:s17+s3] =	stream.linear.scatter [tilespmem:s16], [sflag:$0x2], $0x80, $0x38;
	[tilespmem:$0xA00] =	vst v63  }
0x3dd: {  	s19 =	sadd.s32 $0x1990, s13;
	s18 =	sadd.s32 $0x800, s14  }
0x3de: {  	[hbm4b:s19+s3] =	stream.linear.scatter [tilespmem:s18], [sflag:$0x2], $0x80, $0x38;
	[tilespmem:$0xA00] =	vst v63  }
0x3df: {  	s20 =	sadd.s32 $0x19D0, s13;
	s14 =	sadd.s32 $0x900, s14;
	s21 =	spop (v2sf)  }
0x3e0: {  	[hbm4b:s20+s3] =	stream.linear.scatter [tilespmem:s14], [sflag:$0x2], $0x80, $0x38;
	[tilespmem:$0xA00] =	vst v63  }
0x3e1: {  	s22 =	sshll.u32 s21, $0xA;
	s14 =	sshll.u32 s21, $0x7  }
0x3e2: {  	s15 =	sand.u32 $0xFFFFF800, s22;
	s14 =	sand.u32 $0x80, s14  }
0x3e3: {  	(v2sf) =	vpush v63, $0x3;
	s14 =	sor.u32 s14, s15  }
0x3e4: {  	s23 =	sadd.s32 $0x1820, s13;
	s24 =	sor.u32 $0x200, s14  }
0x3e5: {  	[hbm4b:s23+s3] =	stream.linear.scatter [tilespmem:s24], [sflag:$0x2], $0x80, $0x38;
	[tilespmem:$0xA00] =	vst v63  }
0x3e6: {  	s26 =	sadd.s32 $0x1860, s13;
	s25 =	sor.u32 $0x300, s14  }
0x3e7: {  	[hbm4b:s26+s3] =	stream.linear.scatter [tilespmem:s25], [sflag:$0x2], $0x80, $0x38;
	[tilespmem:$0xA00] =	vst v63  }
0x3e8: {  	s29 =	sadd.s32 $0x18A0, s13;
	s28 =	sor.u32 $0x400, s14  }
0x3e9: {  	[hbm4b:s29+s3] =	stream.linear.scatter [tilespmem:s28], [sflag:$0x2], $0x80, $0x38;
	[tilespmem:$0xA00] =	vst v63  }
0x3ea: {  	s31 =	sadd.s32 $0x18E0, s13;
	s30 =	sor.u32 $0x500, s14  }
0x3eb: {  	[hbm4b:s31+s3] =	stream.linear.scatter [tilespmem:s30], [sflag:$0x2], $0x80, $0x38;
	[tilespmem:$0xA00] =	vst v63  }
0x3ec: {  	s17 =	sadd.s32 $0x1920, s13;
	s16 =	sor.u32 $0x600, s14  }
0x3ed: {  	[hbm4b:s17+s3] =	stream.linear.scatter [tilespmem:s16], [sflag:$0x2], $0x80, $0x38;
	[tilespmem:$0xA00] =	vst v63  }
0x3ee: {  	s19 =	sadd.s32 $0x1960, s13;
	s18 =	sor.u32 $0x700, s14  }
0x3ef: {  	[hbm4b:s19+s3] =	stream.linear.scatter [tilespmem:s18], [sflag:$0x2], $0x80, $0x38;
	[tilespmem:$0xA00] =	vst v63  }
0x3f0: {  	s21 =	sadd.s32 $0x19A0, s13;
	s20 =	sadd.s32 $0x800, s14  }
0x3f1: {  	[hbm4b:s21+s3] =	stream.linear.scatter [tilespmem:s20], [sflag:$0x2], $0x80, $0x38;
	[tilespmem:$0xA00] =	vst v63  }
0x3f2: {  	s22 =	sadd.s32 $0x19E0, s13;
	s14 =	sadd.s32 $0x900, s14;
	s23 =	spop (v2sf)  }
0x3f3: {  	[hbm4b:s22+s3] =	stream.linear.scatter [tilespmem:s14], [sflag:$0x2], $0x80, $0x38;
	[tilespmem:$0xA00] =	vst v63  }
0x3f4: {  	s24 =	sshll.u32 s23, $0xA;
	s14 =	sshll.u32 s23, $0x7  }
0x3f5: {  	s15 =	sand.u32 $0xFFFFF800, s24;
	s14 =	sand.u32 $0x80, s14  }
0x3f6: {  	(v2sf) =	vpush v63, $0x4;
	s14 =	sor.u32 s14, s15  }
0x3f7: {  	s25 =	sadd.s32 $0x1830, s13;
	s26 =	sor.u32 $0x200, s14  }
0x3f8: {  	[hbm4b:s25+s3] =	stream.linear.scatter [tilespmem:s26], [sflag:$0x2], $0x80, $0x38;
	[tilespmem:$0xA00] =	vst v63  }
0x3f9: {  	s29 =	sadd.s32 $0x1870, s13;
	s28 =	sor.u32 $0x300, s14  }
0x3fa: {  	[hbm4b:s29+s3] =	stream.linear.scatter [tilespmem:s28], [sflag:$0x2], $0x80, $0x38;
	[tilespmem:$0xA00] =	vst v63  }
0x3fb: {  	s31 =	sadd.s32 $0x18B0, s13;
	s30 =	sor.u32 $0x400, s14  }
0x3fc: {  	[hbm4b:s31+s3] =	stream.linear.scatter [tilespmem:s30], [sflag:$0x2], $0x80, $0x38;
	[tilespmem:$0xA00] =	vst v63  }
0x3fd: {  	s17 =	sadd.s32 $0x18F0, s13;
	s16 =	sor.u32 $0x500, s14  }
0x3fe: {  	[hbm4b:s17+s3] =	stream.linear.scatter [tilespmem:s16], [sflag:$0x2], $0x80, $0x38;
	[tilespmem:$0xA00] =	vst v63  }
0x3ff: {  	s19 =	sadd.s32 $0x1930, s13;
	s18 =	sor.u32 $0x600, s14  }
0x400: {  	[hbm4b:s19+s3] =	stream.linear.scatter [tilespmem:s18], [sflag:$0x2], $0x80, $0x38;
	[tilespmem:$0xA00] =	vst v63  }
0x401: {  	s21 =	sadd.s32 $0x1970, s13;
	s20 =	sor.u32 $0x700, s14  }
0x402: {  	[hbm4b:s21+s3] =	stream.linear.scatter [tilespmem:s20], [sflag:$0x2], $0x80, $0x38;
	[tilespmem:$0xA00] =	vst v63  }
0x403: {  	s23 =	sadd.s32 $0x19B0, s13;
	s22 =	sadd.s32 $0x800, s14  }
0x404: {  	[hbm4b:s23+s3] =	stream.linear.scatter [tilespmem:s22], [sflag:$0x2], $0x80, $0x38;
	[tilespmem:$0xA00] =	vst v63  }
0x405: {  	s24 =	sadd.s32 $0x19F0, s13;
	s14 =	sadd.s32 $0x900, s14;
	s25 =	spop (v2sf)  }
0x406: {  	[hbm4b:s24+s3] =	stream.linear.scatter [tilespmem:s14], [sflag:$0x2], $0x80, $0x38;
	[tilespmem:$0xA00] =	vst v63  }
0x407: {  	s26 =	sshll.u32 s25, $0xA;
	s14 =	sshll.u32 s25, $0x7  }
0x408: {  	s15 =	sand.u32 $0xFFFFF800, s26;
	s14 =	sand.u32 $0x80, s14  }
0x409: {  	(v2sf) =	vpush v63, $0x5;
	s14 =	sor.u32 s14, s15  }
0x40a: {  	s28 =	sadd.s32 $0x1A00, s13;
	s29 =	sor.u32 $0x200, s14  }
0x40b: {  	[hbm4b:s28+s3] =	stream.linear.scatter [tilespmem:s29], [sflag:$0x2], $0x80, $0x38;
	[tilespmem:$0xA00] =	vst v63  }
0x40c: {  	s31 =	sadd.s32 $0x1A40, s13;
	s30 =	sor.u32 $0x300, s14  }
0x40d: {  	[hbm4b:s31+s3] =	stream.linear.scatter [tilespmem:s30], [sflag:$0x2], $0x80, $0x38;
	[tilespmem:$0xA00] =	vst v63  }
0x40e: {  	s17 =	sadd.s32 $0x1A80, s13;
	s16 =	sor.u32 $0x400, s14  }
0x40f: {  	[hbm4b:s17+s3] =	stream.linear.scatter [tilespmem:s16], [sflag:$0x2], $0x80, $0x38;
	[tilespmem:$0xA00] =	vst v63  }
0x410: {  	s19 =	sadd.s32 $0x1AC0, s13;
	s18 =	sor.u32 $0x500, s14  }
0x411: {  	[hbm4b:s19+s3] =	stream.linear.scatter [tilespmem:s18], [sflag:$0x2], $0x80, $0x38;
	[tilespmem:$0xA00] =	vst v63  }
0x412: {  	s21 =	sadd.s32 $0x1B00, s13;
	s20 =	sor.u32 $0x600, s14  }
0x413: {  	[hbm4b:s21+s3] =	stream.linear.scatter [tilespmem:s20], [sflag:$0x2], $0x80, $0x38;
	[tilespmem:$0xA00] =	vst v63  }
0x414: {  	s23 =	sadd.s32 $0x1B40, s13;
	s22 =	sor.u32 $0x700, s14  }
0x415: {  	[hbm4b:s23+s3] =	stream.linear.scatter [tilespmem:s22], [sflag:$0x2], $0x80, $0x38;
	[tilespmem:$0xA00] =	vst v63  }
0x416: {  	s25 =	sadd.s32 $0x1B80, s13;
	s24 =	sadd.s32 $0x800, s14  }
0x417: {  	[hbm4b:s25+s3] =	stream.linear.scatter [tilespmem:s24], [sflag:$0x2], $0x80, $0x38;
	[tilespmem:$0xA00] =	vst v63  }
0x418: {  	s26 =	sadd.s32 $0x1BC0, s13;
	s14 =	sadd.s32 $0x900, s14;
	s28 =	spop (v2sf)  }
0x419: {  	[hbm4b:s26+s3] =	stream.linear.scatter [tilespmem:s14], [sflag:$0x2], $0x80, $0x38;
	[tilespmem:$0xA00] =	vst v63  }
0x41a: {  	s29 =	sshll.u32 s28, $0xA;
	s14 =	sshll.u32 s28, $0x7  }
0x41b: {  	s15 =	sand.u32 $0xFFFFF800, s29;
	s14 =	sand.u32 $0x80, s14  }
0x41c: {  	(v2sf) =	vpush v63, $0x6;
	s14 =	sor.u32 s14, s15  }
0x41d: {  	s30 =	sadd.s32 $0x1A10, s13;
	s31 =	sor.u32 $0x200, s14  }
0x41e: {  	[hbm4b:s30+s3] =	stream.linear.scatter [tilespmem:s31], [sflag:$0x2], $0x80, $0x38;
	[tilespmem:$0xA00] =	vst v63  }
0x41f: {  	s17 =	sadd.s32 $0x1A50, s13;
	s16 =	sor.u32 $0x300, s14  }
0x420: {  	[hbm4b:s17+s3] =	stream.linear.scatter [tilespmem:s16], [sflag:$0x2], $0x80, $0x38;
	[tilespmem:$0xA00] =	vst v63  }
0x421: {  	s19 =	sadd.s32 $0x1A90, s13;
	s18 =	sor.u32 $0x400, s14  }
0x422: {  	[hbm4b:s19+s3] =	stream.linear.scatter [tilespmem:s18], [sflag:$0x2], $0x80, $0x38;
	[tilespmem:$0xA00] =	vst v63  }
0x423: {  	s21 =	sadd.s32 $0x1AD0, s13;
	s20 =	sor.u32 $0x500, s14  }
0x424: {  	[hbm4b:s21+s3] =	stream.linear.scatter [tilespmem:s20], [sflag:$0x2], $0x80, $0x38;
	[tilespmem:$0xA00] =	vst v63  }
0x425: {  	s23 =	sadd.s32 $0x1B10, s13;
	s22 =	sor.u32 $0x600, s14  }
0x426: {  	[hbm4b:s23+s3] =	stream.linear.scatter [tilespmem:s22], [sflag:$0x2], $0x80, $0x38;
	[tilespmem:$0xA00] =	vst v63  }
0x427: {  	s25 =	sadd.s32 $0x1B50, s13;
	s24 =	sor.u32 $0x700, s14  }
0x428: {  	[hbm4b:s25+s3] =	stream.linear.scatter [tilespmem:s24], [sflag:$0x2], $0x80, $0x38;
	[tilespmem:$0xA00] =	vst v63  }
0x429: {  	s28 =	sadd.s32 $0x1B90, s13;
	s26 =	sadd.s32 $0x800, s14  }
0x42a: {  	[hbm4b:s28+s3] =	stream.linear.scatter [tilespmem:s26], [sflag:$0x2], $0x80, $0x38;
	[tilespmem:$0xA00] =	vst v63  }
0x42b: {  	s29 =	sadd.s32 $0x1BD0, s13;
	s14 =	sadd.s32 $0x900, s14;
	s30 =	spop (v2sf)  }
0x42c: {  	[hbm4b:s29+s3] =	stream.linear.scatter [tilespmem:s14], [sflag:$0x2], $0x80, $0x38;
	[tilespmem:$0xA00] =	vst v63  }
0x42d: {  	s31 =	sshll.u32 s30, $0xA;
	s14 =	sshll.u32 s30, $0x7  }
0x42e: {  	s15 =	sand.u32 $0xFFFFF800, s31;
	s14 =	sand.u32 $0x80, s14  }
0x42f: {  	(v2sf) =	vpush v63, $0x7;
	s14 =	sor.u32 s14, s15  }
0x430: {  	s16 =	sadd.s32 $0x1A20, s13;
	s17 =	sor.u32 $0x200, s14  }
0x431: {  	[hbm4b:s16+s3] =	stream.linear.scatter [tilespmem:s17], [sflag:$0x2], $0x80, $0x38;
	[tilespmem:$0xA00] =	vst v63  }
0x432: {  	s19 =	sadd.s32 $0x1A60, s13;
	s18 =	sor.u32 $0x300, s14  }
0x433: {  	[hbm4b:s19+s3] =	stream.linear.scatter [tilespmem:s18], [sflag:$0x2], $0x80, $0x38;
	[tilespmem:$0xA00] =	vst v63  }
0x434: {  	s21 =	sadd.s32 $0x1AA0, s13;
	s20 =	sor.u32 $0x400, s14  }
0x435: {  	[hbm4b:s21+s3] =	stream.linear.scatter [tilespmem:s20], [sflag:$0x2], $0x80, $0x38;
	[tilespmem:$0xA00] =	vst v63  }
0x436: {  	s23 =	sadd.s32 $0x1AE0, s13;
	s22 =	sor.u32 $0x500, s14  }
0x437: {  	[hbm4b:s23+s3] =	stream.linear.scatter [tilespmem:s22], [sflag:$0x2], $0x80, $0x38;
	[tilespmem:$0xA00] =	vst v63  }
0x438: {  	s25 =	sadd.s32 $0x1B20, s13;
	s24 =	sor.u32 $0x600, s14  }
0x439: {  	[hbm4b:s25+s3] =	stream.linear.scatter [tilespmem:s24], [sflag:$0x2], $0x80, $0x38;
	[tilespmem:$0xA00] =	vst v63  }
0x43a: {  	s28 =	sadd.s32 $0x1B60, s13;
	s26 =	sor.u32 $0x700, s14  }
0x43b: {  	[hbm4b:s28+s3] =	stream.linear.scatter [tilespmem:s26], [sflag:$0x2], $0x80, $0x38;
	[tilespmem:$0xA00] =	vst v63  }
0x43c: {  	s30 =	sadd.s32 $0x1BA0, s13;
	s29 =	sadd.s32 $0x800, s14  }
0x43d: {  	[hbm4b:s30+s3] =	stream.linear.scatter [tilespmem:s29], [sflag:$0x2], $0x80, $0x38;
	[tilespmem:$0xA00] =	vst v63  }
0x43e: {  	s31 =	sadd.s32 $0x1BE0, s13;
	s15 =	spop (v2sf);
	s14 =	sadd.s32 $0x900, s14  }
0x43f: {  	[hbm4b:s31+s3] =	stream.linear.scatter [tilespmem:s14], [sflag:$0x2], $0x80, $0x38;
	[tilespmem:$0xA00] =	vst v63  }
0x440: {  	s16 =	sshll.u32 s15, $0xA;
	s14 =	sshll.u32 s15, $0x7  }
0x441: {  	s15 =	sand.u32 $0xFFFFF800, s16;
	s14 =	sand.u32 $0x80, s14  }
0x442: {  	(v2sf) =	vpush v63, $0x8;
	s14 =	sor.u32 s14, s15  }
0x443: {  	s17 =	sadd.s32 $0x1A30, s13;
	s18 =	sor.u32 $0x200, s14  }
0x444: {  	[hbm4b:s17+s3] =	stream.linear.scatter [tilespmem:s18], [sflag:$0x2], $0x80, $0x38;
	[tilespmem:$0xA00] =	vst v63  }
0x445: {  	s20 =	sadd.s32 $0x1A70, s13;
	s19 =	sor.u32 $0x300, s14  }
0x446: {  	[hbm4b:s20+s3] =	stream.linear.scatter [tilespmem:s19], [sflag:$0x2], $0x80, $0x38;
	[tilespmem:$0xA00] =	vst v63  }
0x447: {  	s22 =	sadd.s32 $0x1AB0, s13;
	s21 =	sor.u32 $0x400, s14  }
0x448: {  	[hbm4b:s22+s3] =	stream.linear.scatter [tilespmem:s21], [sflag:$0x2], $0x80, $0x38;
	[tilespmem:$0xA00] =	vst v63  }
0x449: {  	s24 =	sadd.s32 $0x1AF0, s13;
	s23 =	sor.u32 $0x500, s14  }
0x44a: {  	[hbm4b:s24+s3] =	stream.linear.scatter [tilespmem:s23], [sflag:$0x2], $0x80, $0x38;
	[tilespmem:$0xA00] =	vst v63  }
0x44b: {  	s26 =	sadd.s32 $0x1B30, s13;
	s25 =	sor.u32 $0x600, s14  }
0x44c: {  	[hbm4b:s26+s3] =	stream.linear.scatter [tilespmem:s25], [sflag:$0x2], $0x80, $0x38;
	[tilespmem:$0xA00] =	vst v63  }
0x44d: {  	s29 =	sadd.s32 $0x1B70, s13;
	s28 =	sor.u32 $0x700, s14  }
0x44e: {  	[hbm4b:s29+s3] =	stream.linear.scatter [tilespmem:s28], [sflag:$0x2], $0x80, $0x38;
	[tilespmem:$0xA00] =	vst v63  }
0x44f: {  	s31 =	sadd.s32 $0x1BB0, s13;
	s30 =	sadd.s32 $0x800, s14  }
0x450: {  	[hbm4b:s31+s3] =	stream.linear.scatter [tilespmem:s30], [sflag:$0x2], $0x80, $0x38;
	[tilespmem:$0xA00] =	vst v63  }
0x451: {  	s16 =	sadd.s32 $0x1BF0, s13;
	s14 =	sadd.s32 $0x900, s14;
	s17 =	spop (v2sf)  }
0x452: {  	[hbm4b:s16+s3] =	stream.linear.scatter [tilespmem:s14], [sflag:$0x2], $0x80, $0x38;
	[tilespmem:$0xA00] =	vst v63  }
0x453: {  	s18 =	sshll.u32 s17, $0xA;
	s14 =	sshll.u32 s17, $0x7  }
0x454: {  	s15 =	sand.u32 $0xFFFFF800, s18;
	s14 =	sand.u32 $0x80, s14  }
0x455: {  	(v2sf) =	vpush v63, $0x9;
	s14 =	sor.u32 s14, s15  }
0x456: {  	s19 =	sadd.s32 $0x1C00, s13;
	s20 =	sor.u32 $0x200, s14  }
0x457: {  	[hbm4b:s19+s3] =	stream.linear.scatter [tilespmem:s20], [sflag:$0x2], $0x80, $0x38;
	[tilespmem:$0xA00] =	vst v63  }
0x458: {  	s22 =	sadd.s32 $0x1C40, s13;
	s21 =	sor.u32 $0x300, s14  }
0x459: {  	[hbm4b:s22+s3] =	stream.linear.scatter [tilespmem:s21], [sflag:$0x2], $0x80, $0x38;
	[tilespmem:$0xA00] =	vst v63  }
0x45a: {  	s24 =	sadd.s32 $0x1C80, s13;
	s23 =	sor.u32 $0x400, s14  }
0x45b: {  	[hbm4b:s24+s3] =	stream.linear.scatter [tilespmem:s23], [sflag:$0x2], $0x80, $0x38;
	[tilespmem:$0xA00] =	vst v63  }
0x45c: {  	s26 =	sadd.s32 $0x1CC0, s13;
	s25 =	sor.u32 $0x500, s14  }
0x45d: {  	[hbm4b:s26+s3] =	stream.linear.scatter [tilespmem:s25], [sflag:$0x2], $0x80, $0x38;
	[tilespmem:$0xA00] =	vst v63  }
0x45e: {  	s29 =	sadd.s32 $0x1D00, s13;
	s28 =	sor.u32 $0x600, s14  }
0x45f: {  	[hbm4b:s29+s3] =	stream.linear.scatter [tilespmem:s28], [sflag:$0x2], $0x80, $0x38;
	[tilespmem:$0xA00] =	vst v63  }
0x460: {  	s31 =	sadd.s32 $0x1D40, s13;
	s30 =	sor.u32 $0x700, s14  }
0x461: {  	[hbm4b:s31+s3] =	stream.linear.scatter [tilespmem:s30], [sflag:$0x2], $0x80, $0x38;
	[tilespmem:$0xA00] =	vst v63  }
0x462: {  	s17 =	sadd.s32 $0x1D80, s13;
	s16 =	sadd.s32 $0x800, s14  }
0x463: {  	[hbm4b:s17+s3] =	stream.linear.scatter [tilespmem:s16], [sflag:$0x2], $0x80, $0x38;
	[tilespmem:$0xA00] =	vst v63  }
0x464: {  	s18 =	sadd.s32 $0x1DC0, s13;
	s14 =	sadd.s32 $0x900, s14;
	s19 =	spop (v2sf)  }
0x465: {  	[hbm4b:s18+s3] =	stream.linear.scatter [tilespmem:s14], [sflag:$0x2], $0x80, $0x38;
	[tilespmem:$0xA00] =	vst v63  }
0x466: {  	s20 =	sshll.u32 s19, $0xA;
	s14 =	sshll.u32 s19, $0x7  }
0x467: {  	s15 =	sand.u32 $0xFFFFF800, s20;
	s14 =	sand.u32 $0x80, s14  }
0x468: {  	(v2sf) =	vpush v63, $0xA;
	s14 =	sor.u32 s14, s15  }
0x469: {  	s21 =	sadd.s32 $0x1C10, s13;
	s22 =	sor.u32 $0x200, s14  }
0x46a: {  	[hbm4b:s21+s3] =	stream.linear.scatter [tilespmem:s22], [sflag:$0x2], $0x80, $0x38;
	[tilespmem:$0xA00] =	vst v63  }
0x46b: {  	s24 =	sadd.s32 $0x1C50, s13;
	s23 =	sor.u32 $0x300, s14  }
0x46c: {  	[hbm4b:s24+s3] =	stream.linear.scatter [tilespmem:s23], [sflag:$0x2], $0x80, $0x38;
	[tilespmem:$0xA00] =	vst v63  }
0x46d: {  	s26 =	sadd.s32 $0x1C90, s13;
	s25 =	sor.u32 $0x400, s14  }
0x46e: {  	[hbm4b:s26+s3] =	stream.linear.scatter [tilespmem:s25], [sflag:$0x2], $0x80, $0x38;
	[tilespmem:$0xA00] =	vst v63  }
0x46f: {  	s29 =	sadd.s32 $0x1CD0, s13;
	s28 =	sor.u32 $0x500, s14  }
0x470: {  	[hbm4b:s29+s3] =	stream.linear.scatter [tilespmem:s28], [sflag:$0x2], $0x80, $0x38;
	[tilespmem:$0xA00] =	vst v63  }
0x471: {  	s31 =	sadd.s32 $0x1D10, s13;
	s30 =	sor.u32 $0x600, s14  }
0x472: {  	[hbm4b:s31+s3] =	stream.linear.scatter [tilespmem:s30], [sflag:$0x2], $0x80, $0x38;
	[tilespmem:$0xA00] =	vst v63  }
0x473: {  	s17 =	sadd.s32 $0x1D50, s13;
	s16 =	sor.u32 $0x700, s14  }
0x474: {  	[hbm4b:s17+s3] =	stream.linear.scatter [tilespmem:s16], [sflag:$0x2], $0x80, $0x38;
	[tilespmem:$0xA00] =	vst v63  }
0x475: {  	s19 =	sadd.s32 $0x1D90, s13;
	s18 =	sadd.s32 $0x800, s14  }
0x476: {  	[hbm4b:s19+s3] =	stream.linear.scatter [tilespmem:s18], [sflag:$0x2], $0x80, $0x38;
	[tilespmem:$0xA00] =	vst v63  }
0x477: {  	s20 =	sadd.s32 $0x1DD0, s13;
	s14 =	sadd.s32 $0x900, s14;
	s21 =	spop (v2sf)  }
0x478: {  	[hbm4b:s20+s3] =	stream.linear.scatter [tilespmem:s14], [sflag:$0x2], $0x80, $0x38;
	[tilespmem:$0xA00] =	vst v63  }
0x479: {  	s22 =	sshll.u32 s21, $0xA;
	s14 =	sshll.u32 s21, $0x7  }
0x47a: {  	s15 =	sand.u32 $0xFFFFF800, s22;
	s14 =	sand.u32 $0x80, s14  }
0x47b: {  	(v2sf) =	vpush v63, $0xB;
	s14 =	sor.u32 s14, s15  }
0x47c: {  	s23 =	sadd.s32 $0x1C20, s13;
	s24 =	sor.u32 $0x200, s14  }
0x47d: {  	[hbm4b:s23+s3] =	stream.linear.scatter [tilespmem:s24], [sflag:$0x2], $0x80, $0x38;
	[tilespmem:$0xA00] =	vst v63  }
0x47e: {  	s26 =	sadd.s32 $0x1C60, s13;
	s25 =	sor.u32 $0x300, s14  }
0x47f: {  	[hbm4b:s26+s3] =	stream.linear.scatter [tilespmem:s25], [sflag:$0x2], $0x80, $0x38;
	[tilespmem:$0xA00] =	vst v63  }
0x480: {  	s29 =	sadd.s32 $0x1CA0, s13;
	s28 =	sor.u32 $0x400, s14  }
0x481: {  	[hbm4b:s29+s3] =	stream.linear.scatter [tilespmem:s28], [sflag:$0x2], $0x80, $0x38;
	[tilespmem:$0xA00] =	vst v63  }
0x482: {  	s31 =	sadd.s32 $0x1CE0, s13;
	s30 =	sor.u32 $0x500, s14  }
0x483: {  	[hbm4b:s31+s3] =	stream.linear.scatter [tilespmem:s30], [sflag:$0x2], $0x80, $0x38;
	[tilespmem:$0xA00] =	vst v63  }
0x484: {  	s17 =	sadd.s32 $0x1D20, s13;
	s16 =	sor.u32 $0x600, s14  }
0x485: {  	[hbm4b:s17+s3] =	stream.linear.scatter [tilespmem:s16], [sflag:$0x2], $0x80, $0x38;
	[tilespmem:$0xA00] =	vst v63  }
0x486: {  	s19 =	sadd.s32 $0x1D60, s13;
	s18 =	sor.u32 $0x700, s14  }
0x487: {  	[hbm4b:s19+s3] =	stream.linear.scatter [tilespmem:s18], [sflag:$0x2], $0x80, $0x38;
	[tilespmem:$0xA00] =	vst v63  }
0x488: {  	s21 =	sadd.s32 $0x1DA0, s13;
	s20 =	sadd.s32 $0x800, s14  }
0x489: {  	[hbm4b:s21+s3] =	stream.linear.scatter [tilespmem:s20], [sflag:$0x2], $0x80, $0x38;
	[tilespmem:$0xA00] =	vst v63  }
0x48a: {  	s22 =	sadd.s32 $0x1DE0, s13;
	s14 =	sadd.s32 $0x900, s14;
	s23 =	spop (v2sf)  }
0x48b: {  	[hbm4b:s22+s3] =	stream.linear.scatter [tilespmem:s14], [sflag:$0x2], $0x80, $0x38;
	[tilespmem:$0xA00] =	vst v63  }
0x48c: {  	s24 =	sshll.u32 s23, $0xA;
	s14 =	sshll.u32 s23, $0x7  }
0x48d: {  	s15 =	sand.u32 $0xFFFFF800, s24;
	s14 =	sand.u32 $0x80, s14  }
0x48e: {  	(v2sf) =	vpush v63, $0xC;
	s14 =	sor.u32 s14, s15  }
0x48f: {  	s25 =	sadd.s32 $0x1C30, s13;
	s26 =	sor.u32 $0x200, s14  }
0x490: {  	[hbm4b:s25+s3] =	stream.linear.scatter [tilespmem:s26], [sflag:$0x2], $0x80, $0x38;
	[tilespmem:$0xA00] =	vst v63  }
0x491: {  	s29 =	sadd.s32 $0x1C70, s13;
	s28 =	sor.u32 $0x300, s14  }
0x492: {  	[hbm4b:s29+s3] =	stream.linear.scatter [tilespmem:s28], [sflag:$0x2], $0x80, $0x38;
	[tilespmem:$0xA00] =	vst v63  }
0x493: {  	s31 =	sadd.s32 $0x1CB0, s13;
	s30 =	sor.u32 $0x400, s14  }
0x494: {  	[hbm4b:s31+s3] =	stream.linear.scatter [tilespmem:s30], [sflag:$0x2], $0x80, $0x38;
	[tilespmem:$0xA00] =	vst v63  }
0x495: {  	s17 =	sadd.s32 $0x1CF0, s13;
	s16 =	sor.u32 $0x500, s14  }
0x496: {  	[hbm4b:s17+s3] =	stream.linear.scatter [tilespmem:s16], [sflag:$0x2], $0x80, $0x38;
	[tilespmem:$0xA00] =	vst v63  }
0x497: {  	s19 =	sadd.s32 $0x1D30, s13;
	s18 =	sor.u32 $0x600, s14  }
0x498: {  	[hbm4b:s19+s3] =	stream.linear.scatter [tilespmem:s18], [sflag:$0x2], $0x80, $0x38;
	[tilespmem:$0xA00] =	vst v63  }
0x499: {  	s21 =	sadd.s32 $0x1D70, s13;
	s20 =	sor.u32 $0x700, s14  }
0x49a: {  	[hbm4b:s21+s3] =	stream.linear.scatter [tilespmem:s20], [sflag:$0x2], $0x80, $0x38;
	[tilespmem:$0xA00] =	vst v63  }
0x49b: {  	s23 =	sadd.s32 $0x1DB0, s13;
	s22 =	sadd.s32 $0x800, s14  }
0x49c: {  	[hbm4b:s23+s3] =	stream.linear.scatter [tilespmem:s22], [sflag:$0x2], $0x80, $0x38;
	[tilespmem:$0xA00] =	vst v63  }
0x49d: {  	s24 =	sadd.s32 $0x1DF0, s13;
	s14 =	sadd.s32 $0x900, s14;
	s25 =	spop (v2sf)  }
0x49e: {  	[hbm4b:s24+s3] =	stream.linear.scatter [tilespmem:s14], [sflag:$0x2], $0x80, $0x38;
	[tilespmem:$0xA00] =	vst v63  }
0x49f: {  	s26 =	sshll.u32 s25, $0xA;
	s14 =	sshll.u32 s25, $0x7  }
0x4a0: {  	s15 =	sand.u32 $0xFFFFF800, s26;
	s14 =	sand.u32 $0x80, s14  }
0x4a1: {  	(v2sf) =	vpush v63, $0xD;
	s14 =	sor.u32 s14, s15  }
0x4a2: {  	s28 =	sadd.s32 $0x1E00, s13;
	s29 =	sor.u32 $0x200, s14  }
0x4a3: {  	[hbm4b:s28+s3] =	stream.linear.scatter [tilespmem:s29], [sflag:$0x2], $0x80, $0x38;
	[tilespmem:$0xA00] =	vst v63  }
0x4a4: {  	s31 =	sadd.s32 $0x1E40, s13;
	s30 =	sor.u32 $0x300, s14  }
0x4a5: {  	[hbm4b:s31+s3] =	stream.linear.scatter [tilespmem:s30], [sflag:$0x2], $0x80, $0x38;
	[tilespmem:$0xA00] =	vst v63  }
0x4a6: {  	s17 =	sadd.s32 $0x1E80, s13;
	s16 =	sor.u32 $0x400, s14  }
0x4a7: {  	[hbm4b:s17+s3] =	stream.linear.scatter [tilespmem:s16], [sflag:$0x2], $0x80, $0x38;
	[tilespmem:$0xA00] =	vst v63  }
0x4a8: {  	s19 =	sadd.s32 $0x1EC0, s13;
	s18 =	sor.u32 $0x500, s14  }
0x4a9: {  	[hbm4b:s19+s3] =	stream.linear.scatter [tilespmem:s18], [sflag:$0x2], $0x80, $0x38;
	[tilespmem:$0xA00] =	vst v63  }
0x4aa: {  	s21 =	sadd.s32 $0x1F00, s13;
	s20 =	sor.u32 $0x600, s14  }
0x4ab: {  	[hbm4b:s21+s3] =	stream.linear.scatter [tilespmem:s20], [sflag:$0x2], $0x80, $0x38;
	[tilespmem:$0xA00] =	vst v63  }
0x4ac: {  	s23 =	sadd.s32 $0x1F40, s13;
	s22 =	sor.u32 $0x700, s14  }
0x4ad: {  	[hbm4b:s23+s3] =	stream.linear.scatter [tilespmem:s22], [sflag:$0x2], $0x80, $0x38;
	[tilespmem:$0xA00] =	vst v63  }
0x4ae: {  	s25 =	sadd.s32 $0x1F80, s13;
	s24 =	sadd.s32 $0x800, s14  }
0x4af: {  	[hbm4b:s25+s3] =	stream.linear.scatter [tilespmem:s24], [sflag:$0x2], $0x80, $0x38;
	[tilespmem:$0xA00] =	vst v63  }
0x4b0: {  	s26 =	sadd.s32 $0x1FC0, s13;
	s14 =	sadd.s32 $0x900, s14;
	s28 =	spop (v2sf)  }
0x4b1: {  	[hbm4b:s26+s3] =	stream.linear.scatter [tilespmem:s14], [sflag:$0x2], $0x80, $0x38;
	[tilespmem:$0xA00] =	vst v63  }
0x4b2: {  	s29 =	sshll.u32 s28, $0xA;
	s14 =	sshll.u32 s28, $0x7  }
0x4b3: {  	s15 =	sand.u32 $0xFFFFF800, s29;
	s14 =	sand.u32 $0x80, s14  }
0x4b4: {  	(v2sf) =	vpush v63, $0xE;
	s14 =	sor.u32 s14, s15  }
0x4b5: {  	s30 =	sadd.s32 $0x1E10, s13;
	s31 =	sor.u32 $0x200, s14  }
0x4b6: {  	[hbm4b:s30+s3] =	stream.linear.scatter [tilespmem:s31], [sflag:$0x2], $0x80, $0x38;
	[tilespmem:$0xA00] =	vst v63  }
0x4b7: {  	s17 =	sadd.s32 $0x1E50, s13;
	s16 =	sor.u32 $0x300, s14  }
0x4b8: {  	[hbm4b:s17+s3] =	stream.linear.scatter [tilespmem:s16], [sflag:$0x2], $0x80, $0x38;
	[tilespmem:$0xA00] =	vst v63  }
0x4b9: {  	s19 =	sadd.s32 $0x1E90, s13;
	s18 =	sor.u32 $0x400, s14  }
0x4ba: {  	[hbm4b:s19+s3] =	stream.linear.scatter [tilespmem:s18], [sflag:$0x2], $0x80, $0x38;
	[tilespmem:$0xA00] =	vst v63  }
0x4bb: {  	s21 =	sadd.s32 $0x1ED0, s13;
	s20 =	sor.u32 $0x500, s14  }
0x4bc: {  	[hbm4b:s21+s3] =	stream.linear.scatter [tilespmem:s20], [sflag:$0x2], $0x80, $0x38;
	[tilespmem:$0xA00] =	vst v63  }
0x4bd: {  	s23 =	sadd.s32 $0x1F10, s13;
	s22 =	sor.u32 $0x600, s14  }
0x4be: {  	[hbm4b:s23+s3] =	stream.linear.scatter [tilespmem:s22], [sflag:$0x2], $0x80, $0x38;
	[tilespmem:$0xA00] =	vst v63  }
0x4bf: {  	s25 =	sadd.s32 $0x1F50, s13;
	s24 =	sor.u32 $0x700, s14  }
0x4c0: {  	[hbm4b:s25+s3] =	stream.linear.scatter [tilespmem:s24], [sflag:$0x2], $0x80, $0x38;
	[tilespmem:$0xA00] =	vst v63  }
0x4c1: {  	s28 =	sadd.s32 $0x1F90, s13;
	s26 =	sadd.s32 $0x800, s14  }
0x4c2: {  	[hbm4b:s28+s3] =	stream.linear.scatter [tilespmem:s26], [sflag:$0x2], $0x80, $0x38;
	[tilespmem:$0xA00] =	vst v63  }
0x4c3: {  	s29 =	sadd.s32 $0x1FD0, s13;
	s14 =	sadd.s32 $0x900, s14;
	s30 =	spop (v2sf)  }
0x4c4: {  	[hbm4b:s29+s3] =	stream.linear.scatter [tilespmem:s14], [sflag:$0x2], $0x80, $0x38;
	[tilespmem:$0xA00] =	vst v63  }
0x4c5: {  	s31 =	sshll.u32 s30, $0xA;
	s14 =	sshll.u32 s30, $0x7  }
0x4c6: {  	s15 =	sand.u32 $0xFFFFF800, s31;
	s14 =	sand.u32 $0x80, s14  }
0x4c7: {  	(v2sf) =	vpush v63, $0xF;
	s14 =	sor.u32 s14, s15  }
0x4c8: {  	s16 =	sadd.s32 $0x1E20, s13;
	s17 =	sor.u32 $0x200, s14  }
0x4c9: {  	[hbm4b:s16+s3] =	stream.linear.scatter [tilespmem:s17], [sflag:$0x2], $0x80, $0x38;
	[tilespmem:$0xA00] =	vst v63  }
0x4ca: {  	s19 =	sadd.s32 $0x1E60, s13;
	s18 =	sor.u32 $0x300, s14  }
0x4cb: {  	[hbm4b:s19+s3] =	stream.linear.scatter [tilespmem:s18], [sflag:$0x2], $0x80, $0x38;
	[tilespmem:$0xA00] =	vst v63  }
0x4cc: {  	s21 =	sadd.s32 $0x1EA0, s13;
	s20 =	sor.u32 $0x400, s14  }
0x4cd: {  	[hbm4b:s21+s3] =	stream.linear.scatter [tilespmem:s20], [sflag:$0x2], $0x80, $0x38;
	[tilespmem:$0xA00] =	vst v63  }
0x4ce: {  	s23 =	sadd.s32 $0x1EE0, s13;
	s22 =	sor.u32 $0x500, s14  }
0x4cf: {  	[hbm4b:s23+s3] =	stream.linear.scatter [tilespmem:s22], [sflag:$0x2], $0x80, $0x38;
	[tilespmem:$0xA00] =	vst v63  }
0x4d0: {  	s25 =	sadd.s32 $0x1F20, s13;
	s24 =	sor.u32 $0x600, s14  }
0x4d1: {  	[hbm4b:s25+s3] =	stream.linear.scatter [tilespmem:s24], [sflag:$0x2], $0x80, $0x38;
	[tilespmem:$0xA00] =	vst v63  }
0x4d2: {  	s28 =	sadd.s32 $0x1F60, s13;
	s26 =	sor.u32 $0x700, s14  }
0x4d3: {  	[hbm4b:s28+s3] =	stream.linear.scatter [tilespmem:s26], [sflag:$0x2], $0x80, $0x38;
	[tilespmem:$0xA00] =	vst v63  }
0x4d4: {  	s30 =	sadd.s32 $0x1FA0, s13;
	s29 =	sadd.s32 $0x800, s14  }
0x4d5: {  	[hbm4b:s30+s3] =	stream.linear.scatter [tilespmem:s29], [sflag:$0x2], $0x80, $0x38;
	[tilespmem:$0xA00] =	vst v63  }
0x4d6: {  	s31 =	sadd.s32 $0x1FE0, s13;
	s15 =	spop (v2sf);
	s14 =	sadd.s32 $0x900, s14  }
0x4d7: {  	[hbm4b:s31+s3] =	stream.linear.scatter [tilespmem:s14], [sflag:$0x2], $0x80, $0x38;
	[tilespmem:$0xA00] =	vst v63  }
0x4d8: {  	s16 =	sshll.u32 s15, $0xA;
	s14 =	sshll.u32 s15, $0x7  }
0x4d9: {  	s15 =	sand.u32 $0xFFFFF800, s16;
	s14 =	sand.u32 $0x80, s14  }
0x4da: {  	s14 =	sor.u32 s14, s15  }
0x4db: {  	s17 =	sadd.s32 $0x1E30, s13;
	s18 =	sor.u32 $0x200, s14  }
0x4dc: {  	[hbm4b:s17+s3] =	stream.linear.scatter [tilespmem:s18], [sflag:$0x2], $0x80, $0x38;
	[tilespmem:$0xA00] =	vst v63  }
0x4dd: {  	s20 =	sadd.s32 $0x1E70, s13;
	s19 =	sor.u32 $0x300, s14  }
0x4de: {  	[hbm4b:s20+s3] =	stream.linear.scatter [tilespmem:s19], [sflag:$0x2], $0x80, $0x38;
	[tilespmem:$0xA00] =	vst v63  }
0x4df: {  	s22 =	sadd.s32 $0x1EB0, s13;
	s21 =	sor.u32 $0x400, s14  }
0x4e0: {  	[hbm4b:s22+s3] =	stream.linear.scatter [tilespmem:s21], [sflag:$0x2], $0x80, $0x38;
	[tilespmem:$0xA00] =	vst v63  }
0x4e1: {  	s24 =	sadd.s32 $0x1EF0, s13;
	s23 =	sor.u32 $0x500, s14  }
0x4e2: {  	[hbm4b:s24+s3] =	stream.linear.scatter [tilespmem:s23], [sflag:$0x2], $0x80, $0x38;
	[tilespmem:$0xA00] =	vst v63  }
0x4e3: {  	s12 =	sadd.s32 $0x2000, s12;
	s26 =	sadd.s32 $0x1F30, s13;
	s25 =	sor.u32 $0x600, s14  }
0x4e4: {  	[hbm4b:s26+s3] =	stream.linear.scatter [tilespmem:s25], [sflag:$0x2], $0x80, $0x38;
	[tilespmem:$0xA00] =	vst v63  }
0x4e5: {  	p0 =	sne.s32 s12, $0x10000;
	s29 =	sadd.s32 $0x1F70, s13;
	s28 =	sor.u32 $0x700, s14  }
0x4e6: {  	[hbm4b:s29+s3] =	stream.linear.scatter [tilespmem:s28], [sflag:$0x2], $0x80, $0x38;
	[tilespmem:$0xA00] =	vst v63  }
.Ltmp0:
0x4e7: {  	_ = 	snop;
	(pc) =	sbr.rel @p0 .LBB2_2-.Ltmp0, $4  }
0x4e8: {  	s31 =	sadd.s32 $0x1FB0, s13;
	s30 =	sadd.s32 $0x800, s14  }
0x4e9: {  	[hbm4b:s31+s3] =	stream.linear.scatter [tilespmem:s30], [sflag:$0x2], $0x80, $0x38;
	[tilespmem:$0xA00] =	vst v63  }
0x4ea: {  	s11 =	sadd.s32 $0x40, s11;
	s13 =	sadd.s32 $0x1FF0, s13;
	s14 =	sadd.s32 $0x900, s14  }
0x4eb: {  	[hbm4b:s13+s3] =	stream.linear.scatter [tilespmem:s14], [sflag:$0x2], $0x80, $0x38;
	[tilespmem:$0xA00] =	vst v63  }
0x4ec: {  	s10 =	sadd.s32 $0x1, s10  }
0x4ed: {  	_ =	swait.ge [sflag:s8], $0x8000;
	p0 =	sne.s32 s10, s5  }
.Ltmp1:
0x4ee: {  	[sflag:s8] =	ssyncset.done $0x0;
	(pc) =	sbr.rel @p0 .LBB2_1-.Ltmp1, $4  }
0x4ef: {  	[sflag:s8] =	ssyncadd.s32 $0xFFFF8000  }
0x4f0: {  	_ =	swait.ge [sflag:s9], $0x8000  }
0x4f1: {  	[sflag:s9] =	ssyncset.done $0x0  }
0x4f2: {  	[sflag:s9] =	ssyncadd.s32 $0xFFFF8000  }
0x4f3: {  	_ =	sfence.sel $0x180000  }
0x4f4: {  	[bflag:$0x0] =	sbarrier.arrive $0xFFFF  }
0x4f5: {  	p0 =	sne.s32 s2, $0x0;
	_ =	strace $0x90000047  }
0x4f6: {  	s0 =	sadd.s32 @!p0 $0x100000, s0;
	[bflag:$0x2] =	sbarrier.arrive $0xFFFF  }
0x4f7: {  	[sflag:s0] =	ssyncadd.tile.s32 @!p0 $0x1;
	_ =	shalt  }
.Lfunc_end2:
_tile_overlayer_lowered:
.L_overlay_start_2:
0x4f8: {  	(tag) =	ssettag $0x2  }
0x4f9: {  	s0 =	rddreg [dreg:$0x0];
	s2 =	stileid.u32  }
0x4fa: {  	s1 =	rddreg [dreg:$0x1];
	p0 =	sne.s32 s2, $0x0  }
0x4fb: {  	s3 =	rddreg [dreg:$0x2];
	[bflag:$0x3] =	sbarrier.arrive $0xFFFF;
	s2 =	simm.s32 @!p0 $0x1C03  }
0x4fc: {  	[timem:s3], [sflag:s2] =	dma.local @!p0 [hbm:s0], s1  }
0x4fd: {  	s0 =	simm.s32 @!p0 $0x3  }
0x4fe: {  	_ =	swait.ge @!p0 [sflag:s0], s1  }
0x4ff: {  	s1 =	ssub.s32 @!p0 $0x0, s1;
	[sflag:s0] =	ssyncset.done @!p0 $0x0  }
0x500: {  	[sflag:s0] =	ssyncadd.s32 @!p0 s1  }
0x501: {  	[bflag:$0x3] =	sbarrier.arrive $0xFFFF  }
0x502: {  	_ =	shalt  }

</sc_bundles>
